<compile_context>
chip_gen: v7x
topology: tpu7x:2x2x1
jax: 0.10.2.dev20260603
libtpu: 0.0.44.dev20260713+nightly
codegen_flags: <defaults>
</compile_context>

<pallas_src>
import jax
import jax.numpy as jnp
from jax import lax
from jax.experimental import pallas as pl
from jax.experimental.pallas import tpu as pltpu
from jax.experimental.pallas import tpu_sc as plsc

E = 16384
H = 128
NC = 2
NS = 16
NW = NC * NS
EPW = E // NW
CHUNK = 128
NCH = EPW // CHUNK
L = 16
GPC = CHUNK // L
HC = H // L


def _rsqrt(x):
    i = plsc.bitcast(x, jnp.int32)
    i = jnp.int32(0x5F3759DF) - (i >> 1)
    y = plsc.bitcast(i, jnp.float32)
    for _ in range(2):
        y = y * (1.5 - 0.5 * x * y * y)
    return y


def _body(emb_hbm, ei_hbm, d_hbm, scale_hbm, out_hbm,
          u_idx, v_idx, d_v, scale_v, eu0, ev0, eu1, ev1, eu2, ev2,
          tdot, tsu, tsv, out_v, su0, sv0, su1, sv1, su2, sv2):
    cid = lax.axis_index("c")
    sid = lax.axis_index("s")
    wid = sid * NC + cid
    base = wid * EPW

    pltpu.sync_copy(ei_hbm.at[0, pl.ds(base, EPW)], u_idx)
    pltpu.sync_copy(ei_hbm.at[1, pl.ds(base, EPW)], v_idx)

    eus = [eu0, eu1, eu2]
    evs = [ev0, ev1, ev2]
    sems_u = [su0, su1, su2]
    sems_v = [sv0, sv1, sv2]

    def start(j):
        b = j % 3
        cu = pltpu.async_copy(
            emb_hbm.at[u_idx.at[pl.ds(j * CHUNK, CHUNK)]], eus[b], sems_u[b])
        cv = pltpu.async_copy(
            emb_hbm.at[v_idx.at[pl.ds(j * CHUNK, CHUNK)]], evs[b], sems_v[b])
        return cu, cv

    pends = {0: start(0)}

    pltpu.sync_copy(d_hbm, d_v)
    pltpu.sync_copy(scale_hbm, scale_v)
    zeros16 = jnp.zeros((L,), jnp.int32)
    scv = plsc.load_gather(scale_v, [zeros16])
    dreg = [d_v[pl.ds(c * L, L)] * scv for c in range(HC)]
    tcol = lax.iota(jnp.int32, L) * L
    for j in range(NCH):
        pends[j][0].wait()
        pends[j][1].wait()
        if j + 1 < NCH and (j + 1) not in pends:
            pends[j + 1] = start(j + 1)
        eu = eus[j % 3]
        ev = evs[j % 3]

        def group(g, _):
            @plsc.parallel_loop(0, L)
            def edge(el):
                e = g * L + el
                dot = None
                su = None
                sv = None
                for c in range(HC):
                    a = eu[e, pl.ds(c * L, L)]
                    b = ev[e, pl.ds(c * L, L)]
                    t = a * b
                    if c == 0:
                        dot = t * dreg[c]
                        su = a * a
                        sv = b * b
                    else:
                        dot = dot + t * dreg[c]
                        su = su + a * a
                        sv = sv + b * b
                slot = tcol + el
                plsc.store_scatter(tdot, [slot], dot)
                plsc.store_scatter(tsu, [slot], su)
                plsc.store_scatter(tsv, [slot], sv)

            def colsum(t):
                cols = [t[pl.ds(c * L, L)] for c in range(L)]
                while len(cols) > 1:
                    cols = [cols[i] + cols[i + 1]
                            for i in range(0, len(cols), 2)]
                return cols[0]

            dotv = colsum(tdot)
            suv = colsum(tsu)
            svv = colsum(tsv)
            res = dotv * _rsqrt(suv) * _rsqrt(svv)
            out_v[pl.ds(j * CHUNK + g * L, L)] = res
            return 0

        lax.fori_loop(0, GPC, group, 0)
        if j + 2 < NCH:
            pends[j + 2] = start(j + 2)

    pltpu.sync_copy(out_v, out_hbm.at[pl.ds(base, EPW)])


@jax.jit
def kernel(emb, edge_index, d, scale):
    mesh = plsc.VectorSubcoreMesh(core_axis_name="c", subcore_axis_name="s")
    run = pl.kernel(
        _body,
        mesh=mesh,
        compiler_params=pltpu.CompilerParams(
            needs_layout_passes=False,
            disable_bounds_checks=True,
            disable_semaphore_checks=True,
        ),
        out_type=jax.ShapeDtypeStruct((E,), jnp.float32),
        scratch_types=[
            pltpu.VMEM((EPW,), jnp.int32),
            pltpu.VMEM((EPW,), jnp.int32),
            pltpu.VMEM((H,), jnp.float32),
            pltpu.VMEM((1,), jnp.float32),
            pltpu.VMEM((CHUNK, H), jnp.float32),
            pltpu.VMEM((CHUNK, H), jnp.float32),
            pltpu.VMEM((CHUNK, H), jnp.float32),
            pltpu.VMEM((CHUNK, H), jnp.float32),
            pltpu.VMEM((CHUNK, H), jnp.float32),
            pltpu.VMEM((CHUNK, H), jnp.float32),
            pltpu.VMEM((L * L,), jnp.float32),
            pltpu.VMEM((L * L,), jnp.float32),
            pltpu.VMEM((L * L,), jnp.float32),
            pltpu.VMEM((EPW,), jnp.float32),
            pltpu.SemaphoreType.DMA,
            pltpu.SemaphoreType.DMA,
            pltpu.SemaphoreType.DMA,
            pltpu.SemaphoreType.DMA,
            pltpu.SemaphoreType.DMA,
            pltpu.SemaphoreType.DMA,
        ],
    )
    return run(emb, edge_index.astype(jnp.int32), d.astype(jnp.float32),
               scale.astype(jnp.float32))

# --- scband reference (transcript-rebuilt; emitter-appended) ---
"""Pipeline reference for scband-local-emb-d-1357209665573 (READ-ONLY COPY).

The authoritative reference and input builder live on the scoring server;
editing this copy changes nothing except your own understanding.
"""

import jax, jax.numpy as jnp
import numpy as np

N_NODES = 100000
N_HIDDEN = 128
N_EDGES = 16384

def setup_inputs(seed: int = 0) -> dict:
    key = jax.random.key(seed)
    k1, k2 = jax.random.split(key)
    emb = jax.random.normal(k1, (N_NODES, N_HIDDEN), dtype=jnp.float32)
    edge_index = jax.random.randint(k2, (2, N_EDGES), 0, N_NODES, dtype=jnp.int64)
    # learned parameters per __init__(n_hidden=128)
    d = jnp.ones((N_HIDDEN,), dtype=jnp.float32)
    scale = jnp.full((1,), 1.0, dtype=jnp.float32)
    return {"emb": emb, "edge_index": edge_index, "d": d, "scale": scale}

def reference(emb, edge_index, d, scale):
    # F.normalize(emb, p=2) -> L2 normalize along dim=1 with eps=1e-12 clamp
    norm = jnp.linalg.norm(emb, ord=2, axis=1, keepdims=True)
    emb_n = emb / jnp.maximum(norm, 1e-12)
    u = edge_index[0]
    v = edge_index[1]
    eu = jnp.take(emb_n, u, axis=0)  # gather [E, H]
    ev = jnp.take(emb_n, v, axis=0)  # gather [E, H]
    # euw = emb[u] @ diag(d); pair_dis = euw @ emb[v].T; diag(pair_dis)
    # diag(A @ B.T) == sum(A * B, axis=1) -- mathematically identical, avoids ExE materialization
    euw = eu * d
    diag = jnp.sum(euw * ev, axis=1)
    return diag * scale  # scale is shape (1,), broadcasts to (E,)

if __name__ == "__main__":
    import jax
    _d = setup_inputs()
    print(jax.jit(kernel)(*tuple(_d.values())))

</pallas_src>

<mosaic_0001>
#map = affine_map<(d0, d1) -> (0, 0)>
#map1 = affine_map<(d0, d1) -> (0)>
module attributes {stable_mosaic.version = 14 : i64} {
  func.func @_body(%arg0: i32, %arg1: i32, %arg2: memref<100000x128xf32, #tpu.memory_space<hbm>>, %arg3: memref<2x16384xi32, #tpu.memory_space<hbm>>, %arg4: memref<128xf32, #tpu.memory_space<hbm>>, %arg5: memref<1xf32, #tpu.memory_space<hbm>>, %arg6: memref<16384xf32, #tpu.memory_space<hbm>>, %arg7: memref<512xi32, #tpu.memory_space<vmem>>, %arg8: memref<512xi32, #tpu.memory_space<vmem>>, %arg9: memref<128xf32, #tpu.memory_space<vmem>>, %arg10: memref<1xf32, #tpu.memory_space<vmem>>, %arg11: memref<128x128xf32, #tpu.memory_space<vmem>>, %arg12: memref<128x128xf32, #tpu.memory_space<vmem>>, %arg13: memref<128x128xf32, #tpu.memory_space<vmem>>, %arg14: memref<128x128xf32, #tpu.memory_space<vmem>>, %arg15: memref<128x128xf32, #tpu.memory_space<vmem>>, %arg16: memref<128x128xf32, #tpu.memory_space<vmem>>, %arg17: memref<256xf32, #tpu.memory_space<vmem>>, %arg18: memref<256xf32, #tpu.memory_space<vmem>>, %arg19: memref<256xf32, #tpu.memory_space<vmem>>, %arg20: memref<512xf32, #tpu.memory_space<vmem>>, %arg21: memref<!tpu.dma_semaphore, #tpu.memory_space<semaphore_mem>>, %arg22: memref<!tpu.dma_semaphore, #tpu.memory_space<semaphore_mem>>, %arg23: memref<!tpu.dma_semaphore, #tpu.memory_space<semaphore_mem>>, %arg24: memref<!tpu.dma_semaphore, #tpu.memory_space<semaphore_mem>>, %arg25: memref<!tpu.dma_semaphore, #tpu.memory_space<semaphore_mem>>, %arg26: memref<!tpu.dma_semaphore, #tpu.memory_space<semaphore_mem>>) attributes {dimension_semantics = [#tpu.dimension_semantics<core_parallel>, #tpu.dimension_semantics<subcore_parallel>], iteration_bounds = array<i64: 2, 16>, scalar_prefetch = 0 : i64, scratch_operands = 20 : i64, tpu.core_type = #tpu.core_type<sc_vector_subcore>, window_params = [{transform_indices = #map}, {transform_indices = #map}, {transform_indices = #map1}, {transform_indices = #map1}, {transform_indices = #map1}]} {
    %mul3A = arith.constant 2 : i32
    %mul3A_0 = arith.muli %arg1, %mul3A : i32
    %add3A = arith.addi %mul3A_0, %arg0 : i32
    %mul3A_1 = arith.constant 512 : i32
    %mul3A_2 = arith.muli %add3A, %mul3A_1 : i32
    %run_scoped3A = arith.constant 0 : i32
    "tpu.region"() ({
      %run_scoped3A_136 = tpu.sem_alloc : memref<!tpu.dma_semaphore, #tpu.memory_space<semaphore_mem>>
      %dma_start3A_137 = tpu.memref_slice %arg3[%run_scoped3A, %mul3A_2] : memref<2x16384xi32, #tpu.memory_space<hbm>> -> memref<1x512xi32, #tpu.memory_space<hbm>>
      %dma_start3A_138 = tpu.memref_squeeze %dma_start3A_137 : memref<1x512xi32, #tpu.memory_space<hbm>> -> memref<512xi32, #tpu.memory_space<hbm>>
      %dma_start3A_139 = tpu.memref_slice %arg3[%run_scoped3A, %mul3A_2] : memref<2x16384xi32, #tpu.memory_space<hbm>> -> memref<1x512xi32, #tpu.memory_space<hbm>>
      %dma_start3A_140 = tpu.memref_squeeze %dma_start3A_139 : memref<1x512xi32, #tpu.memory_space<hbm>> -> memref<512xi32, #tpu.memory_space<hbm>>
      tpu.enqueue_dma source(%dma_start3A_140 : memref<512xi32, #tpu.memory_space<hbm>>) target(%arg7 : memref<512xi32, #tpu.memory_space<vmem>>) target_semaphore(%run_scoped3A_136 : memref<!tpu.dma_semaphore, #tpu.memory_space<semaphore_mem>>)
      %dma_wait3A_141 = tpu.memref_slice %arg3[%run_scoped3A, %mul3A_2] : memref<2x16384xi32, #tpu.memory_space<hbm>> -> memref<1x512xi32, #tpu.memory_space<hbm>>
      %dma_wait3A_142 = tpu.memref_squeeze %dma_wait3A_141 : memref<1x512xi32, #tpu.memory_space<hbm>> -> memref<512xi32, #tpu.memory_space<hbm>>
      %dma_wait3A_143 = tpu.memref_slice %arg3[%run_scoped3A, %mul3A_2] : memref<2x16384xi32, #tpu.memory_space<hbm>> -> memref<1x512xi32, #tpu.memory_space<hbm>>
      %dma_wait3A_144 = tpu.memref_squeeze %dma_wait3A_143 : memref<1x512xi32, #tpu.memory_space<hbm>> -> memref<512xi32, #tpu.memory_space<hbm>>
      tpu.wait_dma2 semaphore(%run_scoped3A_136 : memref<!tpu.dma_semaphore, #tpu.memory_space<semaphore_mem>>) src(%dma_wait3A_144 : memref<512xi32, #tpu.memory_space<hbm>>) dst(%arg7 : memref<512xi32, #tpu.memory_space<vmem>>)
      tpu.yield
    }) : () -> ()
    %run_scoped3A_3 = arith.constant 1 : i32
    "tpu.region"() ({
      %run_scoped3A_136 = tpu.sem_alloc : memref<!tpu.dma_semaphore, #tpu.memory_space<semaphore_mem>>
      %dma_start3A_137 = tpu.memref_slice %arg3[%run_scoped3A_3, %mul3A_2] : memref<2x16384xi32, #tpu.memory_space<hbm>> -> memref<1x512xi32, #tpu.memory_space<hbm>>
      %dma_start3A_138 = tpu.memref_squeeze %dma_start3A_137 : memref<1x512xi32, #tpu.memory_space<hbm>> -> memref<512xi32, #tpu.memory_space<hbm>>
      %dma_start3A_139 = tpu.memref_slice %arg3[%run_scoped3A_3, %mul3A_2] : memref<2x16384xi32, #tpu.memory_space<hbm>> -> memref<1x512xi32, #tpu.memory_space<hbm>>
      %dma_start3A_140 = tpu.memref_squeeze %dma_start3A_139 : memref<1x512xi32, #tpu.memory_space<hbm>> -> memref<512xi32, #tpu.memory_space<hbm>>
      tpu.enqueue_dma source(%dma_start3A_140 : memref<512xi32, #tpu.memory_space<hbm>>) target(%arg8 : memref<512xi32, #tpu.memory_space<vmem>>) target_semaphore(%run_scoped3A_136 : memref<!tpu.dma_semaphore, #tpu.memory_space<semaphore_mem>>)
      %dma_wait3A_141 = tpu.memref_slice %arg3[%run_scoped3A_3, %mul3A_2] : memref<2x16384xi32, #tpu.memory_space<hbm>> -> memref<1x512xi32, #tpu.memory_space<hbm>>
      %dma_wait3A_142 = tpu.memref_squeeze %dma_wait3A_141 : memref<1x512xi32, #tpu.memory_space<hbm>> -> memref<512xi32, #tpu.memory_space<hbm>>
      %dma_wait3A_143 = tpu.memref_slice %arg3[%run_scoped3A_3, %mul3A_2] : memref<2x16384xi32, #tpu.memory_space<hbm>> -> memref<1x512xi32, #tpu.memory_space<hbm>>
      %dma_wait3A_144 = tpu.memref_squeeze %dma_wait3A_143 : memref<1x512xi32, #tpu.memory_space<hbm>> -> memref<512xi32, #tpu.memory_space<hbm>>
      tpu.wait_dma2 semaphore(%run_scoped3A_136 : memref<!tpu.dma_semaphore, #tpu.memory_space<semaphore_mem>>) src(%dma_wait3A_144 : memref<512xi32, #tpu.memory_space<hbm>>) dst(%arg8 : memref<512xi32, #tpu.memory_space<vmem>>)
      tpu.yield
    }) : () -> ()
    %dma_start3A = arith.constant 0 : i32
    %dma_start3A_4 = tpu.memref_slice %arg7[%dma_start3A] : memref<512xi32, #tpu.memory_space<vmem>> -> memref<128xi32, #tpu.memory_space<vmem>>
    %dma_start3A_5 = arith.constant 0 : i32
    %dma_start3A_6 = arith.constant 0 : i32
    %dma_start3A_7 = tpu.memref_slice %arg2[%dma_start3A_5, %dma_start3A_6] : memref<100000x128xf32, #tpu.memory_space<hbm>> -> memref<100000x128xf32, #tpu.memory_space<hbm>>
    tpu.enqueue_indirect_dma source(%dma_start3A_7 : memref<100000x128xf32, #tpu.memory_space<hbm>>) target(%arg11 : memref<128x128xf32, #tpu.memory_space<vmem>>) offsets(%dma_start3A_4 : memref<128xi32, #tpu.memory_space<vmem>>) semaphore(%arg21 : memref<!tpu.dma_semaphore, #tpu.memory_space<semaphore_mem>>)
    %dma_start3A_8 = arith.constant 0 : i32
    %dma_start3A_9 = tpu.memref_slice %arg8[%dma_start3A_8] : memref<512xi32, #tpu.memory_space<vmem>> -> memref<128xi32, #tpu.memory_space<vmem>>
    %dma_start3A_10 = arith.constant 0 : i32
    %dma_start3A_11 = arith.constant 0 : i32
    %dma_start3A_12 = tpu.memref_slice %arg2[%dma_start3A_10, %dma_start3A_11] : memref<100000x128xf32, #tpu.memory_space<hbm>> -> memref<100000x128xf32, #tpu.memory_space<hbm>>
    tpu.enqueue_indirect_dma source(%dma_start3A_12 : memref<100000x128xf32, #tpu.memory_space<hbm>>) target(%arg12 : memref<128x128xf32, #tpu.memory_space<vmem>>) offsets(%dma_start3A_9 : memref<128xi32, #tpu.memory_space<vmem>>) semaphore(%arg22 : memref<!tpu.dma_semaphore, #tpu.memory_space<semaphore_mem>>)
    "tpu.region"() ({
      %run_scoped3A_136 = tpu.sem_alloc : memref<!tpu.dma_semaphore, #tpu.memory_space<semaphore_mem>>
      tpu.enqueue_dma source(%arg4 : memref<128xf32, #tpu.memory_space<hbm>>) target(%arg9 : memref<128xf32, #tpu.memory_space<vmem>>) target_semaphore(%run_scoped3A_136 : memref<!tpu.dma_semaphore, #tpu.memory_space<semaphore_mem>>)
      tpu.wait_dma2 semaphore(%run_scoped3A_136 : memref<!tpu.dma_semaphore, #tpu.memory_space<semaphore_mem>>) src(%arg4 : memref<128xf32, #tpu.memory_space<hbm>>) dst(%arg9 : memref<128xf32, #tpu.memory_space<vmem>>)
      tpu.yield
    }) : () -> ()
    "tpu.region"() ({
      %run_scoped3A_136 = tpu.sem_alloc : memref<!tpu.dma_semaphore, #tpu.memory_space<semaphore_mem>>
      tpu.enqueue_dma source(%arg5 : memref<1xf32, #tpu.memory_space<hbm>>) target(%arg10 : memref<1xf32, #tpu.memory_space<vmem>>) target_semaphore(%run_scoped3A_136 : memref<!tpu.dma_semaphore, #tpu.memory_space<semaphore_mem>>)
      tpu.wait_dma2 semaphore(%run_scoped3A_136 : memref<!tpu.dma_semaphore, #tpu.memory_space<semaphore_mem>>) src(%arg5 : memref<1xf32, #tpu.memory_space<hbm>>) dst(%arg10 : memref<1xf32, #tpu.memory_space<vmem>>)
      tpu.yield
    }) : () -> ()
    %broadcast_in_dim3A = arith.constant 0 : i32
    %broadcast_in_dim3A_13 = vector.broadcast %broadcast_in_dim3A : i32 to vector<16xi32>
    %gather3A = tpu.vector_load_idx %arg10[%broadcast_in_dim3A_13] : memref<1xf32, #tpu.memory_space<vmem>>[vector<16xi32>], vector<16xf32>,
    %get3A = arith.constant 0 : index
    %get3A_14 = tpu.vector_load %arg9[%get3A] {strides = array<i32>} : memref<128xf32, #tpu.memory_space<vmem>>, vector<16xf32>,
    %mul3A_15 = arith.mulf %get3A_14, %gather3A : vector<16xf32>
    %get3A_16 = arith.constant 16 : index
    %get3A_17 = tpu.vector_load %arg9[%get3A_16] {strides = array<i32>} : memref<128xf32, #tpu.memory_space<vmem>>, vector<16xf32>,
    %mul3A_18 = arith.mulf %get3A_17, %gather3A : vector<16xf32>
    %get3A_19 = arith.constant 32 : index
    %get3A_20 = tpu.vector_load %arg9[%get3A_19] {strides = array<i32>} : memref<128xf32, #tpu.memory_space<vmem>>, vector<16xf32>,
    %mul3A_21 = arith.mulf %get3A_20, %gather3A : vector<16xf32>
    %get3A_22 = arith.constant 48 : index
    %get3A_23 = tpu.vector_load %arg9[%get3A_22] {strides = array<i32>} : memref<128xf32, #tpu.memory_space<vmem>>, vector<16xf32>,
    %mul3A_24 = arith.mulf %get3A_23, %gather3A : vector<16xf32>
    %get3A_25 = arith.constant 64 : index
    %get3A_26 = tpu.vector_load %arg9[%get3A_25] {strides = array<i32>} : memref<128xf32, #tpu.memory_space<vmem>>, vector<16xf32>,
    %mul3A_27 = arith.mulf %get3A_26, %gather3A : vector<16xf32>
    %get3A_28 = arith.constant 80 : index
    %get3A_29 = tpu.vector_load %arg9[%get3A_28] {strides = array<i32>} : memref<128xf32, #tpu.memory_space<vmem>>, vector<16xf32>,
    %mul3A_30 = arith.mulf %get3A_29, %gather3A : vector<16xf32>
    %get3A_31 = arith.constant 96 : index
    %get3A_32 = tpu.vector_load %arg9[%get3A_31] {strides = array<i32>} : memref<128xf32, #tpu.memory_space<vmem>>, vector<16xf32>,
    %mul3A_33 = arith.mulf %get3A_32, %gather3A : vector<16xf32>
    %get3A_34 = arith.constant 112 : index
    %get3A_35 = tpu.vector_load %arg9[%get3A_34] {strides = array<i32>} : memref<128xf32, #tpu.memory_space<vmem>>, vector<16xf32>,
    %mul3A_36 = arith.mulf %get3A_35, %gather3A : vector<16xf32>
    %iota3A = tpu.iota {dimensions = array<i32: 0>} : vector<16xi32>
    %mul3A_37 = arith.constant 16 : i32
    %mul3A_38 = vector.broadcast %mul3A_37 : i32 to vector<16xi32>
    %mul3A_39 = arith.muli %iota3A, %mul3A_38 : vector<16xi32>
    %dma_wait3A = arith.constant 0 : i32
    %dma_wait3A_40 = tpu.memref_slice %arg7[%dma_wait3A] : memref<512xi32, #tpu.memory_space<vmem>> -> memref<128xi32, #tpu.memory_space<vmem>>
    %dma_wait3A_41 = arith.constant 0 : i32
    %dma_wait3A_42 = arith.constant 0 : i32
    %dma_wait3A_43 = tpu.memref_slice %arg2[%dma_wait3A_41, %dma_wait3A_42] : memref<100000x128xf32, #tpu.memory_space<hbm>> -> memref<100000x128xf32, #tpu.memory_space<hbm>>
    tpu.wait_indirect_dma semaphore(%arg21 : memref<!tpu.dma_semaphore, #tpu.memory_space<semaphore_mem>>) src(%dma_wait3A_43 : memref<100000x128xf32, #tpu.memory_space<hbm>>) dst(%arg11 : memref<128x128xf32, #tpu.memory_space<vmem>>)
    %dma_wait3A_44 = arith.constant 0 : i32
    %dma_wait3A_45 = tpu.memref_slice %arg8[%dma_wait3A_44] : memref<512xi32, #tpu.memory_space<vmem>> -> memref<128xi32, #tpu.memory_space<vmem>>
    %dma_wait3A_46 = arith.constant 0 : i32
    %dma_wait3A_47 = arith.constant 0 : i32
    %dma_wait3A_48 = tpu.memref_slice %arg2[%dma_wait3A_46, %dma_wait3A_47] : memref<100000x128xf32, #tpu.memory_space<hbm>> -> memref<100000x128xf32, #tpu.memory_space<hbm>>
    tpu.wait_indirect_dma semaphore(%arg22 : memref<!tpu.dma_semaphore, #tpu.memory_space<semaphore_mem>>) src(%dma_wait3A_48 : memref<100000x128xf32, #tpu.memory_space<hbm>>) dst(%arg12 : memref<128x128xf32, #tpu.memory_space<vmem>>)
    %dma_start3A_49 = arith.constant 128 : i32
    %dma_start3A_50 = tpu.memref_slice %arg7[%dma_start3A_49] : memref<512xi32, #tpu.memory_space<vmem>> -> memref<128xi32, #tpu.memory_space<vmem>>
    %dma_start3A_51 = arith.constant 0 : i32
    %dma_start3A_52 = arith.constant 0 : i32
    %dma_start3A_53 = tpu.memref_slice %arg2[%dma_start3A_51, %dma_start3A_52] : memref<100000x128xf32, #tpu.memory_space<hbm>> -> memref<100000x128xf32, #tpu.memory_space<hbm>>
    tpu.enqueue_indirect_dma source(%dma_start3A_53 : memref<100000x128xf32, #tpu.memory_space<hbm>>) target(%arg13 : memref<128x128xf32, #tpu.memory_space<vmem>>) offsets(%dma_start3A_50 : memref<128xi32, #tpu.memory_space<vmem>>) semaphore(%arg23 : memref<!tpu.dma_semaphore, #tpu.memory_space<semaphore_mem>>)
    %dma_start3A_54 = arith.constant 128 : i32
    %dma_start3A_55 = tpu.memref_slice %arg8[%dma_start3A_54] : memref<512xi32, #tpu.memory_space<vmem>> -> memref<128xi32, #tpu.memory_space<vmem>>
    %dma_start3A_56 = arith.constant 0 : i32
    %dma_start3A_57 = arith.constant 0 : i32
    %dma_start3A_58 = tpu.memref_slice %arg2[%dma_start3A_56, %dma_start3A_57] : memref<100000x128xf32, #tpu.memory_space<hbm>> -> memref<100000x128xf32, #tpu.memory_space<hbm>>
    tpu.enqueue_indirect_dma source(%dma_start3A_58 : memref<100000x128xf32, #tpu.memory_space<hbm>>) target(%arg14 : memref<128x128xf32, #tpu.memory_space<vmem>>) offsets(%dma_start3A_55 : memref<128xi32, #tpu.memory_space<vmem>>) semaphore(%arg24 : memref<!tpu.dma_semaphore, #tpu.memory_space<semaphore_mem>>)
    %scan3A = arith.constant 0 : i32
    %scan3A_59 = arith.constant 0 : i32
    %scan3A_60 = arith.constant 8 : i32
    %scan3A_61 = arith.addi %scan3A_59, %scan3A_60 : i32
    %scan3A_62 = arith.constant 1 : i32
    %scan3A_63 = scf.for %scan3A_136 = %scan3A_59 to %scan3A_61 step %scan3A_62 iter_args(%scan3A_137 = %scan3A) -> (i32)  : i32 {
      %parallel_loop3A = arith.constant 0 : i32
      %parallel_loop3A_138 = arith.constant 16 : i32
      %parallel_loop3A_139 = arith.constant 1 : i32
      scf.for %parallel_loop3A_338 = %parallel_loop3A to %parallel_loop3A_138 step %parallel_loop3A_139  : i32 {
        %parallel_loop3A_339 = arith.constant 16 : i32
        %parallel_loop3A_340 = arith.muli %scan3A_136, %parallel_loop3A_339 : i32
        %parallel_loop3A_341 = arith.addi %parallel_loop3A_340, %parallel_loop3A_338 : i32
        %parallel_loop3A_342 = arith.index_cast %parallel_loop3A_341 : i32 to index
        %parallel_loop3A_343 = arith.constant 0 : index
        %parallel_loop3A_344 = tpu.vector_load %arg11[%parallel_loop3A_342, %parallel_loop3A_343] {strides = array<i32>} : memref<128x128xf32, #tpu.memory_space<vmem>>, vector<16xf32>,
        %parallel_loop3A_345 = arith.index_cast %parallel_loop3A_341 : i32 to index
        %parallel_loop3A_346 = arith.constant 0 : index
        %parallel_loop3A_347 = tpu.vector_load %arg12[%parallel_loop3A_345, %parallel_loop3A_346] {strides = array<i32>} : memref<128x128xf32, #tpu.memory_space<vmem>>, vector<16xf32>,
        %parallel_loop3A_348 = arith.mulf %parallel_loop3A_344, %parallel_loop3A_347 : vector<16xf32>
        %parallel_loop3A_349 = arith.mulf %parallel_loop3A_348, %mul3A_15 : vector<16xf32>
        %parallel_loop3A_350 = arith.mulf %parallel_loop3A_344, %parallel_loop3A_344 : vector<16xf32>
        %parallel_loop3A_351 = arith.mulf %parallel_loop3A_347, %parallel_loop3A_347 : vector<16xf32>
        %parallel_loop3A_352 = arith.index_cast %parallel_loop3A_341 : i32 to index
        %parallel_loop3A_353 = arith.constant 16 : index
        %parallel_loop3A_354 = tpu.vector_load %arg11[%parallel_loop3A_352, %parallel_loop3A_353] {strides = array<i32>} : memref<128x128xf32, #tpu.memory_space<vmem>>, vector<16xf32>,
        %parallel_loop3A_355 = arith.index_cast %parallel_loop3A_341 : i32 to index
        %parallel_loop3A_356 = arith.constant 16 : index
        %parallel_loop3A_357 = tpu.vector_load %arg12[%parallel_loop3A_355, %parallel_loop3A_356] {strides = array<i32>} : memref<128x128xf32, #tpu.memory_space<vmem>>, vector<16xf32>,
        %parallel_loop3A_358 = arith.mulf %parallel_loop3A_354, %parallel_loop3A_357 : vector<16xf32>
        %parallel_loop3A_359 = arith.mulf %parallel_loop3A_358, %mul3A_18 : vector<16xf32>
        %parallel_loop3A_360 = arith.addf %parallel_loop3A_349, %parallel_loop3A_359 : vector<16xf32>
        %parallel_loop3A_361 = arith.mulf %parallel_loop3A_354, %parallel_loop3A_354 : vector<16xf32>
        %parallel_loop3A_362 = arith.addf %parallel_loop3A_350, %parallel_loop3A_361 : vector<16xf32>
        %parallel_loop3A_363 = arith.mulf %parallel_loop3A_357, %parallel_loop3A_357 : vector<16xf32>
        %parallel_loop3A_364 = arith.addf %parallel_loop3A_351, %parallel_loop3A_363 : vector<16xf32>
        %parallel_loop3A_365 = arith.index_cast %parallel_loop3A_341 : i32 to index
        %parallel_loop3A_366 = arith.constant 32 : index
        %parallel_loop3A_367 = tpu.vector_load %arg11[%parallel_loop3A_365, %parallel_loop3A_366] {strides = array<i32>} : memref<128x128xf32, #tpu.memory_space<vmem>>, vector<16xf32>,
        %parallel_loop3A_368 = arith.index_cast %parallel_loop3A_341 : i32 to index
        %parallel_loop3A_369 = arith.constant 32 : index
        %parallel_loop3A_370 = tpu.vector_load %arg12[%parallel_loop3A_368, %parallel_loop3A_369] {strides = array<i32>} : memref<128x128xf32, #tpu.memory_space<vmem>>, vector<16xf32>,
        %parallel_loop3A_371 = arith.mulf %parallel_loop3A_367, %parallel_loop3A_370 : vector<16xf32>
        %parallel_loop3A_372 = arith.mulf %parallel_loop3A_371, %mul3A_21 : vector<16xf32>
        %parallel_loop3A_373 = arith.addf %parallel_loop3A_360, %parallel_loop3A_372 : vector<16xf32>
        %parallel_loop3A_374 = arith.mulf %parallel_loop3A_367, %parallel_loop3A_367 : vector<16xf32>
        %parallel_loop3A_375 = arith.addf %parallel_loop3A_362, %parallel_loop3A_374 : vector<16xf32>
        %parallel_loop3A_376 = arith.mulf %parallel_loop3A_370, %parallel_loop3A_370 : vector<16xf32>
        %parallel_loop3A_377 = arith.addf %parallel_loop3A_364, %parallel_loop3A_376 : vector<16xf32>
        %parallel_loop3A_378 = arith.index_cast %parallel_loop3A_341 : i32 to index
        %parallel_loop3A_379 = arith.constant 48 : index
        %parallel_loop3A_380 = tpu.vector_load %arg11[%parallel_loop3A_378, %parallel_loop3A_379] {strides = array<i32>} : memref<128x128xf32, #tpu.memory_space<vmem>>, vector<16xf32>,
        %parallel_loop3A_381 = arith.index_cast %parallel_loop3A_341 : i32 to index
        %parallel_loop3A_382 = arith.constant 48 : index
        %parallel_loop3A_383 = tpu.vector_load %arg12[%parallel_loop3A_381, %parallel_loop3A_382] {strides = array<i32>} : memref<128x128xf32, #tpu.memory_space<vmem>>, vector<16xf32>,
        %parallel_loop3A_384 = arith.mulf %parallel_loop3A_380, %parallel_loop3A_383 : vector<16xf32>
        %parallel_loop3A_385 = arith.mulf %parallel_loop3A_384, %mul3A_24 : vector<16xf32>
        %parallel_loop3A_386 = arith.addf %parallel_loop3A_373, %parallel_loop3A_385 : vector<16xf32>
        %parallel_loop3A_387 = arith.mulf %parallel_loop3A_380, %parallel_loop3A_380 : vector<16xf32>
        %parallel_loop3A_388 = arith.addf %parallel_loop3A_375, %parallel_loop3A_387 : vector<16xf32>
        %parallel_loop3A_389 = arith.mulf %parallel_loop3A_383, %parallel_loop3A_383 : vector<16xf32>
        %parallel_loop3A_390 = arith.addf %parallel_loop3A_377, %parallel_loop3A_389 : vector<16xf32>
        %parallel_loop3A_391 = arith.index_cast %parallel_loop3A_341 : i32 to index
        %parallel_loop3A_392 = arith.constant 64 : index
        %parallel_loop3A_393 = tpu.vector_load %arg11[%parallel_loop3A_391, %parallel_loop3A_392] {strides = array<i32>} : memref<128x128xf32, #tpu.memory_space<vmem>>, vector<16xf32>,
        %parallel_loop3A_394 = arith.index_cast %parallel_loop3A_341 : i32 to index
        %parallel_loop3A_395 = arith.constant 64 : index
        %parallel_loop3A_396 = tpu.vector_load %arg12[%parallel_loop3A_394, %parallel_loop3A_395] {strides = array<i32>} : memref<128x128xf32, #tpu.memory_space<vmem>>, vector<16xf32>,
        %parallel_loop3A_397 = arith.mulf %parallel_loop3A_393, %parallel_loop3A_396 : vector<16xf32>
        %parallel_loop3A_398 = arith.mulf %parallel_loop3A_397, %mul3A_27 : vector<16xf32>
        %parallel_loop3A_399 = arith.addf %parallel_loop3A_386, %parallel_loop3A_398 : vector<16xf32>
        %parallel_loop3A_400 = arith.mulf %parallel_loop3A_393, %parallel_loop3A_393 : vector<16xf32>
        %parallel_loop3A_401 = arith.addf %parallel_loop3A_388, %parallel_loop3A_400 : vector<16xf32>
        %parallel_loop3A_402 = arith.mulf %parallel_loop3A_396, %parallel_loop3A_396 : vector<16xf32>
        %parallel_loop3A_403 = arith.addf %parallel_loop3A_390, %parallel_loop3A_402 : vector<16xf32>
        %parallel_loop3A_404 = arith.index_cast %parallel_loop3A_341 : i32 to index
        %parallel_loop3A_405 = arith.constant 80 : index
        %parallel_loop3A_406 = tpu.vector_load %arg11[%parallel_loop3A_404, %parallel_loop3A_405] {strides = array<i32>} : memref<128x128xf32, #tpu.memory_space<vmem>>, vector<16xf32>,
        %parallel_loop3A_407 = arith.index_cast %parallel_loop3A_341 : i32 to index
        %parallel_loop3A_408 = arith.constant 80 : index
        %parallel_loop3A_409 = tpu.vector_load %arg12[%parallel_loop3A_407, %parallel_loop3A_408] {strides = array<i32>} : memref<128x128xf32, #tpu.memory_space<vmem>>, vector<16xf32>,
        %parallel_loop3A_410 = arith.mulf %parallel_loop3A_406, %parallel_loop3A_409 : vector<16xf32>
        %parallel_loop3A_411 = arith.mulf %parallel_loop3A_410, %mul3A_30 : vector<16xf32>
        %parallel_loop3A_412 = arith.addf %parallel_loop3A_399, %parallel_loop3A_411 : vector<16xf32>
        %parallel_loop3A_413 = arith.mulf %parallel_loop3A_406, %parallel_loop3A_406 : vector<16xf32>
        %parallel_loop3A_414 = arith.addf %parallel_loop3A_401, %parallel_loop3A_413 : vector<16xf32>
        %parallel_loop3A_415 = arith.mulf %parallel_loop3A_409, %parallel_loop3A_409 : vector<16xf32>
        %parallel_loop3A_416 = arith.addf %parallel_loop3A_403, %parallel_loop3A_415 : vector<16xf32>
        %parallel_loop3A_417 = arith.index_cast %parallel_loop3A_341 : i32 to index
        %parallel_loop3A_418 = arith.constant 96 : index
        %parallel_loop3A_419 = tpu.vector_load %arg11[%parallel_loop3A_417, %parallel_loop3A_418] {strides = array<i32>} : memref<128x128xf32, #tpu.memory_space<vmem>>, vector<16xf32>,
        %parallel_loop3A_420 = arith.index_cast %parallel_loop3A_341 : i32 to index
        %parallel_loop3A_421 = arith.constant 96 : index
        %parallel_loop3A_422 = tpu.vector_load %arg12[%parallel_loop3A_420, %parallel_loop3A_421] {strides = array<i32>} : memref<128x128xf32, #tpu.memory_space<vmem>>, vector<16xf32>,
        %parallel_loop3A_423 = arith.mulf %parallel_loop3A_419, %parallel_loop3A_422 : vector<16xf32>
        %parallel_loop3A_424 = arith.mulf %parallel_loop3A_423, %mul3A_33 : vector<16xf32>
        %parallel_loop3A_425 = arith.addf %parallel_loop3A_412, %parallel_loop3A_424 : vector<16xf32>
        %parallel_loop3A_426 = arith.mulf %parallel_loop3A_419, %parallel_loop3A_419 : vector<16xf32>
        %parallel_loop3A_427 = arith.addf %parallel_loop3A_414, %parallel_loop3A_426 : vector<16xf32>
        %parallel_loop3A_428 = arith.mulf %parallel_loop3A_422, %parallel_loop3A_422 : vector<16xf32>
        %parallel_loop3A_429 = arith.addf %parallel_loop3A_416, %parallel_loop3A_428 : vector<16xf32>
        %parallel_loop3A_430 = arith.index_cast %parallel_loop3A_341 : i32 to index
        %parallel_loop3A_431 = arith.constant 112 : index
        %parallel_loop3A_432 = tpu.vector_load %arg11[%parallel_loop3A_430, %parallel_loop3A_431] {strides = array<i32>} : memref<128x128xf32, #tpu.memory_space<vmem>>, vector<16xf32>,
        %parallel_loop3A_433 = arith.index_cast %parallel_loop3A_341 : i32 to index
        %parallel_loop3A_434 = arith.constant 112 : index
        %parallel_loop3A_435 = tpu.vector_load %arg12[%parallel_loop3A_433, %parallel_loop3A_434] {strides = array<i32>} : memref<128x128xf32, #tpu.memory_space<vmem>>, vector<16xf32>,
        %parallel_loop3A_436 = arith.mulf %parallel_loop3A_432, %parallel_loop3A_435 : vector<16xf32>
        %parallel_loop3A_437 = arith.mulf %parallel_loop3A_436, %mul3A_36 : vector<16xf32>
        %parallel_loop3A_438 = arith.addf %parallel_loop3A_425, %parallel_loop3A_437 : vector<16xf32>
        %parallel_loop3A_439 = arith.mulf %parallel_loop3A_432, %parallel_loop3A_432 : vector<16xf32>
        %parallel_loop3A_440 = arith.addf %parallel_loop3A_427, %parallel_loop3A_439 : vector<16xf32>
        %parallel_loop3A_441 = arith.mulf %parallel_loop3A_435, %parallel_loop3A_435 : vector<16xf32>
        %parallel_loop3A_442 = arith.addf %parallel_loop3A_429, %parallel_loop3A_441 : vector<16xf32>
        %parallel_loop3A_443 = vector.broadcast %parallel_loop3A_338 : i32 to vector<16xi32>
        %parallel_loop3A_444 = arith.addi %mul3A_39, %parallel_loop3A_443 : vector<16xi32>
        tpu.vector_store_idx %arg17[%parallel_loop3A_444], %parallel_loop3A_438 : memref<256xf32, #tpu.memory_space<vmem>>[vector<16xi32>], vector<16xf32>,
        tpu.vector_store_idx %arg18[%parallel_loop3A_444], %parallel_loop3A_440 : memref<256xf32, #tpu.memory_space<vmem>>[vector<16xi32>], vector<16xf32>,
        tpu.vector_store_idx %arg19[%parallel_loop3A_444], %parallel_loop3A_442 : memref<256xf32, #tpu.memory_space<vmem>>[vector<16xi32>], vector<16xf32>,
      } {sc.loop_unroll_factor = 1 : i64, sc.parallel_access}
      %get3A_140 = arith.constant 0 : index
      %get3A_141 = tpu.vector_load %arg17[%get3A_140] {strides = array<i32>} : memref<256xf32, #tpu.memory_space<vmem>>, vector<16xf32>,
      %get3A_142 = arith.constant 16 : index
      %get3A_143 = tpu.vector_load %arg17[%get3A_142] {strides = array<i32>} : memref<256xf32, #tpu.memory_space<vmem>>, vector<16xf32>,
      %get3A_144 = arith.constant 32 : index
      %get3A_145 = tpu.vector_load %arg17[%get3A_144] {strides = array<i32>} : memref<256xf32, #tpu.memory_space<vmem>>, vector<16xf32>,
      %get3A_146 = arith.constant 48 : index
      %get3A_147 = tpu.vector_load %arg17[%get3A_146] {strides = array<i32>} : memref<256xf32, #tpu.memory_space<vmem>>, vector<16xf32>,
      %get3A_148 = arith.constant 64 : index
      %get3A_149 = tpu.vector_load %arg17[%get3A_148] {strides = array<i32>} : memref<256xf32, #tpu.memory_space<vmem>>, vector<16xf32>,
      %get3A_150 = arith.constant 80 : index
      %get3A_151 = tpu.vector_load %arg17[%get3A_150] {strides = array<i32>} : memref<256xf32, #tpu.memory_space<vmem>>, vector<16xf32>,
      %get3A_152 = arith.constant 96 : index
      %get3A_153 = tpu.vector_load %arg17[%get3A_152] {strides = array<i32>} : memref<256xf32, #tpu.memory_space<vmem>>, vector<16xf32>,
      %get3A_154 = arith.constant 112 : index
      %get3A_155 = tpu.vector_load %arg17[%get3A_154] {strides = array<i32>} : memref<256xf32, #tpu.memory_space<vmem>>, vector<16xf32>,
      %get3A_156 = arith.constant 128 : index
      %get3A_157 = tpu.vector_load %arg17[%get3A_156] {strides = array<i32>} : memref<256xf32, #tpu.memory_space<vmem>>, vector<16xf32>,
      %get3A_158 = arith.constant 144 : index
      %get3A_159 = tpu.vector_load %arg17[%get3A_158] {strides = array<i32>} : memref<256xf32, #tpu.memory_space<vmem>>, vector<16xf32>,
      %get3A_160 = arith.constant 160 : index
      %get3A_161 = tpu.vector_load %arg17[%get3A_160] {strides = array<i32>} : memref<256xf32, #tpu.memory_space<vmem>>, vector<16xf32>,
      %get3A_162 = arith.constant 176 : index
      %get3A_163 = tpu.vector_load %arg17[%get3A_162] {strides = array<i32>} : memref<256xf32, #tpu.memory_space<vmem>>, vector<16xf32>,
      %get3A_164 = arith.constant 192 : index
      %get3A_165 = tpu.vector_load %arg17[%get3A_164] {strides = array<i32>} : memref<256xf32, #tpu.memory_space<vmem>>, vector<16xf32>,
      %get3A_166 = arith.constant 208 : index
      %get3A_167 = tpu.vector_load %arg17[%get3A_166] {strides = array<i32>} : memref<256xf32, #tpu.memory_space<vmem>>, vector<16xf32>,
      %get3A_168 = arith.constant 224 : index
      %get3A_169 = tpu.vector_load %arg17[%get3A_168] {strides = array<i32>} : memref<256xf32, #tpu.memory_space<vmem>>, vector<16xf32>,
      %get3A_170 = arith.constant 240 : index
      %get3A_171 = tpu.vector_load %arg17[%get3A_170] {strides = array<i32>} : memref<256xf32, #tpu.memory_space<vmem>>, vector<16xf32>,
      %add3A_172 = arith.addf %get3A_141, %get3A_143 : vector<16xf32>
      %add3A_173 = arith.addf %get3A_145, %get3A_147 : vector<16xf32>
      %add3A_174 = arith.addf %get3A_149, %get3A_151 : vector<16xf32>
      %add3A_175 = arith.addf %get3A_153, %get3A_155 : vector<16xf32>
      %add3A_176 = arith.addf %get3A_157, %get3A_159 : vector<16xf32>
      %add3A_177 = arith.addf %get3A_161, %get3A_163 : vector<16xf32>
      %add3A_178 = arith.addf %get3A_165, %get3A_167 : vector<16xf32>
      %add3A_179 = arith.addf %get3A_169, %get3A_171 : vector<16xf32>
      %add3A_180 = arith.addf %add3A_172, %add3A_173 : vector<16xf32>
      %add3A_181 = arith.addf %add3A_174, %add3A_175 : vector<16xf32>
      %add3A_182 = arith.addf %add3A_176, %add3A_177 : vector<16xf32>
      %add3A_183 = arith.addf %add3A_178, %add3A_179 : vector<16xf32>
      %add3A_184 = arith.addf %add3A_180, %add3A_181 : vector<16xf32>
      %add3A_185 = arith.addf %add3A_182, %add3A_183 : vector<16xf32>
      %add3A_186 = arith.addf %add3A_184, %add3A_185 : vector<16xf32>
      %get3A_187 = arith.constant 0 : index
      %get3A_188 = tpu.vector_load %arg18[%get3A_187] {strides = array<i32>} : memref<256xf32, #tpu.memory_space<vmem>>, vector<16xf32>,
      %get3A_189 = arith.constant 16 : index
      %get3A_190 = tpu.vector_load %arg18[%get3A_189] {strides = array<i32>} : memref<256xf32, #tpu.memory_space<vmem>>, vector<16xf32>,
      %get3A_191 = arith.constant 32 : index
      %get3A_192 = tpu.vector_load %arg18[%get3A_191] {strides = array<i32>} : memref<256xf32, #tpu.memory_space<vmem>>, vector<16xf32>,
      %get3A_193 = arith.constant 48 : index
      %get3A_194 = tpu.vector_load %arg18[%get3A_193] {strides = array<i32>} : memref<256xf32, #tpu.memory_space<vmem>>, vector<16xf32>,
      %get3A_195 = arith.constant 64 : index
      %get3A_196 = tpu.vector_load %arg18[%get3A_195] {strides = array<i32>} : memref<256xf32, #tpu.memory_space<vmem>>, vector<16xf32>,
      %get3A_197 = arith.constant 80 : index
      %get3A_198 = tpu.vector_load %arg18[%get3A_197] {strides = array<i32>} : memref<256xf32, #tpu.memory_space<vmem>>, vector<16xf32>,
      %get3A_199 = arith.constant 96 : index
      %get3A_200 = tpu.vector_load %arg18[%get3A_199] {strides = array<i32>} : memref<256xf32, #tpu.memory_space<vmem>>, vector<16xf32>,
      %get3A_201 = arith.constant 112 : index
      %get3A_202 = tpu.vector_load %arg18[%get3A_201] {strides = array<i32>} : memref<256xf32, #tpu.memory_space<vmem>>, vector<16xf32>,
      %get3A_203 = arith.constant 128 : index
      %get3A_204 = tpu.vector_load %arg18[%get3A_203] {strides = array<i32>} : memref<256xf32, #tpu.memory_space<vmem>>, vector<16xf32>,
      %get3A_205 = arith.constant 144 : index
      %get3A_206 = tpu.vector_load %arg18[%get3A_205] {strides = array<i32>} : memref<256xf32, #tpu.memory_space<vmem>>, vector<16xf32>,
      %get3A_207 = arith.constant 160 : index
      %get3A_208 = tpu.vector_load %arg18[%get3A_207] {strides = array<i32>} : memref<256xf32, #tpu.memory_space<vmem>>, vector<16xf32>,
      %get3A_209 = arith.constant 176 : index
      %get3A_210 = tpu.vector_load %arg18[%get3A_209] {strides = array<i32>} : memref<256xf32, #tpu.memory_space<vmem>>, vector<16xf32>,
      %get3A_211 = arith.constant 192 : index
      %get3A_212 = tpu.vector_load %arg18[%get3A_211] {strides = array<i32>} : memref<256xf32, #tpu.memory_space<vmem>>, vector<16xf32>,
      %get3A_213 = arith.constant 208 : index
      %get3A_214 = tpu.vector_load %arg18[%get3A_213] {strides = array<i32>} : memref<256xf32, #tpu.memory_space<vmem>>, vector<16xf32>,
      %get3A_215 = arith.constant 224 : index
      %get3A_216 = tpu.vector_load %arg18[%get3A_215] {strides = array<i32>} : memref<256xf32, #tpu.memory_space<vmem>>, vector<16xf32>,
      %get3A_217 = arith.constant 240 : index
      %get3A_218 = tpu.vector_load %arg18[%get3A_217] {strides = array<i32>} : memref<256xf32, #tpu.memory_space<vmem>>, vector<16xf32>,
      %add3A_219 = arith.addf %get3A_188, %get3A_190 : vector<16xf32>
      %add3A_220 = arith.addf %get3A_192, %get3A_194 : vector<16xf32>
      %add3A_221 = arith.addf %get3A_196, %get3A_198 : vector<16xf32>
      %add3A_222 = arith.addf %get3A_200, %get3A_202 : vector<16xf32>
      %add3A_223 = arith.addf %get3A_204, %get3A_206 : vector<16xf32>
      %add3A_224 = arith.addf %get3A_208, %get3A_210 : vector<16xf32>
      %add3A_225 = arith.addf %get3A_212, %get3A_214 : vector<16xf32>
      %add3A_226 = arith.addf %get3A_216, %get3A_218 : vector<16xf32>
      %add3A_227 = arith.addf %add3A_219, %add3A_220 : vector<16xf32>
      %add3A_228 = arith.addf %add3A_221, %add3A_222 : vector<16xf32>
      %add3A_229 = arith.addf %add3A_223, %add3A_224 : vector<16xf32>
      %add3A_230 = arith.addf %add3A_225, %add3A_226 : vector<16xf32>
      %add3A_231 = arith.addf %add3A_227, %add3A_228 : vector<16xf32>
      %add3A_232 = arith.addf %add3A_229, %add3A_230 : vector<16xf32>
      %add3A_233 = arith.addf %add3A_231, %add3A_232 : vector<16xf32>
      %get3A_234 = arith.constant 0 : index
      %get3A_235 = tpu.vector_load %arg19[%get3A_234] {strides = array<i32>} : memref<256xf32, #tpu.memory_space<vmem>>, vector<16xf32>,
      %get3A_236 = arith.constant 16 : index
      %get3A_237 = tpu.vector_load %arg19[%get3A_236] {strides = array<i32>} : memref<256xf32, #tpu.memory_space<vmem>>, vector<16xf32>,
      %get3A_238 = arith.constant 32 : index
      %get3A_239 = tpu.vector_load %arg19[%get3A_238] {strides = array<i32>} : memref<256xf32, #tpu.memory_space<vmem>>, vector<16xf32>,
      %get3A_240 = arith.constant 48 : index
      %get3A_241 = tpu.vector_load %arg19[%get3A_240] {strides = array<i32>} : memref<256xf32, #tpu.memory_space<vmem>>, vector<16xf32>,
      %get3A_242 = arith.constant 64 : index
      %get3A_243 = tpu.vector_load %arg19[%get3A_242] {strides = array<i32>} : memref<256xf32, #tpu.memory_space<vmem>>, vector<16xf32>,
      %get3A_244 = arith.constant 80 : index
      %get3A_245 = tpu.vector_load %arg19[%get3A_244] {strides = array<i32>} : memref<256xf32, #tpu.memory_space<vmem>>, vector<16xf32>,
      %get3A_246 = arith.constant 96 : index
      %get3A_247 = tpu.vector_load %arg19[%get3A_246] {strides = array<i32>} : memref<256xf32, #tpu.memory_space<vmem>>, vector<16xf32>,
      %get3A_248 = arith.constant 112 : index
      %get3A_249 = tpu.vector_load %arg19[%get3A_248] {strides = array<i32>} : memref<256xf32, #tpu.memory_space<vmem>>, vector<16xf32>,
      %get3A_250 = arith.constant 128 : index
      %get3A_251 = tpu.vector_load %arg19[%get3A_250] {strides = array<i32>} : memref<256xf32, #tpu.memory_space<vmem>>, vector<16xf32>,
      %get3A_252 = arith.constant 144 : index
      %get3A_253 = tpu.vector_load %arg19[%get3A_252] {strides = array<i32>} : memref<256xf32, #tpu.memory_space<vmem>>, vector<16xf32>,
      %get3A_254 = arith.constant 160 : index
      %get3A_255 = tpu.vector_load %arg19[%get3A_254] {strides = array<i32>} : memref<256xf32, #tpu.memory_space<vmem>>, vector<16xf32>,
      %get3A_256 = arith.constant 176 : index
      %get3A_257 = tpu.vector_load %arg19[%get3A_256] {strides = array<i32>} : memref<256xf32, #tpu.memory_space<vmem>>, vector<16xf32>,
      %get3A_258 = arith.constant 192 : index
      %get3A_259 = tpu.vector_load %arg19[%get3A_258] {strides = array<i32>} : memref<256xf32, #tpu.memory_space<vmem>>, vector<16xf32>,
      %get3A_260 = arith.constant 208 : index
      %get3A_261 = tpu.vector_load %arg19[%get3A_260] {strides = array<i32>} : memref<256xf32, #tpu.memory_space<vmem>>, vector<16xf32>,
      %get3A_262 = arith.constant 224 : index
      %get3A_263 = tpu.vector_load %arg19[%get3A_262] {strides = array<i32>} : memref<256xf32, #tpu.memory_space<vmem>>, vector<16xf32>,
      %get3A_264 = arith.constant 240 : index
      %get3A_265 = tpu.vector_load %arg19[%get3A_264] {strides = array<i32>} : memref<256xf32, #tpu.memory_space<vmem>>, vector<16xf32>,
      %add3A_266 = arith.addf %get3A_235, %get3A_237 : vector<16xf32>
      %add3A_267 = arith.addf %get3A_239, %get3A_241 : vector<16xf32>
      %add3A_268 = arith.addf %get3A_243, %get3A_245 : vector<16xf32>
      %add3A_269 = arith.addf %get3A_247, %get3A_249 : vector<16xf32>
      %add3A_270 = arith.addf %get3A_251, %get3A_253 : vector<16xf32>
      %add3A_271 = arith.addf %get3A_255, %get3A_257 : vector<16xf32>
      %add3A_272 = arith.addf %get3A_259, %get3A_261 : vector<16xf32>
      %add3A_273 = arith.addf %get3A_263, %get3A_265 : vector<16xf32>
      %add3A_274 = arith.addf %add3A_266, %add3A_267 : vector<16xf32>
      %add3A_275 = arith.addf %add3A_268, %add3A_269 : vector<16xf32>
      %add3A_276 = arith.addf %add3A_270, %add3A_271 : vector<16xf32>
      %add3A_277 = arith.addf %add3A_272, %add3A_273 : vector<16xf32>
      %add3A_278 = arith.addf %add3A_274, %add3A_275 : vector<16xf32>
      %add3A_279 = arith.addf %add3A_276, %add3A_277 : vector<16xf32>
      %add3A_280 = arith.addf %add3A_278, %add3A_279 : vector<16xf32>
      %bitcast3A = vector.bitcast %add3A_233 : vector<16xf32> to vector<16xi32>
      %shift_right_arithmetic3A = arith.constant 1 : i32
      %shift_right_arithmetic3A_281 = vector.broadcast %shift_right_arithmetic3A : i32 to vector<16xi32>
      %shift_right_arithmetic3A_282 = arith.shrsi %bitcast3A, %shift_right_arithmetic3A_281 : vector<16xi32>
      %sub3A = arith.constant 1597463007 : i32
      %sub3A_283 = vector.broadcast %sub3A : i32 to vector<16xi32>
      %sub3A_284 = arith.subi %sub3A_283, %shift_right_arithmetic3A_282 : vector<16xi32>
      %bitcast3A_285 = vector.bitcast %sub3A_284 : vector<16xi32> to vector<16xf32>
      %mul3A_286 = arith.constant 5.000000e-01 : f32
      %mul3A_287 = vector.broadcast %mul3A_286 : f32 to vector<16xf32>
      %mul3A_288 = arith.mulf %mul3A_287, %add3A_233 : vector<16xf32>
      %mul3A_289 = arith.mulf %mul3A_288, %bitcast3A_285 : vector<16xf32>
      %mul3A_290 = arith.mulf %mul3A_289, %bitcast3A_285 : vector<16xf32>
      %sub3A_291 = arith.constant 1.500000e+00 : f32
      %sub3A_292 = vector.broadcast %sub3A_291 : f32 to vector<16xf32>
      %sub3A_293 = arith.subf %sub3A_292, %mul3A_290 : vector<16xf32>
      %mul3A_294 = arith.mulf %bitcast3A_285, %sub3A_293 : vector<16xf32>
      %mul3A_295 = arith.constant 5.000000e-01 : f32
      %mul3A_296 = vector.broadcast %mul3A_295 : f32 to vector<16xf32>
      %mul3A_297 = arith.mulf %mul3A_296, %add3A_233 : vector<16xf32>
      %mul3A_298 = arith.mulf %mul3A_297, %mul3A_294 : vector<16xf32>
      %mul3A_299 = arith.mulf %mul3A_298, %mul3A_294 : vector<16xf32>
      %sub3A_300 = arith.constant 1.500000e+00 : f32
      %sub3A_301 = vector.broadcast %sub3A_300 : f32 to vector<16xf32>
      %sub3A_302 = arith.subf %sub3A_301, %mul3A_299 : vector<16xf32>
      %mul3A_303 = arith.mulf %mul3A_294, %sub3A_302 : vector<16xf32>
      %mul3A_304 = arith.mulf %add3A_186, %mul3A_303 : vector<16xf32>
      %bitcast3A_305 = vector.bitcast %add3A_280 : vector<16xf32> to vector<16xi32>
      %shift_right_arithmetic3A_306 = arith.constant 1 : i32
      %shift_right_arithmetic3A_307 = vector.broadcast %shift_right_arithmetic3A_306 : i32 to vector<16xi32>
      %shift_right_arithmetic3A_308 = arith.shrsi %bitcast3A_305, %shift_right_arithmetic3A_307 : vector<16xi32>
      %sub3A_309 = arith.constant 1597463007 : i32
      %sub3A_310 = vector.broadcast %sub3A_309 : i32 to vector<16xi32>
      %sub3A_311 = arith.subi %sub3A_310, %shift_right_arithmetic3A_308 : vector<16xi32>
      %bitcast3A_312 = vector.bitcast %sub3A_311 : vector<16xi32> to vector<16xf32>
      %mul3A_313 = arith.constant 5.000000e-01 : f32
      %mul3A_314 = vector.broadcast %mul3A_313 : f32 to vector<16xf32>
      %mul3A_315 = arith.mulf %mul3A_314, %add3A_280 : vector<16xf32>
      %mul3A_316 = arith.mulf %mul3A_315, %bitcast3A_312 : vector<16xf32>
      %mul3A_317 = arith.mulf %mul3A_316, %bitcast3A_312 : vector<16xf32>
      %sub3A_318 = arith.constant 1.500000e+00 : f32
      %sub3A_319 = vector.broadcast %sub3A_318 : f32 to vector<16xf32>
      %sub3A_320 = arith.subf %sub3A_319, %mul3A_317 : vector<16xf32>
      %mul3A_321 = arith.mulf %bitcast3A_312, %sub3A_320 : vector<16xf32>
      %mul3A_322 = arith.constant 5.000000e-01 : f32
      %mul3A_323 = vector.broadcast %mul3A_322 : f32 to vector<16xf32>
      %mul3A_324 = arith.mulf %mul3A_323, %add3A_280 : vector<16xf32>
      %mul3A_325 = arith.mulf %mul3A_324, %mul3A_321 : vector<16xf32>
      %mul3A_326 = arith.mulf %mul3A_325, %mul3A_321 : vector<16xf32>
      %sub3A_327 = arith.constant 1.500000e+00 : f32
      %sub3A_328 = vector.broadcast %sub3A_327 : f32 to vector<16xf32>
      %sub3A_329 = arith.subf %sub3A_328, %mul3A_326 : vector<16xf32>
      %mul3A_330 = arith.mulf %mul3A_321, %sub3A_329 : vector<16xf32>
      %mul3A_331 = arith.mulf %mul3A_304, %mul3A_330 : vector<16xf32>
      %mul3A_332 = arith.constant 16 : i32
      %mul3A_333 = arith.muli %scan3A_136, %mul3A_332 : i32
      %add3A_334 = arith.constant 0 : i32
      %add3A_335 = arith.addi %add3A_334, %mul3A_333 : i32
      %swap3A = arith.index_cast %add3A_335 : i32 to index
      %swap3A_336 = tpu.vector_load %arg20[%swap3A] {strides = array<i32>} : memref<512xf32, #tpu.memory_space<vmem>>, vector<16xf32>,
      tpu.vector_store %arg20[%swap3A], %mul3A_331 {strides = array<i32>} : memref<512xf32, #tpu.memory_space<vmem>>, vector<16xf32>,
      %scan3A_337 = arith.constant 0 : i32
      scf.yield %scan3A_337 : i32
    }
    %scan3A_64 = arith.constant 8 : i32
    %dma_start3A_65 = arith.constant 256 : i32
    %dma_start3A_66 = tpu.memref_slice %arg7[%dma_start3A_65] : memref<512xi32, #tpu.memory_space<vmem>> -> memref<128xi32, #tpu.memory_space<vmem>>
    %dma_start3A_67 = arith.constant 0 : i32
    %dma_start3A_68 = arith.constant 0 : i32
    %dma_start3A_69 = tpu.memref_slice %arg2[%dma_start3A_67, %dma_start3A_68] : memref<100000x128xf32, #tpu.memory_space<hbm>> -> memref<100000x128xf32, #tpu.memory_space<hbm>>
    tpu.enqueue_indirect_dma source(%dma_start3A_69 : memref<100000x128xf32, #tpu.memory_space<hbm>>) target(%arg15 : memref<128x128xf32, #tpu.memory_space<vmem>>) offsets(%dma_start3A_66 : memref<128xi32, #tpu.memory_space<vmem>>) semaphore(%arg25 : memref<!tpu.dma_semaphore, #tpu.memory_space<semaphore_mem>>)
    %dma_start3A_70 = arith.constant 256 : i32
    %dma_start3A_71 = tpu.memref_slice %arg8[%dma_start3A_70] : memref<512xi32, #tpu.memory_space<vmem>> -> memref<128xi32, #tpu.memory_space<vmem>>
    %dma_start3A_72 = arith.constant 0 : i32
    %dma_start3A_73 = arith.constant 0 : i32
    %dma_start3A_74 = tpu.memref_slice %arg2[%dma_start3A_72, %dma_start3A_73] : memref<100000x128xf32, #tpu.memory_space<hbm>> -> memref<100000x128xf32, #tpu.memory_space<hbm>>
    tpu.enqueue_indirect_dma source(%dma_start3A_74 : memref<100000x128xf32, #tpu.memory_space<hbm>>) target(%arg16 : memref<128x128xf32, #tpu.memory_space<vmem>>) offsets(%dma_start3A_71 : memref<128xi32, #tpu.memory_space<vmem>>) semaphore(%arg26 : memref<!tpu.dma_semaphore, #tpu.memory_space<semaphore_mem>>)
    %dma_wait3A_75 = arith.constant 128 : i32
    %dma_wait3A_76 = tpu.memref_slice %arg7[%dma_wait3A_75] : memref<512xi32, #tpu.memory_space<vmem>> -> memref<128xi32, #tpu.memory_space<vmem>>
    %dma_wait3A_77 = arith.constant 0 : i32
    %dma_wait3A_78 = arith.constant 0 : i32
    %dma_wait3A_79 = tpu.memref_slice %arg2[%dma_wait3A_77, %dma_wait3A_78] : memref<100000x128xf32, #tpu.memory_space<hbm>> -> memref<100000x128xf32, #tpu.memory_space<hbm>>
    tpu.wait_indirect_dma semaphore(%arg23 : memref<!tpu.dma_semaphore, #tpu.memory_space<semaphore_mem>>) src(%dma_wait3A_79 : memref<100000x128xf32, #tpu.memory_space<hbm>>) dst(%arg13 : memref<128x128xf32, #tpu.memory_space<vmem>>)
    %dma_wait3A_80 = arith.constant 128 : i32
    %dma_wait3A_81 = tpu.memref_slice %arg8[%dma_wait3A_80] : memref<512xi32, #tpu.memory_space<vmem>> -> memref<128xi32, #tpu.memory_space<vmem>>
    %dma_wait3A_82 = arith.constant 0 : i32
    %dma_wait3A_83 = arith.constant 0 : i32
    %dma_wait3A_84 = tpu.memref_slice %arg2[%dma_wait3A_82, %dma_wait3A_83] : memref<100000x128xf32, #tpu.memory_space<hbm>> -> memref<100000x128xf32, #tpu.memory_space<hbm>>
    tpu.wait_indirect_dma semaphore(%arg24 : memref<!tpu.dma_semaphore, #tpu.memory_space<semaphore_mem>>) src(%dma_wait3A_84 : memref<100000x128xf32, #tpu.memory_space<hbm>>) dst(%arg14 : memref<128x128xf32, #tpu.memory_space<vmem>>)
    %scan3A_85 = arith.constant 0 : i32
    %scan3A_86 = arith.constant 0 : i32
    %scan3A_87 = arith.constant 8 : i32
    %scan3A_88 = arith.addi %scan3A_86, %scan3A_87 : i32
    %scan3A_89 = arith.constant 1 : i32
    %scan3A_90 = scf.for %scan3A_136 = %scan3A_86 to %scan3A_88 step %scan3A_89 iter_args(%scan3A_137 = %scan3A_85) -> (i32)  : i32 {
      %parallel_loop3A = arith.constant 0 : i32
      %parallel_loop3A_138 = arith.constant 16 : i32
      %parallel_loop3A_139 = arith.constant 1 : i32
      scf.for %parallel_loop3A_338 = %parallel_loop3A to %parallel_loop3A_138 step %parallel_loop3A_139  : i32 {
        %parallel_loop3A_339 = arith.constant 16 : i32
        %parallel_loop3A_340 = arith.muli %scan3A_136, %parallel_loop3A_339 : i32
        %parallel_loop3A_341 = arith.addi %parallel_loop3A_340, %parallel_loop3A_338 : i32
        %parallel_loop3A_342 = arith.index_cast %parallel_loop3A_341 : i32 to index
        %parallel_loop3A_343 = arith.constant 0 : index
        %parallel_loop3A_344 = tpu.vector_load %arg13[%parallel_loop3A_342, %parallel_loop3A_343] {strides = array<i32>} : memref<128x128xf32, #tpu.memory_space<vmem>>, vector<16xf32>,
        %parallel_loop3A_345 = arith.index_cast %parallel_loop3A_341 : i32 to index
        %parallel_loop3A_346 = arith.constant 0 : index
        %parallel_loop3A_347 = tpu.vector_load %arg14[%parallel_loop3A_345, %parallel_loop3A_346] {strides = array<i32>} : memref<128x128xf32, #tpu.memory_space<vmem>>, vector<16xf32>,
        %parallel_loop3A_348 = arith.mulf %parallel_loop3A_344, %parallel_loop3A_347 : vector<16xf32>
        %parallel_loop3A_349 = arith.mulf %parallel_loop3A_348, %mul3A_15 : vector<16xf32>
        %parallel_loop3A_350 = arith.mulf %parallel_loop3A_344, %parallel_loop3A_344 : vector<16xf32>
        %parallel_loop3A_351 = arith.mulf %parallel_loop3A_347, %parallel_loop3A_347 : vector<16xf32>
        %parallel_loop3A_352 = arith.index_cast %parallel_loop3A_341 : i32 to index
        %parallel_loop3A_353 = arith.constant 16 : index
        %parallel_loop3A_354 = tpu.vector_load %arg13[%parallel_loop3A_352, %parallel_loop3A_353] {strides = array<i32>} : memref<128x128xf32, #tpu.memory_space<vmem>>, vector<16xf32>,
        %parallel_loop3A_355 = arith.index_cast %parallel_loop3A_341 : i32 to index
        %parallel_loop3A_356 = arith.constant 16 : index
        %parallel_loop3A_357 = tpu.vector_load %arg14[%parallel_loop3A_355, %parallel_loop3A_356] {strides = array<i32>} : memref<128x128xf32, #tpu.memory_space<vmem>>, vector<16xf32>,
        %parallel_loop3A_358 = arith.mulf %parallel_loop3A_354, %parallel_loop3A_357 : vector<16xf32>
        %parallel_loop3A_359 = arith.mulf %parallel_loop3A_358, %mul3A_18 : vector<16xf32>
        %parallel_loop3A_360 = arith.addf %parallel_loop3A_349, %parallel_loop3A_359 : vector<16xf32>
        %parallel_loop3A_361 = arith.mulf %parallel_loop3A_354, %parallel_loop3A_354 : vector<16xf32>
        %parallel_loop3A_362 = arith.addf %parallel_loop3A_350, %parallel_loop3A_361 : vector<16xf32>
        %parallel_loop3A_363 = arith.mulf %parallel_loop3A_357, %parallel_loop3A_357 : vector<16xf32>
        %parallel_loop3A_364 = arith.addf %parallel_loop3A_351, %parallel_loop3A_363 : vector<16xf32>
        %parallel_loop3A_365 = arith.index_cast %parallel_loop3A_341 : i32 to index
        %parallel_loop3A_366 = arith.constant 32 : index
        %parallel_loop3A_367 = tpu.vector_load %arg13[%parallel_loop3A_365, %parallel_loop3A_366] {strides = array<i32>} : memref<128x128xf32, #tpu.memory_space<vmem>>, vector<16xf32>,
        %parallel_loop3A_368 = arith.index_cast %parallel_loop3A_341 : i32 to index
        %parallel_loop3A_369 = arith.constant 32 : index
        %parallel_loop3A_370 = tpu.vector_load %arg14[%parallel_loop3A_368, %parallel_loop3A_369] {strides = array<i32>} : memref<128x128xf32, #tpu.memory_space<vmem>>, vector<16xf32>,
        %parallel_loop3A_371 = arith.mulf %parallel_loop3A_367, %parallel_loop3A_370 : vector<16xf32>
        %parallel_loop3A_372 = arith.mulf %parallel_loop3A_371, %mul3A_21 : vector<16xf32>
        %parallel_loop3A_373 = arith.addf %parallel_loop3A_360, %parallel_loop3A_372 : vector<16xf32>
        %parallel_loop3A_374 = arith.mulf %parallel_loop3A_367, %parallel_loop3A_367 : vector<16xf32>
        %parallel_loop3A_375 = arith.addf %parallel_loop3A_362, %parallel_loop3A_374 : vector<16xf32>
        %parallel_loop3A_376 = arith.mulf %parallel_loop3A_370, %parallel_loop3A_370 : vector<16xf32>
        %parallel_loop3A_377 = arith.addf %parallel_loop3A_364, %parallel_loop3A_376 : vector<16xf32>
        %parallel_loop3A_378 = arith.index_cast %parallel_loop3A_341 : i32 to index
        %parallel_loop3A_379 = arith.constant 48 : index
        %parallel_loop3A_380 = tpu.vector_load %arg13[%parallel_loop3A_378, %parallel_loop3A_379] {strides = array<i32>} : memref<128x128xf32, #tpu.memory_space<vmem>>, vector<16xf32>,
        %parallel_loop3A_381 = arith.index_cast %parallel_loop3A_341 : i32 to index
        %parallel_loop3A_382 = arith.constant 48 : index
        %parallel_loop3A_383 = tpu.vector_load %arg14[%parallel_loop3A_381, %parallel_loop3A_382] {strides = array<i32>} : memref<128x128xf32, #tpu.memory_space<vmem>>, vector<16xf32>,
        %parallel_loop3A_384 = arith.mulf %parallel_loop3A_380, %parallel_loop3A_383 : vector<16xf32>
        %parallel_loop3A_385 = arith.mulf %parallel_loop3A_384, %mul3A_24 : vector<16xf32>
        %parallel_loop3A_386 = arith.addf %parallel_loop3A_373, %parallel_loop3A_385 : vector<16xf32>
        %parallel_loop3A_387 = arith.mulf %parallel_loop3A_380, %parallel_loop3A_380 : vector<16xf32>
        %parallel_loop3A_388 = arith.addf %parallel_loop3A_375, %parallel_loop3A_387 : vector<16xf32>
        %parallel_loop3A_389 = arith.mulf %parallel_loop3A_383, %parallel_loop3A_383 : vector<16xf32>
        %parallel_loop3A_390 = arith.addf %parallel_loop3A_377, %parallel_loop3A_389 : vector<16xf32>
        %parallel_loop3A_391 = arith.index_cast %parallel_loop3A_341 : i32 to index
        %parallel_loop3A_392 = arith.constant 64 : index
        %parallel_loop3A_393 = tpu.vector_load %arg13[%parallel_loop3A_391, %parallel_loop3A_392] {strides = array<i32>} : memref<128x128xf32, #tpu.memory_space<vmem>>, vector<16xf32>,
        %parallel_loop3A_394 = arith.index_cast %parallel_loop3A_341 : i32 to index
        %parallel_loop3A_395 = arith.constant 64 : index
        %parallel_loop3A_396 = tpu.vector_load %arg14[%parallel_loop3A_394, %parallel_loop3A_395] {strides = array<i32>} : memref<128x128xf32, #tpu.memory_space<vmem>>, vector<16xf32>,
        %parallel_loop3A_397 = arith.mulf %parallel_loop3A_393, %parallel_loop3A_396 : vector<16xf32>
        %parallel_loop3A_398 = arith.mulf %parallel_loop3A_397, %mul3A_27 : vector<16xf32>
        %parallel_loop3A_399 = arith.addf %parallel_loop3A_386, %parallel_loop3A_398 : vector<16xf32>
        %parallel_loop3A_400 = arith.mulf %parallel_loop3A_393, %parallel_loop3A_393 : vector<16xf32>
        %parallel_loop3A_401 = arith.addf %parallel_loop3A_388, %parallel_loop3A_400 : vector<16xf32>
        %parallel_loop3A_402 = arith.mulf %parallel_loop3A_396, %parallel_loop3A_396 : vector<16xf32>
        %parallel_loop3A_403 = arith.addf %parallel_loop3A_390, %parallel_loop3A_402 : vector<16xf32>
        %parallel_loop3A_404 = arith.index_cast %parallel_loop3A_341 : i32 to index
        %parallel_loop3A_405 = arith.constant 80 : index
        %parallel_loop3A_406 = tpu.vector_load %arg13[%parallel_loop3A_404, %parallel_loop3A_405] {strides = array<i32>} : memref<128x128xf32, #tpu.memory_space<vmem>>, vector<16xf32>,
        %parallel_loop3A_407 = arith.index_cast %parallel_loop3A_341 : i32 to index
        %parallel_loop3A_408 = arith.constant 80 : index
        %parallel_loop3A_409 = tpu.vector_load %arg14[%parallel_loop3A_407, %parallel_loop3A_408] {strides = array<i32>} : memref<128x128xf32, #tpu.memory_space<vmem>>, vector<16xf32>,
        %parallel_loop3A_410 = arith.mulf %parallel_loop3A_406, %parallel_loop3A_409 : vector<16xf32>
        %parallel_loop3A_411 = arith.mulf %parallel_loop3A_410, %mul3A_30 : vector<16xf32>
        %parallel_loop3A_412 = arith.addf %parallel_loop3A_399, %parallel_loop3A_411 : vector<16xf32>
        %parallel_loop3A_413 = arith.mulf %parallel_loop3A_406, %parallel_loop3A_406 : vector<16xf32>
        %parallel_loop3A_414 = arith.addf %parallel_loop3A_401, %parallel_loop3A_413 : vector<16xf32>
        %parallel_loop3A_415 = arith.mulf %parallel_loop3A_409, %parallel_loop3A_409 : vector<16xf32>
        %parallel_loop3A_416 = arith.addf %parallel_loop3A_403, %parallel_loop3A_415 : vector<16xf32>
        %parallel_loop3A_417 = arith.index_cast %parallel_loop3A_341 : i32 to index
        %parallel_loop3A_418 = arith.constant 96 : index
        %parallel_loop3A_419 = tpu.vector_load %arg13[%parallel_loop3A_417, %parallel_loop3A_418] {strides = array<i32>} : memref<128x128xf32, #tpu.memory_space<vmem>>, vector<16xf32>,
        %parallel_loop3A_420 = arith.index_cast %parallel_loop3A_341 : i32 to index
        %parallel_loop3A_421 = arith.constant 96 : index
        %parallel_loop3A_422 = tpu.vector_load %arg14[%parallel_loop3A_420, %parallel_loop3A_421] {strides = array<i32>} : memref<128x128xf32, #tpu.memory_space<vmem>>, vector<16xf32>,
        %parallel_loop3A_423 = arith.mulf %parallel_loop3A_419, %parallel_loop3A_422 : vector<16xf32>
        %parallel_loop3A_424 = arith.mulf %parallel_loop3A_423, %mul3A_33 : vector<16xf32>
        %parallel_loop3A_425 = arith.addf %parallel_loop3A_412, %parallel_loop3A_424 : vector<16xf32>
        %parallel_loop3A_426 = arith.mulf %parallel_loop3A_419, %parallel_loop3A_419 : vector<16xf32>
        %parallel_loop3A_427 = arith.addf %parallel_loop3A_414, %parallel_loop3A_426 : vector<16xf32>
        %parallel_loop3A_428 = arith.mulf %parallel_loop3A_422, %parallel_loop3A_422 : vector<16xf32>
        %parallel_loop3A_429 = arith.addf %parallel_loop3A_416, %parallel_loop3A_428 : vector<16xf32>
        %parallel_loop3A_430 = arith.index_cast %parallel_loop3A_341 : i32 to index
        %parallel_loop3A_431 = arith.constant 112 : index
        %parallel_loop3A_432 = tpu.vector_load %arg13[%parallel_loop3A_430, %parallel_loop3A_431] {strides = array<i32>} : memref<128x128xf32, #tpu.memory_space<vmem>>, vector<16xf32>,
        %parallel_loop3A_433 = arith.index_cast %parallel_loop3A_341 : i32 to index
        %parallel_loop3A_434 = arith.constant 112 : index
        %parallel_loop3A_435 = tpu.vector_load %arg14[%parallel_loop3A_433, %parallel_loop3A_434] {strides = array<i32>} : memref<128x128xf32, #tpu.memory_space<vmem>>, vector<16xf32>,
        %parallel_loop3A_436 = arith.mulf %parallel_loop3A_432, %parallel_loop3A_435 : vector<16xf32>
        %parallel_loop3A_437 = arith.mulf %parallel_loop3A_436, %mul3A_36 : vector<16xf32>
        %parallel_loop3A_438 = arith.addf %parallel_loop3A_425, %parallel_loop3A_437 : vector<16xf32>
        %parallel_loop3A_439 = arith.mulf %parallel_loop3A_432, %parallel_loop3A_432 : vector<16xf32>
        %parallel_loop3A_440 = arith.addf %parallel_loop3A_427, %parallel_loop3A_439 : vector<16xf32>
        %parallel_loop3A_441 = arith.mulf %parallel_loop3A_435, %parallel_loop3A_435 : vector<16xf32>
        %parallel_loop3A_442 = arith.addf %parallel_loop3A_429, %parallel_loop3A_441 : vector<16xf32>
        %parallel_loop3A_443 = vector.broadcast %parallel_loop3A_338 : i32 to vector<16xi32>
        %parallel_loop3A_444 = arith.addi %mul3A_39, %parallel_loop3A_443 : vector<16xi32>
        tpu.vector_store_idx %arg17[%parallel_loop3A_444], %parallel_loop3A_438 : memref<256xf32, #tpu.memory_space<vmem>>[vector<16xi32>], vector<16xf32>,
        tpu.vector_store_idx %arg18[%parallel_loop3A_444], %parallel_loop3A_440 : memref<256xf32, #tpu.memory_space<vmem>>[vector<16xi32>], vector<16xf32>,
        tpu.vector_store_idx %arg19[%parallel_loop3A_444], %parallel_loop3A_442 : memref<256xf32, #tpu.memory_space<vmem>>[vector<16xi32>], vector<16xf32>,
      } {sc.loop_unroll_factor = 1 : i64, sc.parallel_access}
      %get3A_140 = arith.constant 0 : index
      %get3A_141 = tpu.vector_load %arg17[%get3A_140] {strides = array<i32>} : memref<256xf32, #tpu.memory_space<vmem>>, vector<16xf32>,
      %get3A_142 = arith.constant 16 : index
      %get3A_143 = tpu.vector_load %arg17[%get3A_142] {strides = array<i32>} : memref<256xf32, #tpu.memory_space<vmem>>, vector<16xf32>,
      %get3A_144 = arith.constant 32 : index
      %get3A_145 = tpu.vector_load %arg17[%get3A_144] {strides = array<i32>} : memref<256xf32, #tpu.memory_space<vmem>>, vector<16xf32>,
      %get3A_146 = arith.constant 48 : index
      %get3A_147 = tpu.vector_load %arg17[%get3A_146] {strides = array<i32>} : memref<256xf32, #tpu.memory_space<vmem>>, vector<16xf32>,
      %get3A_148 = arith.constant 64 : index
      %get3A_149 = tpu.vector_load %arg17[%get3A_148] {strides = array<i32>} : memref<256xf32, #tpu.memory_space<vmem>>, vector<16xf32>,
      %get3A_150 = arith.constant 80 : index
      %get3A_151 = tpu.vector_load %arg17[%get3A_150] {strides = array<i32>} : memref<256xf32, #tpu.memory_space<vmem>>, vector<16xf32>,
      %get3A_152 = arith.constant 96 : index
      %get3A_153 = tpu.vector_load %arg17[%get3A_152] {strides = array<i32>} : memref<256xf32, #tpu.memory_space<vmem>>, vector<16xf32>,
      %get3A_154 = arith.constant 112 : index
      %get3A_155 = tpu.vector_load %arg17[%get3A_154] {strides = array<i32>} : memref<256xf32, #tpu.memory_space<vmem>>, vector<16xf32>,
      %get3A_156 = arith.constant 128 : index
      %get3A_157 = tpu.vector_load %arg17[%get3A_156] {strides = array<i32>} : memref<256xf32, #tpu.memory_space<vmem>>, vector<16xf32>,
      %get3A_158 = arith.constant 144 : index
      %get3A_159 = tpu.vector_load %arg17[%get3A_158] {strides = array<i32>} : memref<256xf32, #tpu.memory_space<vmem>>, vector<16xf32>,
      %get3A_160 = arith.constant 160 : index
      %get3A_161 = tpu.vector_load %arg17[%get3A_160] {strides = array<i32>} : memref<256xf32, #tpu.memory_space<vmem>>, vector<16xf32>,
      %get3A_162 = arith.constant 176 : index
      %get3A_163 = tpu.vector_load %arg17[%get3A_162] {strides = array<i32>} : memref<256xf32, #tpu.memory_space<vmem>>, vector<16xf32>,
      %get3A_164 = arith.constant 192 : index
      %get3A_165 = tpu.vector_load %arg17[%get3A_164] {strides = array<i32>} : memref<256xf32, #tpu.memory_space<vmem>>, vector<16xf32>,
      %get3A_166 = arith.constant 208 : index
      %get3A_167 = tpu.vector_load %arg17[%get3A_166] {strides = array<i32>} : memref<256xf32, #tpu.memory_space<vmem>>, vector<16xf32>,
      %get3A_168 = arith.constant 224 : index
      %get3A_169 = tpu.vector_load %arg17[%get3A_168] {strides = array<i32>} : memref<256xf32, #tpu.memory_space<vmem>>, vector<16xf32>,
      %get3A_170 = arith.constant 240 : index
      %get3A_171 = tpu.vector_load %arg17[%get3A_170] {strides = array<i32>} : memref<256xf32, #tpu.memory_space<vmem>>, vector<16xf32>,
      %add3A_172 = arith.addf %get3A_141, %get3A_143 : vector<16xf32>
      %add3A_173 = arith.addf %get3A_145, %get3A_147 : vector<16xf32>
      %add3A_174 = arith.addf %get3A_149, %get3A_151 : vector<16xf32>
      %add3A_175 = arith.addf %get3A_153, %get3A_155 : vector<16xf32>
      %add3A_176 = arith.addf %get3A_157, %get3A_159 : vector<16xf32>
      %add3A_177 = arith.addf %get3A_161, %get3A_163 : vector<16xf32>
      %add3A_178 = arith.addf %get3A_165, %get3A_167 : vector<16xf32>
      %add3A_179 = arith.addf %get3A_169, %get3A_171 : vector<16xf32>
      %add3A_180 = arith.addf %add3A_172, %add3A_173 : vector<16xf32>
      %add3A_181 = arith.addf %add3A_174, %add3A_175 : vector<16xf32>
      %add3A_182 = arith.addf %add3A_176, %add3A_177 : vector<16xf32>
      %add3A_183 = arith.addf %add3A_178, %add3A_179 : vector<16xf32>
      %add3A_184 = arith.addf %add3A_180, %add3A_181 : vector<16xf32>
      %add3A_185 = arith.addf %add3A_182, %add3A_183 : vector<16xf32>
      %add3A_186 = arith.addf %add3A_184, %add3A_185 : vector<16xf32>
      %get3A_187 = arith.constant 0 : index
      %get3A_188 = tpu.vector_load %arg18[%get3A_187] {strides = array<i32>} : memref<256xf32, #tpu.memory_space<vmem>>, vector<16xf32>,
      %get3A_189 = arith.constant 16 : index
      %get3A_190 = tpu.vector_load %arg18[%get3A_189] {strides = array<i32>} : memref<256xf32, #tpu.memory_space<vmem>>, vector<16xf32>,
      %get3A_191 = arith.constant 32 : index
      %get3A_192 = tpu.vector_load %arg18[%get3A_191] {strides = array<i32>} : memref<256xf32, #tpu.memory_space<vmem>>, vector<16xf32>,
      %get3A_193 = arith.constant 48 : index
      %get3A_194 = tpu.vector_load %arg18[%get3A_193] {strides = array<i32>} : memref<256xf32, #tpu.memory_space<vmem>>, vector<16xf32>,
      %get3A_195 = arith.constant 64 : index
      %get3A_196 = tpu.vector_load %arg18[%get3A_195] {strides = array<i32>} : memref<256xf32, #tpu.memory_space<vmem>>, vector<16xf32>,
      %get3A_197 = arith.constant 80 : index
      %get3A_198 = tpu.vector_load %arg18[%get3A_197] {strides = array<i32>} : memref<256xf32, #tpu.memory_space<vmem>>, vector<16xf32>,
      %get3A_199 = arith.constant 96 : index
      %get3A_200 = tpu.vector_load %arg18[%get3A_199] {strides = array<i32>} : memref<256xf32, #tpu.memory_space<vmem>>, vector<16xf32>,
      %get3A_201 = arith.constant 112 : index
      %get3A_202 = tpu.vector_load %arg18[%get3A_201] {strides = array<i32>} : memref<256xf32, #tpu.memory_space<vmem>>, vector<16xf32>,
      %get3A_203 = arith.constant 128 : index
      %get3A_204 = tpu.vector_load %arg18[%get3A_203] {strides = array<i32>} : memref<256xf32, #tpu.memory_space<vmem>>, vector<16xf32>,
      %get3A_205 = arith.constant 144 : index
      %get3A_206 = tpu.vector_load %arg18[%get3A_205] {strides = array<i32>} : memref<256xf32, #tpu.memory_space<vmem>>, vector<16xf32>,
      %get3A_207 = arith.constant 160 : index
      %get3A_208 = tpu.vector_load %arg18[%get3A_207] {strides = array<i32>} : memref<256xf32, #tpu.memory_space<vmem>>, vector<16xf32>,
      %get3A_209 = arith.constant 176 : index
      %get3A_210 = tpu.vector_load %arg18[%get3A_209] {strides = array<i32>} : memref<256xf32, #tpu.memory_space<vmem>>, vector<16xf32>,
      %get3A_211 = arith.constant 192 : index
      %get3A_212 = tpu.vector_load %arg18[%get3A_211] {strides = array<i32>} : memref<256xf32, #tpu.memory_space<vmem>>, vector<16xf32>,
      %get3A_213 = arith.constant 208 : index
      %get3A_214 = tpu.vector_load %arg18[%get3A_213] {strides = array<i32>} : memref<256xf32, #tpu.memory_space<vmem>>, vector<16xf32>,
      %get3A_215 = arith.constant 224 : index
      %get3A_216 = tpu.vector_load %arg18[%get3A_215] {strides = array<i32>} : memref<256xf32, #tpu.memory_space<vmem>>, vector<16xf32>,
      %get3A_217 = arith.constant 240 : index
      %get3A_218 = tpu.vector_load %arg18[%get3A_217] {strides = array<i32>} : memref<256xf32, #tpu.memory_space<vmem>>, vector<16xf32>,
      %add3A_219 = arith.addf %get3A_188, %get3A_190 : vector<16xf32>
      %add3A_220 = arith.addf %get3A_192, %get3A_194 : vector<16xf32>
      %add3A_221 = arith.addf %get3A_196, %get3A_198 : vector<16xf32>
      %add3A_222 = arith.addf %get3A_200, %get3A_202 : vector<16xf32>
      %add3A_223 = arith.addf %get3A_204, %get3A_206 : vector<16xf32>
      %add3A_224 = arith.addf %get3A_208, %get3A_210 : vector<16xf32>
      %add3A_225 = arith.addf %get3A_212, %get3A_214 : vector<16xf32>
      %add3A_226 = arith.addf %get3A_216, %get3A_218 : vector<16xf32>
      %add3A_227 = arith.addf %add3A_219, %add3A_220 : vector<16xf32>
      %add3A_228 = arith.addf %add3A_221, %add3A_222 : vector<16xf32>
      %add3A_229 = arith.addf %add3A_223, %add3A_224 : vector<16xf32>
      %add3A_230 = arith.addf %add3A_225, %add3A_226 : vector<16xf32>
      %add3A_231 = arith.addf %add3A_227, %add3A_228 : vector<16xf32>
      %add3A_232 = arith.addf %add3A_229, %add3A_230 : vector<16xf32>
      %add3A_233 = arith.addf %add3A_231, %add3A_232 : vector<16xf32>
      %get3A_234 = arith.constant 0 : index
      %get3A_235 = tpu.vector_load %arg19[%get3A_234] {strides = array<i32>} : memref<256xf32, #tpu.memory_space<vmem>>, vector<16xf32>,
      %get3A_236 = arith.constant 16 : index
      %get3A_237 = tpu.vector_load %arg19[%get3A_236] {strides = array<i32>} : memref<256xf32, #tpu.memory_space<vmem>>, vector<16xf32>,
      %get3A_238 = arith.constant 32 : index
      %get3A_239 = tpu.vector_load %arg19[%get3A_238] {strides = array<i32>} : memref<256xf32, #tpu.memory_space<vmem>>, vector<16xf32>,
      %get3A_240 = arith.constant 48 : index
      %get3A_241 = tpu.vector_load %arg19[%get3A_240] {strides = array<i32>} : memref<256xf32, #tpu.memory_space<vmem>>, vector<16xf32>,
      %get3A_242 = arith.constant 64 : index
      %get3A_243 = tpu.vector_load %arg19[%get3A_242] {strides = array<i32>} : memref<256xf32, #tpu.memory_space<vmem>>, vector<16xf32>,
      %get3A_244 = arith.constant 80 : index
      %get3A_245 = tpu.vector_load %arg19[%get3A_244] {strides = array<i32>} : memref<256xf32, #tpu.memory_space<vmem>>, vector<16xf32>,
      %get3A_246 = arith.constant 96 : index
      %get3A_247 = tpu.vector_load %arg19[%get3A_246] {strides = array<i32>} : memref<256xf32, #tpu.memory_space<vmem>>, vector<16xf32>,
      %get3A_248 = arith.constant 112 : index
      %get3A_249 = tpu.vector_load %arg19[%get3A_248] {strides = array<i32>} : memref<256xf32, #tpu.memory_space<vmem>>, vector<16xf32>,
      %get3A_250 = arith.constant 128 : index
      %get3A_251 = tpu.vector_load %arg19[%get3A_250] {strides = array<i32>} : memref<256xf32, #tpu.memory_space<vmem>>, vector<16xf32>,
      %get3A_252 = arith.constant 144 : index
      %get3A_253 = tpu.vector_load %arg19[%get3A_252] {strides = array<i32>} : memref<256xf32, #tpu.memory_space<vmem>>, vector<16xf32>,
      %get3A_254 = arith.constant 160 : index
      %get3A_255 = tpu.vector_load %arg19[%get3A_254] {strides = array<i32>} : memref<256xf32, #tpu.memory_space<vmem>>, vector<16xf32>,
      %get3A_256 = arith.constant 176 : index
      %get3A_257 = tpu.vector_load %arg19[%get3A_256] {strides = array<i32>} : memref<256xf32, #tpu.memory_space<vmem>>, vector<16xf32>,
      %get3A_258 = arith.constant 192 : index
      %get3A_259 = tpu.vector_load %arg19[%get3A_258] {strides = array<i32>} : memref<256xf32, #tpu.memory_space<vmem>>, vector<16xf32>,
      %get3A_260 = arith.constant 208 : index
      %get3A_261 = tpu.vector_load %arg19[%get3A_260] {strides = array<i32>} : memref<256xf32, #tpu.memory_space<vmem>>, vector<16xf32>,
      %get3A_262 = arith.constant 224 : index
      %get3A_263 = tpu.vector_load %arg19[%get3A_262] {strides = array<i32>} : memref<256xf32, #tpu.memory_space<vmem>>, vector<16xf32>,
      %get3A_264 = arith.constant 240 : index
      %get3A_265 = tpu.vector_load %arg19[%get3A_264] {strides = array<i32>} : memref<256xf32, #tpu.memory_space<vmem>>, vector<16xf32>,
      %add3A_266 = arith.addf %get3A_235, %get3A_237 : vector<16xf32>
      %add3A_267 = arith.addf %get3A_239, %get3A_241 : vector<16xf32>
      %add3A_268 = arith.addf %get3A_243, %get3A_245 : vector<16xf32>
      %add3A_269 = arith.addf %get3A_247, %get3A_249 : vector<16xf32>
      %add3A_270 = arith.addf %get3A_251, %get3A_253 : vector<16xf32>
      %add3A_271 = arith.addf %get3A_255, %get3A_257 : vector<16xf32>
      %add3A_272 = arith.addf %get3A_259, %get3A_261 : vector<16xf32>
      %add3A_273 = arith.addf %get3A_263, %get3A_265 : vector<16xf32>
      %add3A_274 = arith.addf %add3A_266, %add3A_267 : vector<16xf32>
      %add3A_275 = arith.addf %add3A_268, %add3A_269 : vector<16xf32>
      %add3A_276 = arith.addf %add3A_270, %add3A_271 : vector<16xf32>
      %add3A_277 = arith.addf %add3A_272, %add3A_273 : vector<16xf32>
      %add3A_278 = arith.addf %add3A_274, %add3A_275 : vector<16xf32>
      %add3A_279 = arith.addf %add3A_276, %add3A_277 : vector<16xf32>
      %add3A_280 = arith.addf %add3A_278, %add3A_279 : vector<16xf32>
      %bitcast3A = vector.bitcast %add3A_233 : vector<16xf32> to vector<16xi32>
      %shift_right_arithmetic3A = arith.constant 1 : i32
      %shift_right_arithmetic3A_281 = vector.broadcast %shift_right_arithmetic3A : i32 to vector<16xi32>
      %shift_right_arithmetic3A_282 = arith.shrsi %bitcast3A, %shift_right_arithmetic3A_281 : vector<16xi32>
      %sub3A = arith.constant 1597463007 : i32
      %sub3A_283 = vector.broadcast %sub3A : i32 to vector<16xi32>
      %sub3A_284 = arith.subi %sub3A_283, %shift_right_arithmetic3A_282 : vector<16xi32>
      %bitcast3A_285 = vector.bitcast %sub3A_284 : vector<16xi32> to vector<16xf32>
      %mul3A_286 = arith.constant 5.000000e-01 : f32
      %mul3A_287 = vector.broadcast %mul3A_286 : f32 to vector<16xf32>
      %mul3A_288 = arith.mulf %mul3A_287, %add3A_233 : vector<16xf32>
      %mul3A_289 = arith.mulf %mul3A_288, %bitcast3A_285 : vector<16xf32>
      %mul3A_290 = arith.mulf %mul3A_289, %bitcast3A_285 : vector<16xf32>
      %sub3A_291 = arith.constant 1.500000e+00 : f32
      %sub3A_292 = vector.broadcast %sub3A_291 : f32 to vector<16xf32>
      %sub3A_293 = arith.subf %sub3A_292, %mul3A_290 : vector<16xf32>
      %mul3A_294 = arith.mulf %bitcast3A_285, %sub3A_293 : vector<16xf32>
      %mul3A_295 = arith.constant 5.000000e-01 : f32
      %mul3A_296 = vector.broadcast %mul3A_295 : f32 to vector<16xf32>
      %mul3A_297 = arith.mulf %mul3A_296, %add3A_233 : vector<16xf32>
      %mul3A_298 = arith.mulf %mul3A_297, %mul3A_294 : vector<16xf32>
      %mul3A_299 = arith.mulf %mul3A_298, %mul3A_294 : vector<16xf32>
      %sub3A_300 = arith.constant 1.500000e+00 : f32
      %sub3A_301 = vector.broadcast %sub3A_300 : f32 to vector<16xf32>
      %sub3A_302 = arith.subf %sub3A_301, %mul3A_299 : vector<16xf32>
      %mul3A_303 = arith.mulf %mul3A_294, %sub3A_302 : vector<16xf32>
      %mul3A_304 = arith.mulf %add3A_186, %mul3A_303 : vector<16xf32>
      %bitcast3A_305 = vector.bitcast %add3A_280 : vector<16xf32> to vector<16xi32>
      %shift_right_arithmetic3A_306 = arith.constant 1 : i32
      %shift_right_arithmetic3A_307 = vector.broadcast %shift_right_arithmetic3A_306 : i32 to vector<16xi32>
      %shift_right_arithmetic3A_308 = arith.shrsi %bitcast3A_305, %shift_right_arithmetic3A_307 : vector<16xi32>
      %sub3A_309 = arith.constant 1597463007 : i32
      %sub3A_310 = vector.broadcast %sub3A_309 : i32 to vector<16xi32>
      %sub3A_311 = arith.subi %sub3A_310, %shift_right_arithmetic3A_308 : vector<16xi32>
      %bitcast3A_312 = vector.bitcast %sub3A_311 : vector<16xi32> to vector<16xf32>
      %mul3A_313 = arith.constant 5.000000e-01 : f32
      %mul3A_314 = vector.broadcast %mul3A_313 : f32 to vector<16xf32>
      %mul3A_315 = arith.mulf %mul3A_314, %add3A_280 : vector<16xf32>
      %mul3A_316 = arith.mulf %mul3A_315, %bitcast3A_312 : vector<16xf32>
      %mul3A_317 = arith.mulf %mul3A_316, %bitcast3A_312 : vector<16xf32>
      %sub3A_318 = arith.constant 1.500000e+00 : f32
      %sub3A_319 = vector.broadcast %sub3A_318 : f32 to vector<16xf32>
      %sub3A_320 = arith.subf %sub3A_319, %mul3A_317 : vector<16xf32>
      %mul3A_321 = arith.mulf %bitcast3A_312, %sub3A_320 : vector<16xf32>
      %mul3A_322 = arith.constant 5.000000e-01 : f32
      %mul3A_323 = vector.broadcast %mul3A_322 : f32 to vector<16xf32>
      %mul3A_324 = arith.mulf %mul3A_323, %add3A_280 : vector<16xf32>
      %mul3A_325 = arith.mulf %mul3A_324, %mul3A_321 : vector<16xf32>
      %mul3A_326 = arith.mulf %mul3A_325, %mul3A_321 : vector<16xf32>
      %sub3A_327 = arith.constant 1.500000e+00 : f32
      %sub3A_328 = vector.broadcast %sub3A_327 : f32 to vector<16xf32>
      %sub3A_329 = arith.subf %sub3A_328, %mul3A_326 : vector<16xf32>
      %mul3A_330 = arith.mulf %mul3A_321, %sub3A_329 : vector<16xf32>
      %mul3A_331 = arith.mulf %mul3A_304, %mul3A_330 : vector<16xf32>
      %mul3A_332 = arith.constant 16 : i32
      %mul3A_333 = arith.muli %scan3A_136, %mul3A_332 : i32
      %add3A_334 = arith.constant 128 : i32
      %add3A_335 = arith.addi %add3A_334, %mul3A_333 : i32
      %swap3A = arith.index_cast %add3A_335 : i32 to index
      %swap3A_336 = tpu.vector_load %arg20[%swap3A] {strides = array<i32>} : memref<512xf32, #tpu.memory_space<vmem>>, vector<16xf32>,
      tpu.vector_store %arg20[%swap3A], %mul3A_331 {strides = array<i32>} : memref<512xf32, #tpu.memory_space<vmem>>, vector<16xf32>,
      %scan3A_337 = arith.constant 0 : i32
      scf.yield %scan3A_337 : i32
    }
    %scan3A_91 = arith.constant 8 : i32
    %dma_start3A_92 = arith.constant 384 : i32
    %dma_start3A_93 = tpu.memref_slice %arg7[%dma_start3A_92] : memref<512xi32, #tpu.memory_space<vmem>> -> memref<128xi32, #tpu.memory_space<vmem>>
    %dma_start3A_94 = arith.constant 0 : i32
    %dma_start3A_95 = arith.constant 0 : i32
    %dma_start3A_96 = tpu.memref_slice %arg2[%dma_start3A_94, %dma_start3A_95] : memref<100000x128xf32, #tpu.memory_space<hbm>> -> memref<100000x128xf32, #tpu.memory_space<hbm>>
    tpu.enqueue_indirect_dma source(%dma_start3A_96 : memref<100000x128xf32, #tpu.memory_space<hbm>>) target(%arg11 : memref<128x128xf32, #tpu.memory_space<vmem>>) offsets(%dma_start3A_93 : memref<128xi32, #tpu.memory_space<vmem>>) semaphore(%arg21 : memref<!tpu.dma_semaphore, #tpu.memory_space<semaphore_mem>>)
    %dma_start3A_97 = arith.constant 384 : i32
    %dma_start3A_98 = tpu.memref_slice %arg8[%dma_start3A_97] : memref<512xi32, #tpu.memory_space<vmem>> -> memref<128xi32, #tpu.memory_space<vmem>>
    %dma_start3A_99 = arith.constant 0 : i32
    %dma_start3A_100 = arith.constant 0 : i32
    %dma_start3A_101 = tpu.memref_slice %arg2[%dma_start3A_99, %dma_start3A_100] : memref<100000x128xf32, #tpu.memory_space<hbm>> -> memref<100000x128xf32, #tpu.memory_space<hbm>>
    tpu.enqueue_indirect_dma source(%dma_start3A_101 : memref<100000x128xf32, #tpu.memory_space<hbm>>) target(%arg12 : memref<128x128xf32, #tpu.memory_space<vmem>>) offsets(%dma_start3A_98 : memref<128xi32, #tpu.memory_space<vmem>>) semaphore(%arg22 : memref<!tpu.dma_semaphore, #tpu.memory_space<semaphore_mem>>)
    %dma_wait3A_102 = arith.constant 256 : i32
    %dma_wait3A_103 = tpu.memref_slice %arg7[%dma_wait3A_102] : memref<512xi32, #tpu.memory_space<vmem>> -> memref<128xi32, #tpu.memory_space<vmem>>
    %dma_wait3A_104 = arith.constant 0 : i32
    %dma_wait3A_105 = arith.constant 0 : i32
    %dma_wait3A_106 = tpu.memref_slice %arg2[%dma_wait3A_104, %dma_wait3A_105] : memref<100000x128xf32, #tpu.memory_space<hbm>> -> memref<100000x128xf32, #tpu.memory_space<hbm>>
    tpu.wait_indirect_dma semaphore(%arg25 : memref<!tpu.dma_semaphore, #tpu.memory_space<semaphore_mem>>) src(%dma_wait3A_106 : memref<100000x128xf32, #tpu.memory_space<hbm>>) dst(%arg15 : memref<128x128xf32, #tpu.memory_space<vmem>>)
    %dma_wait3A_107 = arith.constant 256 : i32
    %dma_wait3A_108 = tpu.memref_slice %arg8[%dma_wait3A_107] : memref<512xi32, #tpu.memory_space<vmem>> -> memref<128xi32, #tpu.memory_space<vmem>>
    %dma_wait3A_109 = arith.constant 0 : i32
    %dma_wait3A_110 = arith.constant 0 : i32
    %dma_wait3A_111 = tpu.memref_slice %arg2[%dma_wait3A_109, %dma_wait3A_110] : memref<100000x128xf32, #tpu.memory_space<hbm>> -> memref<100000x128xf32, #tpu.memory_space<hbm>>
    tpu.wait_indirect_dma semaphore(%arg26 : memref<!tpu.dma_semaphore, #tpu.memory_space<semaphore_mem>>) src(%dma_wait3A_111 : memref<100000x128xf32, #tpu.memory_space<hbm>>) dst(%arg16 : memref<128x128xf32, #tpu.memory_space<vmem>>)
    %scan3A_112 = arith.constant 0 : i32
    %scan3A_113 = arith.constant 0 : i32
    %scan3A_114 = arith.constant 8 : i32
    %scan3A_115 = arith.addi %scan3A_113, %scan3A_114 : i32
    %scan3A_116 = arith.constant 1 : i32
    %scan3A_117 = scf.for %scan3A_136 = %scan3A_113 to %scan3A_115 step %scan3A_116 iter_args(%scan3A_137 = %scan3A_112) -> (i32)  : i32 {
      %parallel_loop3A = arith.constant 0 : i32
      %parallel_loop3A_138 = arith.constant 16 : i32
      %parallel_loop3A_139 = arith.constant 1 : i32
      scf.for %parallel_loop3A_338 = %parallel_loop3A to %parallel_loop3A_138 step %parallel_loop3A_139  : i32 {
        %parallel_loop3A_339 = arith.constant 16 : i32
        %parallel_loop3A_340 = arith.muli %scan3A_136, %parallel_loop3A_339 : i32
        %parallel_loop3A_341 = arith.addi %parallel_loop3A_340, %parallel_loop3A_338 : i32
        %parallel_loop3A_342 = arith.index_cast %parallel_loop3A_341 : i32 to index
        %parallel_loop3A_343 = arith.constant 0 : index
        %parallel_loop3A_344 = tpu.vector_load %arg15[%parallel_loop3A_342, %parallel_loop3A_343] {strides = array<i32>} : memref<128x128xf32, #tpu.memory_space<vmem>>, vector<16xf32>,
        %parallel_loop3A_345 = arith.index_cast %parallel_loop3A_341 : i32 to index
        %parallel_loop3A_346 = arith.constant 0 : index
        %parallel_loop3A_347 = tpu.vector_load %arg16[%parallel_loop3A_345, %parallel_loop3A_346] {strides = array<i32>} : memref<128x128xf32, #tpu.memory_space<vmem>>, vector<16xf32>,
        %parallel_loop3A_348 = arith.mulf %parallel_loop3A_344, %parallel_loop3A_347 : vector<16xf32>
        %parallel_loop3A_349 = arith.mulf %parallel_loop3A_348, %mul3A_15 : vector<16xf32>
        %parallel_loop3A_350 = arith.mulf %parallel_loop3A_344, %parallel_loop3A_344 : vector<16xf32>
        %parallel_loop3A_351 = arith.mulf %parallel_loop3A_347, %parallel_loop3A_347 : vector<16xf32>
        %parallel_loop3A_352 = arith.index_cast %parallel_loop3A_341 : i32 to index
        %parallel_loop3A_353 = arith.constant 16 : index
        %parallel_loop3A_354 = tpu.vector_load %arg15[%parallel_loop3A_352, %parallel_loop3A_353] {strides = array<i32>} : memref<128x128xf32, #tpu.memory_space<vmem>>, vector<16xf32>,
        %parallel_loop3A_355 = arith.index_cast %parallel_loop3A_341 : i32 to index
        %parallel_loop3A_356 = arith.constant 16 : index
        %parallel_loop3A_357 = tpu.vector_load %arg16[%parallel_loop3A_355, %parallel_loop3A_356] {strides = array<i32>} : memref<128x128xf32, #tpu.memory_space<vmem>>, vector<16xf32>,
        %parallel_loop3A_358 = arith.mulf %parallel_loop3A_354, %parallel_loop3A_357 : vector<16xf32>
        %parallel_loop3A_359 = arith.mulf %parallel_loop3A_358, %mul3A_18 : vector<16xf32>
        %parallel_loop3A_360 = arith.addf %parallel_loop3A_349, %parallel_loop3A_359 : vector<16xf32>
        %parallel_loop3A_361 = arith.mulf %parallel_loop3A_354, %parallel_loop3A_354 : vector<16xf32>
        %parallel_loop3A_362 = arith.addf %parallel_loop3A_350, %parallel_loop3A_361 : vector<16xf32>
        %parallel_loop3A_363 = arith.mulf %parallel_loop3A_357, %parallel_loop3A_357 : vector<16xf32>
        %parallel_loop3A_364 = arith.addf %parallel_loop3A_351, %parallel_loop3A_363 : vector<16xf32>
        %parallel_loop3A_365 = arith.index_cast %parallel_loop3A_341 : i32 to index
        %parallel_loop3A_366 = arith.constant 32 : index
        %parallel_loop3A_367 = tpu.vector_load %arg15[%parallel_loop3A_365, %parallel_loop3A_366] {strides = array<i32>} : memref<128x128xf32, #tpu.memory_space<vmem>>, vector<16xf32>,
        %parallel_loop3A_368 = arith.index_cast %parallel_loop3A_341 : i32 to index
        %parallel_loop3A_369 = arith.constant 32 : index
        %parallel_loop3A_370 = tpu.vector_load %arg16[%parallel_loop3A_368, %parallel_loop3A_369] {strides = array<i32>} : memref<128x128xf32, #tpu.memory_space<vmem>>, vector<16xf32>,
        %parallel_loop3A_371 = arith.mulf %parallel_loop3A_367, %parallel_loop3A_370 : vector<16xf32>
        %parallel_loop3A_372 = arith.mulf %parallel_loop3A_371, %mul3A_21 : vector<16xf32>
        %parallel_loop3A_373 = arith.addf %parallel_loop3A_360, %parallel_loop3A_372 : vector<16xf32>
        %parallel_loop3A_374 = arith.mulf %parallel_loop3A_367, %parallel_loop3A_367 : vector<16xf32>
        %parallel_loop3A_375 = arith.addf %parallel_loop3A_362, %parallel_loop3A_374 : vector<16xf32>
        %parallel_loop3A_376 = arith.mulf %parallel_loop3A_370, %parallel_loop3A_370 : vector<16xf32>
        %parallel_loop3A_377 = arith.addf %parallel_loop3A_364, %parallel_loop3A_376 : vector<16xf32>
        %parallel_loop3A_378 = arith.index_cast %parallel_loop3A_341 : i32 to index
        %parallel_loop3A_379 = arith.constant 48 : index
        %parallel_loop3A_380 = tpu.vector_load %arg15[%parallel_loop3A_378, %parallel_loop3A_379] {strides = array<i32>} : memref<128x128xf32, #tpu.memory_space<vmem>>, vector<16xf32>,
        %parallel_loop3A_381 = arith.index_cast %parallel_loop3A_341 : i32 to index
        %parallel_loop3A_382 = arith.constant 48 : index
        %parallel_loop3A_383 = tpu.vector_load %arg16[%parallel_loop3A_381, %parallel_loop3A_382] {strides = array<i32>} : memref<128x128xf32, #tpu.memory_space<vmem>>, vector<16xf32>,
        %parallel_loop3A_384 = arith.mulf %parallel_loop3A_380, %parallel_loop3A_383 : vector<16xf32>
        %parallel_loop3A_385 = arith.mulf %parallel_loop3A_384, %mul3A_24 : vector<16xf32>
        %parallel_loop3A_386 = arith.addf %parallel_loop3A_373, %parallel_loop3A_385 : vector<16xf32>
        %parallel_loop3A_387 = arith.mulf %parallel_loop3A_380, %parallel_loop3A_380 : vector<16xf32>
        %parallel_loop3A_388 = arith.addf %parallel_loop3A_375, %parallel_loop3A_387 : vector<16xf32>
        %parallel_loop3A_389 = arith.mulf %parallel_loop3A_383, %parallel_loop3A_383 : vector<16xf32>
        %parallel_loop3A_390 = arith.addf %parallel_loop3A_377, %parallel_loop3A_389 : vector<16xf32>
        %parallel_loop3A_391 = arith.index_cast %parallel_loop3A_341 : i32 to index
        %parallel_loop3A_392 = arith.constant 64 : index
        %parallel_loop3A_393 = tpu.vector_load %arg15[%parallel_loop3A_391, %parallel_loop3A_392] {strides = array<i32>} : memref<128x128xf32, #tpu.memory_space<vmem>>, vector<16xf32>,
        %parallel_loop3A_394 = arith.index_cast %parallel_loop3A_341 : i32 to index
        %parallel_loop3A_395 = arith.constant 64 : index
        %parallel_loop3A_396 = tpu.vector_load %arg16[%parallel_loop3A_394, %parallel_loop3A_395] {strides = array<i32>} : memref<128x128xf32, #tpu.memory_space<vmem>>, vector<16xf32>,
        %parallel_loop3A_397 = arith.mulf %parallel_loop3A_393, %parallel_loop3A_396 : vector<16xf32>
        %parallel_loop3A_398 = arith.mulf %parallel_loop3A_397, %mul3A_27 : vector<16xf32>
        %parallel_loop3A_399 = arith.addf %parallel_loop3A_386, %parallel_loop3A_398 : vector<16xf32>
        %parallel_loop3A_400 = arith.mulf %parallel_loop3A_393, %parallel_loop3A_393 : vector<16xf32>
        %parallel_loop3A_401 = arith.addf %parallel_loop3A_388, %parallel_loop3A_400 : vector<16xf32>
        %parallel_loop3A_402 = arith.mulf %parallel_loop3A_396, %parallel_loop3A_396 : vector<16xf32>
        %parallel_loop3A_403 = arith.addf %parallel_loop3A_390, %parallel_loop3A_402 : vector<16xf32>
        %parallel_loop3A_404 = arith.index_cast %parallel_loop3A_341 : i32 to index
        %parallel_loop3A_405 = arith.constant 80 : index
        %parallel_loop3A_406 = tpu.vector_load %arg15[%parallel_loop3A_404, %parallel_loop3A_405] {strides = array<i32>} : memref<128x128xf32, #tpu.memory_space<vmem>>, vector<16xf32>,
        %parallel_loop3A_407 = arith.index_cast %parallel_loop3A_341 : i32 to index
        %parallel_loop3A_408 = arith.constant 80 : index
        %parallel_loop3A_409 = tpu.vector_load %arg16[%parallel_loop3A_407, %parallel_loop3A_408] {strides = array<i32>} : memref<128x128xf32, #tpu.memory_space<vmem>>, vector<16xf32>,
        %parallel_loop3A_410 = arith.mulf %parallel_loop3A_406, %parallel_loop3A_409 : vector<16xf32>
        %parallel_loop3A_411 = arith.mulf %parallel_loop3A_410, %mul3A_30 : vector<16xf32>
        %parallel_loop3A_412 = arith.addf %parallel_loop3A_399, %parallel_loop3A_411 : vector<16xf32>
        %parallel_loop3A_413 = arith.mulf %parallel_loop3A_406, %parallel_loop3A_406 : vector<16xf32>
        %parallel_loop3A_414 = arith.addf %parallel_loop3A_401, %parallel_loop3A_413 : vector<16xf32>
        %parallel_loop3A_415 = arith.mulf %parallel_loop3A_409, %parallel_loop3A_409 : vector<16xf32>
        %parallel_loop3A_416 = arith.addf %parallel_loop3A_403, %parallel_loop3A_415 : vector<16xf32>
        %parallel_loop3A_417 = arith.index_cast %parallel_loop3A_341 : i32 to index
        %parallel_loop3A_418 = arith.constant 96 : index
        %parallel_loop3A_419 = tpu.vector_load %arg15[%parallel_loop3A_417, %parallel_loop3A_418] {strides = array<i32>} : memref<128x128xf32, #tpu.memory_space<vmem>>, vector<16xf32>,
        %parallel_loop3A_420 = arith.index_cast %parallel_loop3A_341 : i32 to index
        %parallel_loop3A_421 = arith.constant 96 : index
        %parallel_loop3A_422 = tpu.vector_load %arg16[%parallel_loop3A_420, %parallel_loop3A_421] {strides = array<i32>} : memref<128x128xf32, #tpu.memory_space<vmem>>, vector<16xf32>,
        %parallel_loop3A_423 = arith.mulf %parallel_loop3A_419, %parallel_loop3A_422 : vector<16xf32>
        %parallel_loop3A_424 = arith.mulf %parallel_loop3A_423, %mul3A_33 : vector<16xf32>
        %parallel_loop3A_425 = arith.addf %parallel_loop3A_412, %parallel_loop3A_424 : vector<16xf32>
        %parallel_loop3A_426 = arith.mulf %parallel_loop3A_419, %parallel_loop3A_419 : vector<16xf32>
        %parallel_loop3A_427 = arith.addf %parallel_loop3A_414, %parallel_loop3A_426 : vector<16xf32>
        %parallel_loop3A_428 = arith.mulf %parallel_loop3A_422, %parallel_loop3A_422 : vector<16xf32>
        %parallel_loop3A_429 = arith.addf %parallel_loop3A_416, %parallel_loop3A_428 : vector<16xf32>
        %parallel_loop3A_430 = arith.index_cast %parallel_loop3A_341 : i32 to index
        %parallel_loop3A_431 = arith.constant 112 : index
        %parallel_loop3A_432 = tpu.vector_load %arg15[%parallel_loop3A_430, %parallel_loop3A_431] {strides = array<i32>} : memref<128x128xf32, #tpu.memory_space<vmem>>, vector<16xf32>,
        %parallel_loop3A_433 = arith.index_cast %parallel_loop3A_341 : i32 to index
        %parallel_loop3A_434 = arith.constant 112 : index
        %parallel_loop3A_435 = tpu.vector_load %arg16[%parallel_loop3A_433, %parallel_loop3A_434] {strides = array<i32>} : memref<128x128xf32, #tpu.memory_space<vmem>>, vector<16xf32>,
        %parallel_loop3A_436 = arith.mulf %parallel_loop3A_432, %parallel_loop3A_435 : vector<16xf32>
        %parallel_loop3A_437 = arith.mulf %parallel_loop3A_436, %mul3A_36 : vector<16xf32>
        %parallel_loop3A_438 = arith.addf %parallel_loop3A_425, %parallel_loop3A_437 : vector<16xf32>
        %parallel_loop3A_439 = arith.mulf %parallel_loop3A_432, %parallel_loop3A_432 : vector<16xf32>
        %parallel_loop3A_440 = arith.addf %parallel_loop3A_427, %parallel_loop3A_439 : vector<16xf32>
        %parallel_loop3A_441 = arith.mulf %parallel_loop3A_435, %parallel_loop3A_435 : vector<16xf32>
        %parallel_loop3A_442 = arith.addf %parallel_loop3A_429, %parallel_loop3A_441 : vector<16xf32>
        %parallel_loop3A_443 = vector.broadcast %parallel_loop3A_338 : i32 to vector<16xi32>
        %parallel_loop3A_444 = arith.addi %mul3A_39, %parallel_loop3A_443 : vector<16xi32>
        tpu.vector_store_idx %arg17[%parallel_loop3A_444], %parallel_loop3A_438 : memref<256xf32, #tpu.memory_space<vmem>>[vector<16xi32>], vector<16xf32>,
        tpu.vector_store_idx %arg18[%parallel_loop3A_444], %parallel_loop3A_440 : memref<256xf32, #tpu.memory_space<vmem>>[vector<16xi32>], vector<16xf32>,
        tpu.vector_store_idx %arg19[%parallel_loop3A_444], %parallel_loop3A_442 : memref<256xf32, #tpu.memory_space<vmem>>[vector<16xi32>], vector<16xf32>,
      } {sc.loop_unroll_factor = 1 : i64, sc.parallel_access}
      %get3A_140 = arith.constant 0 : index
      %get3A_141 = tpu.vector_load %arg17[%get3A_140] {strides = array<i32>} : memref<256xf32, #tpu.memory_space<vmem>>, vector<16xf32>,
      %get3A_142 = arith.constant 16 : index
      %get3A_143 = tpu.vector_load %arg17[%get3A_142] {strides = array<i32>} : memref<256xf32, #tpu.memory_space<vmem>>, vector<16xf32>,
      %get3A_144 = arith.constant 32 : index
      %get3A_145 = tpu.vector_load %arg17[%get3A_144] {strides = array<i32>} : memref<256xf32, #tpu.memory_space<vmem>>, vector<16xf32>,
      %get3A_146 = arith.constant 48 : index
      %get3A_147 = tpu.vector_load %arg17[%get3A_146] {strides = array<i32>} : memref<256xf32, #tpu.memory_space<vmem>>, vector<16xf32>,
      %get3A_148 = arith.constant 64 : index
      %get3A_149 = tpu.vector_load %arg17[%get3A_148] {strides = array<i32>} : memref<256xf32, #tpu.memory_space<vmem>>, vector<16xf32>,
      %get3A_150 = arith.constant 80 : index
      %get3A_151 = tpu.vector_load %arg17[%get3A_150] {strides = array<i32>} : memref<256xf32, #tpu.memory_space<vmem>>, vector<16xf32>,
      %get3A_152 = arith.constant 96 : index
      %get3A_153 = tpu.vector_load %arg17[%get3A_152] {strides = array<i32>} : memref<256xf32, #tpu.memory_space<vmem>>, vector<16xf32>,
      %get3A_154 = arith.constant 112 : index
      %get3A_155 = tpu.vector_load %arg17[%get3A_154] {strides = array<i32>} : memref<256xf32, #tpu.memory_space<vmem>>, vector<16xf32>,
      %get3A_156 = arith.constant 128 : index
      %get3A_157 = tpu.vector_load %arg17[%get3A_156] {strides = array<i32>} : memref<256xf32, #tpu.memory_space<vmem>>, vector<16xf32>,
      %get3A_158 = arith.constant 144 : index
      %get3A_159 = tpu.vector_load %arg17[%get3A_158] {strides = array<i32>} : memref<256xf32, #tpu.memory_space<vmem>>, vector<16xf32>,
      %get3A_160 = arith.constant 160 : index
      %get3A_161 = tpu.vector_load %arg17[%get3A_160] {strides = array<i32>} : memref<256xf32, #tpu.memory_space<vmem>>, vector<16xf32>,
      %get3A_162 = arith.constant 176 : index
      %get3A_163 = tpu.vector_load %arg17[%get3A_162] {strides = array<i32>} : memref<256xf32, #tpu.memory_space<vmem>>, vector<16xf32>,
      %get3A_164 = arith.constant 192 : index
      %get3A_165 = tpu.vector_load %arg17[%get3A_164] {strides = array<i32>} : memref<256xf32, #tpu.memory_space<vmem>>, vector<16xf32>,
      %get3A_166 = arith.constant 208 : index
      %get3A_167 = tpu.vector_load %arg17[%get3A_166] {strides = array<i32>} : memref<256xf32, #tpu.memory_space<vmem>>, vector<16xf32>,
      %get3A_168 = arith.constant 224 : index
      %get3A_169 = tpu.vector_load %arg17[%get3A_168] {strides = array<i32>} : memref<256xf32, #tpu.memory_space<vmem>>, vector<16xf32>,
      %get3A_170 = arith.constant 240 : index
      %get3A_171 = tpu.vector_load %arg17[%get3A_170] {strides = array<i32>} : memref<256xf32, #tpu.memory_space<vmem>>, vector<16xf32>,
      %add3A_172 = arith.addf %get3A_141, %get3A_143 : vector<16xf32>
      %add3A_173 = arith.addf %get3A_145, %get3A_147 : vector<16xf32>
      %add3A_174 = arith.addf %get3A_149, %get3A_151 : vector<16xf32>
      %add3A_175 = arith.addf %get3A_153, %get3A_155 : vector<16xf32>
      %add3A_176 = arith.addf %get3A_157, %get3A_159 : vector<16xf32>
      %add3A_177 = arith.addf %get3A_161, %get3A_163 : vector<16xf32>
      %add3A_178 = arith.addf %get3A_165, %get3A_167 : vector<16xf32>
      %add3A_179 = arith.addf %get3A_169, %get3A_171 : vector<16xf32>
      %add3A_180 = arith.addf %add3A_172, %add3A_173 : vector<16xf32>
      %add3A_181 = arith.addf %add3A_174, %add3A_175 : vector<16xf32>
      %add3A_182 = arith.addf %add3A_176, %add3A_177 : vector<16xf32>
      %add3A_183 = arith.addf %add3A_178, %add3A_179 : vector<16xf32>
      %add3A_184 = arith.addf %add3A_180, %add3A_181 : vector<16xf32>
      %add3A_185 = arith.addf %add3A_182, %add3A_183 : vector<16xf32>
      %add3A_186 = arith.addf %add3A_184, %add3A_185 : vector<16xf32>
      %get3A_187 = arith.constant 0 : index
      %get3A_188 = tpu.vector_load %arg18[%get3A_187] {strides = array<i32>} : memref<256xf32, #tpu.memory_space<vmem>>, vector<16xf32>,
      %get3A_189 = arith.constant 16 : index
      %get3A_190 = tpu.vector_load %arg18[%get3A_189] {strides = array<i32>} : memref<256xf32, #tpu.memory_space<vmem>>, vector<16xf32>,
      %get3A_191 = arith.constant 32 : index
      %get3A_192 = tpu.vector_load %arg18[%get3A_191] {strides = array<i32>} : memref<256xf32, #tpu.memory_space<vmem>>, vector<16xf32>,
      %get3A_193 = arith.constant 48 : index
      %get3A_194 = tpu.vector_load %arg18[%get3A_193] {strides = array<i32>} : memref<256xf32, #tpu.memory_space<vmem>>, vector<16xf32>,
      %get3A_195 = arith.constant 64 : index
      %get3A_196 = tpu.vector_load %arg18[%get3A_195] {strides = array<i32>} : memref<256xf32, #tpu.memory_space<vmem>>, vector<16xf32>,
      %get3A_197 = arith.constant 80 : index
      %get3A_198 = tpu.vector_load %arg18[%get3A_197] {strides = array<i32>} : memref<256xf32, #tpu.memory_space<vmem>>, vector<16xf32>,
      %get3A_199 = arith.constant 96 : index
      %get3A_200 = tpu.vector_load %arg18[%get3A_199] {strides = array<i32>} : memref<256xf32, #tpu.memory_space<vmem>>, vector<16xf32>,
      %get3A_201 = arith.constant 112 : index
      %get3A_202 = tpu.vector_load %arg18[%get3A_201] {strides = array<i32>} : memref<256xf32, #tpu.memory_space<vmem>>, vector<16xf32>,
      %get3A_203 = arith.constant 128 : index
      %get3A_204 = tpu.vector_load %arg18[%get3A_203] {strides = array<i32>} : memref<256xf32, #tpu.memory_space<vmem>>, vector<16xf32>,
      %get3A_205 = arith.constant 144 : index
      %get3A_206 = tpu.vector_load %arg18[%get3A_205] {strides = array<i32>} : memref<256xf32, #tpu.memory_space<vmem>>, vector<16xf32>,
      %get3A_207 = arith.constant 160 : index
      %get3A_208 = tpu.vector_load %arg18[%get3A_207] {strides = array<i32>} : memref<256xf32, #tpu.memory_space<vmem>>, vector<16xf32>,
      %get3A_209 = arith.constant 176 : index
      %get3A_210 = tpu.vector_load %arg18[%get3A_209] {strides = array<i32>} : memref<256xf32, #tpu.memory_space<vmem>>, vector<16xf32>,
      %get3A_211 = arith.constant 192 : index
      %get3A_212 = tpu.vector_load %arg18[%get3A_211] {strides = array<i32>} : memref<256xf32, #tpu.memory_space<vmem>>, vector<16xf32>,
      %get3A_213 = arith.constant 208 : index
      %get3A_214 = tpu.vector_load %arg18[%get3A_213] {strides = array<i32>} : memref<256xf32, #tpu.memory_space<vmem>>, vector<16xf32>,
      %get3A_215 = arith.constant 224 : index
      %get3A_216 = tpu.vector_load %arg18[%get3A_215] {strides = array<i32>} : memref<256xf32, #tpu.memory_space<vmem>>, vector<16xf32>,
      %get3A_217 = arith.constant 240 : index
      %get3A_218 = tpu.vector_load %arg18[%get3A_217] {strides = array<i32>} : memref<256xf32, #tpu.memory_space<vmem>>, vector<16xf32>,
      %add3A_219 = arith.addf %get3A_188, %get3A_190 : vector<16xf32>
      %add3A_220 = arith.addf %get3A_192, %get3A_194 : vector<16xf32>
      %add3A_221 = arith.addf %get3A_196, %get3A_198 : vector<16xf32>
      %add3A_222 = arith.addf %get3A_200, %get3A_202 : vector<16xf32>
      %add3A_223 = arith.addf %get3A_204, %get3A_206 : vector<16xf32>
      %add3A_224 = arith.addf %get3A_208, %get3A_210 : vector<16xf32>
      %add3A_225 = arith.addf %get3A_212, %get3A_214 : vector<16xf32>
      %add3A_226 = arith.addf %get3A_216, %get3A_218 : vector<16xf32>
      %add3A_227 = arith.addf %add3A_219, %add3A_220 : vector<16xf32>
      %add3A_228 = arith.addf %add3A_221, %add3A_222 : vector<16xf32>
      %add3A_229 = arith.addf %add3A_223, %add3A_224 : vector<16xf32>
      %add3A_230 = arith.addf %add3A_225, %add3A_226 : vector<16xf32>
      %add3A_231 = arith.addf %add3A_227, %add3A_228 : vector<16xf32>
      %add3A_232 = arith.addf %add3A_229, %add3A_230 : vector<16xf32>
      %add3A_233 = arith.addf %add3A_231, %add3A_232 : vector<16xf32>
      %get3A_234 = arith.constant 0 : index
      %get3A_235 = tpu.vector_load %arg19[%get3A_234] {strides = array<i32>} : memref<256xf32, #tpu.memory_space<vmem>>, vector<16xf32>,
      %get3A_236 = arith.constant 16 : index
      %get3A_237 = tpu.vector_load %arg19[%get3A_236] {strides = array<i32>} : memref<256xf32, #tpu.memory_space<vmem>>, vector<16xf32>,
      %get3A_238 = arith.constant 32 : index
      %get3A_239 = tpu.vector_load %arg19[%get3A_238] {strides = array<i32>} : memref<256xf32, #tpu.memory_space<vmem>>, vector<16xf32>,
      %get3A_240 = arith.constant 48 : index
      %get3A_241 = tpu.vector_load %arg19[%get3A_240] {strides = array<i32>} : memref<256xf32, #tpu.memory_space<vmem>>, vector<16xf32>,
      %get3A_242 = arith.constant 64 : index
      %get3A_243 = tpu.vector_load %arg19[%get3A_242] {strides = array<i32>} : memref<256xf32, #tpu.memory_space<vmem>>, vector<16xf32>,
      %get3A_244 = arith.constant 80 : index
      %get3A_245 = tpu.vector_load %arg19[%get3A_244] {strides = array<i32>} : memref<256xf32, #tpu.memory_space<vmem>>, vector<16xf32>,
      %get3A_246 = arith.constant 96 : index
      %get3A_247 = tpu.vector_load %arg19[%get3A_246] {strides = array<i32>} : memref<256xf32, #tpu.memory_space<vmem>>, vector<16xf32>,
      %get3A_248 = arith.constant 112 : index
      %get3A_249 = tpu.vector_load %arg19[%get3A_248] {strides = array<i32>} : memref<256xf32, #tpu.memory_space<vmem>>, vector<16xf32>,
      %get3A_250 = arith.constant 128 : index
      %get3A_251 = tpu.vector_load %arg19[%get3A_250] {strides = array<i32>} : memref<256xf32, #tpu.memory_space<vmem>>, vector<16xf32>,
      %get3A_252 = arith.constant 144 : index
      %get3A_253 = tpu.vector_load %arg19[%get3A_252] {strides = array<i32>} : memref<256xf32, #tpu.memory_space<vmem>>, vector<16xf32>,
      %get3A_254 = arith.constant 160 : index
      %get3A_255 = tpu.vector_load %arg19[%get3A_254] {strides = array<i32>} : memref<256xf32, #tpu.memory_space<vmem>>, vector<16xf32>,
      %get3A_256 = arith.constant 176 : index
      %get3A_257 = tpu.vector_load %arg19[%get3A_256] {strides = array<i32>} : memref<256xf32, #tpu.memory_space<vmem>>, vector<16xf32>,
      %get3A_258 = arith.constant 192 : index
      %get3A_259 = tpu.vector_load %arg19[%get3A_258] {strides = array<i32>} : memref<256xf32, #tpu.memory_space<vmem>>, vector<16xf32>,
      %get3A_260 = arith.constant 208 : index
      %get3A_261 = tpu.vector_load %arg19[%get3A_260] {strides = array<i32>} : memref<256xf32, #tpu.memory_space<vmem>>, vector<16xf32>,
      %get3A_262 = arith.constant 224 : index
      %get3A_263 = tpu.vector_load %arg19[%get3A_262] {strides = array<i32>} : memref<256xf32, #tpu.memory_space<vmem>>, vector<16xf32>,
      %get3A_264 = arith.constant 240 : index
      %get3A_265 = tpu.vector_load %arg19[%get3A_264] {strides = array<i32>} : memref<256xf32, #tpu.memory_space<vmem>>, vector<16xf32>,
      %add3A_266 = arith.addf %get3A_235, %get3A_237 : vector<16xf32>
      %add3A_267 = arith.addf %get3A_239, %get3A_241 : vector<16xf32>
      %add3A_268 = arith.addf %get3A_243, %get3A_245 : vector<16xf32>
      %add3A_269 = arith.addf %get3A_247, %get3A_249 : vector<16xf32>
      %add3A_270 = arith.addf %get3A_251, %get3A_253 : vector<16xf32>
      %add3A_271 = arith.addf %get3A_255, %get3A_257 : vector<16xf32>
      %add3A_272 = arith.addf %get3A_259, %get3A_261 : vector<16xf32>
      %add3A_273 = arith.addf %get3A_263, %get3A_265 : vector<16xf32>
      %add3A_274 = arith.addf %add3A_266, %add3A_267 : vector<16xf32>
      %add3A_275 = arith.addf %add3A_268, %add3A_269 : vector<16xf32>
      %add3A_276 = arith.addf %add3A_270, %add3A_271 : vector<16xf32>
      %add3A_277 = arith.addf %add3A_272, %add3A_273 : vector<16xf32>
      %add3A_278 = arith.addf %add3A_274, %add3A_275 : vector<16xf32>
      %add3A_279 = arith.addf %add3A_276, %add3A_277 : vector<16xf32>
      %add3A_280 = arith.addf %add3A_278, %add3A_279 : vector<16xf32>
      %bitcast3A = vector.bitcast %add3A_233 : vector<16xf32> to vector<16xi32>
      %shift_right_arithmetic3A = arith.constant 1 : i32
      %shift_right_arithmetic3A_281 = vector.broadcast %shift_right_arithmetic3A : i32 to vector<16xi32>
      %shift_right_arithmetic3A_282 = arith.shrsi %bitcast3A, %shift_right_arithmetic3A_281 : vector<16xi32>
      %sub3A = arith.constant 1597463007 : i32
      %sub3A_283 = vector.broadcast %sub3A : i32 to vector<16xi32>
      %sub3A_284 = arith.subi %sub3A_283, %shift_right_arithmetic3A_282 : vector<16xi32>
      %bitcast3A_285 = vector.bitcast %sub3A_284 : vector<16xi32> to vector<16xf32>
      %mul3A_286 = arith.constant 5.000000e-01 : f32
      %mul3A_287 = vector.broadcast %mul3A_286 : f32 to vector<16xf32>
      %mul3A_288 = arith.mulf %mul3A_287, %add3A_233 : vector<16xf32>
      %mul3A_289 = arith.mulf %mul3A_288, %bitcast3A_285 : vector<16xf32>
      %mul3A_290 = arith.mulf %mul3A_289, %bitcast3A_285 : vector<16xf32>
      %sub3A_291 = arith.constant 1.500000e+00 : f32
      %sub3A_292 = vector.broadcast %sub3A_291 : f32 to vector<16xf32>
      %sub3A_293 = arith.subf %sub3A_292, %mul3A_290 : vector<16xf32>
      %mul3A_294 = arith.mulf %bitcast3A_285, %sub3A_293 : vector<16xf32>
      %mul3A_295 = arith.constant 5.000000e-01 : f32
      %mul3A_296 = vector.broadcast %mul3A_295 : f32 to vector<16xf32>
      %mul3A_297 = arith.mulf %mul3A_296, %add3A_233 : vector<16xf32>
      %mul3A_298 = arith.mulf %mul3A_297, %mul3A_294 : vector<16xf32>
      %mul3A_299 = arith.mulf %mul3A_298, %mul3A_294 : vector<16xf32>
      %sub3A_300 = arith.constant 1.500000e+00 : f32
      %sub3A_301 = vector.broadcast %sub3A_300 : f32 to vector<16xf32>
      %sub3A_302 = arith.subf %sub3A_301, %mul3A_299 : vector<16xf32>
      %mul3A_303 = arith.mulf %mul3A_294, %sub3A_302 : vector<16xf32>
      %mul3A_304 = arith.mulf %add3A_186, %mul3A_303 : vector<16xf32>
      %bitcast3A_305 = vector.bitcast %add3A_280 : vector<16xf32> to vector<16xi32>
      %shift_right_arithmetic3A_306 = arith.constant 1 : i32
      %shift_right_arithmetic3A_307 = vector.broadcast %shift_right_arithmetic3A_306 : i32 to vector<16xi32>
      %shift_right_arithmetic3A_308 = arith.shrsi %bitcast3A_305, %shift_right_arithmetic3A_307 : vector<16xi32>
      %sub3A_309 = arith.constant 1597463007 : i32
      %sub3A_310 = vector.broadcast %sub3A_309 : i32 to vector<16xi32>
      %sub3A_311 = arith.subi %sub3A_310, %shift_right_arithmetic3A_308 : vector<16xi32>
      %bitcast3A_312 = vector.bitcast %sub3A_311 : vector<16xi32> to vector<16xf32>
      %mul3A_313 = arith.constant 5.000000e-01 : f32
      %mul3A_314 = vector.broadcast %mul3A_313 : f32 to vector<16xf32>
      %mul3A_315 = arith.mulf %mul3A_314, %add3A_280 : vector<16xf32>
      %mul3A_316 = arith.mulf %mul3A_315, %bitcast3A_312 : vector<16xf32>
      %mul3A_317 = arith.mulf %mul3A_316, %bitcast3A_312 : vector<16xf32>
      %sub3A_318 = arith.constant 1.500000e+00 : f32
      %sub3A_319 = vector.broadcast %sub3A_318 : f32 to vector<16xf32>
      %sub3A_320 = arith.subf %sub3A_319, %mul3A_317 : vector<16xf32>
      %mul3A_321 = arith.mulf %bitcast3A_312, %sub3A_320 : vector<16xf32>
      %mul3A_322 = arith.constant 5.000000e-01 : f32
      %mul3A_323 = vector.broadcast %mul3A_322 : f32 to vector<16xf32>
      %mul3A_324 = arith.mulf %mul3A_323, %add3A_280 : vector<16xf32>
      %mul3A_325 = arith.mulf %mul3A_324, %mul3A_321 : vector<16xf32>
      %mul3A_326 = arith.mulf %mul3A_325, %mul3A_321 : vector<16xf32>
      %sub3A_327 = arith.constant 1.500000e+00 : f32
      %sub3A_328 = vector.broadcast %sub3A_327 : f32 to vector<16xf32>
      %sub3A_329 = arith.subf %sub3A_328, %mul3A_326 : vector<16xf32>
      %mul3A_330 = arith.mulf %mul3A_321, %sub3A_329 : vector<16xf32>
      %mul3A_331 = arith.mulf %mul3A_304, %mul3A_330 : vector<16xf32>
      %mul3A_332 = arith.constant 16 : i32
      %mul3A_333 = arith.muli %scan3A_136, %mul3A_332 : i32
      %add3A_334 = arith.constant 256 : i32
      %add3A_335 = arith.addi %add3A_334, %mul3A_333 : i32
      %swap3A = arith.index_cast %add3A_335 : i32 to index
      %swap3A_336 = tpu.vector_load %arg20[%swap3A] {strides = array<i32>} : memref<512xf32, #tpu.memory_space<vmem>>, vector<16xf32>,
      tpu.vector_store %arg20[%swap3A], %mul3A_331 {strides = array<i32>} : memref<512xf32, #tpu.memory_space<vmem>>, vector<16xf32>,
      %scan3A_337 = arith.constant 0 : i32
      scf.yield %scan3A_337 : i32
    }
    %scan3A_118 = arith.constant 8 : i32
    %dma_wait3A_119 = arith.constant 384 : i32
    %dma_wait3A_120 = tpu.memref_slice %arg7[%dma_wait3A_119] : memref<512xi32, #tpu.memory_space<vmem>> -> memref<128xi32, #tpu.memory_space<vmem>>
    %dma_wait3A_121 = arith.constant 0 : i32
    %dma_wait3A_122 = arith.constant 0 : i32
    %dma_wait3A_123 = tpu.memref_slice %arg2[%dma_wait3A_121, %dma_wait3A_122] : memref<100000x128xf32, #tpu.memory_space<hbm>> -> memref<100000x128xf32, #tpu.memory_space<hbm>>
    tpu.wait_indirect_dma semaphore(%arg21 : memref<!tpu.dma_semaphore, #tpu.memory_space<semaphore_mem>>) src(%dma_wait3A_123 : memref<100000x128xf32, #tpu.memory_space<hbm>>) dst(%arg11 : memref<128x128xf32, #tpu.memory_space<vmem>>)
    %dma_wait3A_124 = arith.constant 384 : i32
    %dma_wait3A_125 = tpu.memref_slice %arg8[%dma_wait3A_124] : memref<512xi32, #tpu.memory_space<vmem>> -> memref<128xi32, #tpu.memory_space<vmem>>
    %dma_wait3A_126 = arith.constant 0 : i32
    %dma_wait3A_127 = arith.constant 0 : i32
    %dma_wait3A_128 = tpu.memref_slice %arg2[%dma_wait3A_126, %dma_wait3A_127] : memref<100000x128xf32, #tpu.memory_space<hbm>> -> memref<100000x128xf32, #tpu.memory_space<hbm>>
    tpu.wait_indirect_dma semaphore(%arg22 : memref<!tpu.dma_semaphore, #tpu.memory_space<semaphore_mem>>) src(%dma_wait3A_128 : memref<100000x128xf32, #tpu.memory_space<hbm>>) dst(%arg12 : memref<128x128xf32, #tpu.memory_space<vmem>>)
    %scan3A_129 = arith.constant 0 : i32
    %scan3A_130 = arith.constant 0 : i32
    %scan3A_131 = arith.constant 8 : i32
    %scan3A_132 = arith.addi %scan3A_130, %scan3A_131 : i32
    %scan3A_133 = arith.constant 1 : i32
    %scan3A_134 = scf.for %scan3A_136 = %scan3A_130 to %scan3A_132 step %scan3A_133 iter_args(%scan3A_137 = %scan3A_129) -> (i32)  : i32 {
      %parallel_loop3A = arith.constant 0 : i32
      %parallel_loop3A_138 = arith.constant 16 : i32
      %parallel_loop3A_139 = arith.constant 1 : i32
      scf.for %parallel_loop3A_338 = %parallel_loop3A to %parallel_loop3A_138 step %parallel_loop3A_139  : i32 {
        %parallel_loop3A_339 = arith.constant 16 : i32
        %parallel_loop3A_340 = arith.muli %scan3A_136, %parallel_loop3A_339 : i32
        %parallel_loop3A_341 = arith.addi %parallel_loop3A_340, %parallel_loop3A_338 : i32
        %parallel_loop3A_342 = arith.index_cast %parallel_loop3A_341 : i32 to index
        %parallel_loop3A_343 = arith.constant 0 : index
        %parallel_loop3A_344 = tpu.vector_load %arg11[%parallel_loop3A_342, %parallel_loop3A_343] {strides = array<i32>} : memref<128x128xf32, #tpu.memory_space<vmem>>, vector<16xf32>,
        %parallel_loop3A_345 = arith.index_cast %parallel_loop3A_341 : i32 to index
        %parallel_loop3A_346 = arith.constant 0 : index
        %parallel_loop3A_347 = tpu.vector_load %arg12[%parallel_loop3A_345, %parallel_loop3A_346] {strides = array<i32>} : memref<128x128xf32, #tpu.memory_space<vmem>>, vector<16xf32>,
        %parallel_loop3A_348 = arith.mulf %parallel_loop3A_344, %parallel_loop3A_347 : vector<16xf32>
        %parallel_loop3A_349 = arith.mulf %parallel_loop3A_348, %mul3A_15 : vector<16xf32>
        %parallel_loop3A_350 = arith.mulf %parallel_loop3A_344, %parallel_loop3A_344 : vector<16xf32>
        %parallel_loop3A_351 = arith.mulf %parallel_loop3A_347, %parallel_loop3A_347 : vector<16xf32>
        %parallel_loop3A_352 = arith.index_cast %parallel_loop3A_341 : i32 to index
        %parallel_loop3A_353 = arith.constant 16 : index
        %parallel_loop3A_354 = tpu.vector_load %arg11[%parallel_loop3A_352, %parallel_loop3A_353] {strides = array<i32>} : memref<128x128xf32, #tpu.memory_space<vmem>>, vector<16xf32>,
        %parallel_loop3A_355 = arith.index_cast %parallel_loop3A_341 : i32 to index
        %parallel_loop3A_356 = arith.constant 16 : index
        %parallel_loop3A_357 = tpu.vector_load %arg12[%parallel_loop3A_355, %parallel_loop3A_356] {strides = array<i32>} : memref<128x128xf32, #tpu.memory_space<vmem>>, vector<16xf32>,
        %parallel_loop3A_358 = arith.mulf %parallel_loop3A_354, %parallel_loop3A_357 : vector<16xf32>
        %parallel_loop3A_359 = arith.mulf %parallel_loop3A_358, %mul3A_18 : vector<16xf32>
        %parallel_loop3A_360 = arith.addf %parallel_loop3A_349, %parallel_loop3A_359 : vector<16xf32>
        %parallel_loop3A_361 = arith.mulf %parallel_loop3A_354, %parallel_loop3A_354 : vector<16xf32>
        %parallel_loop3A_362 = arith.addf %parallel_loop3A_350, %parallel_loop3A_361 : vector<16xf32>
        %parallel_loop3A_363 = arith.mulf %parallel_loop3A_357, %parallel_loop3A_357 : vector<16xf32>
        %parallel_loop3A_364 = arith.addf %parallel_loop3A_351, %parallel_loop3A_363 : vector<16xf32>
        %parallel_loop3A_365 = arith.index_cast %parallel_loop3A_341 : i32 to index
        %parallel_loop3A_366 = arith.constant 32 : index
        %parallel_loop3A_367 = tpu.vector_load %arg11[%parallel_loop3A_365, %parallel_loop3A_366] {strides = array<i32>} : memref<128x128xf32, #tpu.memory_space<vmem>>, vector<16xf32>,
        %parallel_loop3A_368 = arith.index_cast %parallel_loop3A_341 : i32 to index
        %parallel_loop3A_369 = arith.constant 32 : index
        %parallel_loop3A_370 = tpu.vector_load %arg12[%parallel_loop3A_368, %parallel_loop3A_369] {strides = array<i32>} : memref<128x128xf32, #tpu.memory_space<vmem>>, vector<16xf32>,
        %parallel_loop3A_371 = arith.mulf %parallel_loop3A_367, %parallel_loop3A_370 : vector<16xf32>
        %parallel_loop3A_372 = arith.mulf %parallel_loop3A_371, %mul3A_21 : vector<16xf32>
        %parallel_loop3A_373 = arith.addf %parallel_loop3A_360, %parallel_loop3A_372 : vector<16xf32>
        %parallel_loop3A_374 = arith.mulf %parallel_loop3A_367, %parallel_loop3A_367 : vector<16xf32>
        %parallel_loop3A_375 = arith.addf %parallel_loop3A_362, %parallel_loop3A_374 : vector<16xf32>
        %parallel_loop3A_376 = arith.mulf %parallel_loop3A_370, %parallel_loop3A_370 : vector<16xf32>
        %parallel_loop3A_377 = arith.addf %parallel_loop3A_364, %parallel_loop3A_376 : vector<16xf32>
        %parallel_loop3A_378 = arith.index_cast %parallel_loop3A_341 : i32 to index
        %parallel_loop3A_379 = arith.constant 48 : index
        %parallel_loop3A_380 = tpu.vector_load %arg11[%parallel_loop3A_378, %parallel_loop3A_379] {strides = array<i32>} : memref<128x128xf32, #tpu.memory_space<vmem>>, vector<16xf32>,
        %parallel_loop3A_381 = arith.index_cast %parallel_loop3A_341 : i32 to index
        %parallel_loop3A_382 = arith.constant 48 : index
        %parallel_loop3A_383 = tpu.vector_load %arg12[%parallel_loop3A_381, %parallel_loop3A_382] {strides = array<i32>} : memref<128x128xf32, #tpu.memory_space<vmem>>, vector<16xf32>,
        %parallel_loop3A_384 = arith.mulf %parallel_loop3A_380, %parallel_loop3A_383 : vector<16xf32>
        %parallel_loop3A_385 = arith.mulf %parallel_loop3A_384, %mul3A_24 : vector<16xf32>
        %parallel_loop3A_386 = arith.addf %parallel_loop3A_373, %parallel_loop3A_385 : vector<16xf32>
        %parallel_loop3A_387 = arith.mulf %parallel_loop3A_380, %parallel_loop3A_380 : vector<16xf32>
        %parallel_loop3A_388 = arith.addf %parallel_loop3A_375, %parallel_loop3A_387 : vector<16xf32>
        %parallel_loop3A_389 = arith.mulf %parallel_loop3A_383, %parallel_loop3A_383 : vector<16xf32>
        %parallel_loop3A_390 = arith.addf %parallel_loop3A_377, %parallel_loop3A_389 : vector<16xf32>
        %parallel_loop3A_391 = arith.index_cast %parallel_loop3A_341 : i32 to index
        %parallel_loop3A_392 = arith.constant 64 : index
        %parallel_loop3A_393 = tpu.vector_load %arg11[%parallel_loop3A_391, %parallel_loop3A_392] {strides = array<i32>} : memref<128x128xf32, #tpu.memory_space<vmem>>, vector<16xf32>,
        %parallel_loop3A_394 = arith.index_cast %parallel_loop3A_341 : i32 to index
        %parallel_loop3A_395 = arith.constant 64 : index
        %parallel_loop3A_396 = tpu.vector_load %arg12[%parallel_loop3A_394, %parallel_loop3A_395] {strides = array<i32>} : memref<128x128xf32, #tpu.memory_space<vmem>>, vector<16xf32>,
        %parallel_loop3A_397 = arith.mulf %parallel_loop3A_393, %parallel_loop3A_396 : vector<16xf32>
        %parallel_loop3A_398 = arith.mulf %parallel_loop3A_397, %mul3A_27 : vector<16xf32>
        %parallel_loop3A_399 = arith.addf %parallel_loop3A_386, %parallel_loop3A_398 : vector<16xf32>
        %parallel_loop3A_400 = arith.mulf %parallel_loop3A_393, %parallel_loop3A_393 : vector<16xf32>
        %parallel_loop3A_401 = arith.addf %parallel_loop3A_388, %parallel_loop3A_400 : vector<16xf32>
        %parallel_loop3A_402 = arith.mulf %parallel_loop3A_396, %parallel_loop3A_396 : vector<16xf32>
        %parallel_loop3A_403 = arith.addf %parallel_loop3A_390, %parallel_loop3A_402 : vector<16xf32>
        %parallel_loop3A_404 = arith.index_cast %parallel_loop3A_341 : i32 to index
        %parallel_loop3A_405 = arith.constant 80 : index
        %parallel_loop3A_406 = tpu.vector_load %arg11[%parallel_loop3A_404, %parallel_loop3A_405] {strides = array<i32>} : memref<128x128xf32, #tpu.memory_space<vmem>>, vector<16xf32>,
        %parallel_loop3A_407 = arith.index_cast %parallel_loop3A_341 : i32 to index
        %parallel_loop3A_408 = arith.constant 80 : index
        %parallel_loop3A_409 = tpu.vector_load %arg12[%parallel_loop3A_407, %parallel_loop3A_408] {strides = array<i32>} : memref<128x128xf32, #tpu.memory_space<vmem>>, vector<16xf32>,
        %parallel_loop3A_410 = arith.mulf %parallel_loop3A_406, %parallel_loop3A_409 : vector<16xf32>
        %parallel_loop3A_411 = arith.mulf %parallel_loop3A_410, %mul3A_30 : vector<16xf32>
        %parallel_loop3A_412 = arith.addf %parallel_loop3A_399, %parallel_loop3A_411 : vector<16xf32>
        %parallel_loop3A_413 = arith.mulf %parallel_loop3A_406, %parallel_loop3A_406 : vector<16xf32>
        %parallel_loop3A_414 = arith.addf %parallel_loop3A_401, %parallel_loop3A_413 : vector<16xf32>
        %parallel_loop3A_415 = arith.mulf %parallel_loop3A_409, %parallel_loop3A_409 : vector<16xf32>
        %parallel_loop3A_416 = arith.addf %parallel_loop3A_403, %parallel_loop3A_415 : vector<16xf32>
        %parallel_loop3A_417 = arith.index_cast %parallel_loop3A_341 : i32 to index
        %parallel_loop3A_418 = arith.constant 96 : index
        %parallel_loop3A_419 = tpu.vector_load %arg11[%parallel_loop3A_417, %parallel_loop3A_418] {strides = array<i32>} : memref<128x128xf32, #tpu.memory_space<vmem>>, vector<16xf32>,
        %parallel_loop3A_420 = arith.index_cast %parallel_loop3A_341 : i32 to index
        %parallel_loop3A_421 = arith.constant 96 : index
        %parallel_loop3A_422 = tpu.vector_load %arg12[%parallel_loop3A_420, %parallel_loop3A_421] {strides = array<i32>} : memref<128x128xf32, #tpu.memory_space<vmem>>, vector<16xf32>,
        %parallel_loop3A_423 = arith.mulf %parallel_loop3A_419, %parallel_loop3A_422 : vector<16xf32>
        %parallel_loop3A_424 = arith.mulf %parallel_loop3A_423, %mul3A_33 : vector<16xf32>
        %parallel_loop3A_425 = arith.addf %parallel_loop3A_412, %parallel_loop3A_424 : vector<16xf32>
        %parallel_loop3A_426 = arith.mulf %parallel_loop3A_419, %parallel_loop3A_419 : vector<16xf32>
        %parallel_loop3A_427 = arith.addf %parallel_loop3A_414, %parallel_loop3A_426 : vector<16xf32>
        %parallel_loop3A_428 = arith.mulf %parallel_loop3A_422, %parallel_loop3A_422 : vector<16xf32>
        %parallel_loop3A_429 = arith.addf %parallel_loop3A_416, %parallel_loop3A_428 : vector<16xf32>
        %parallel_loop3A_430 = arith.index_cast %parallel_loop3A_341 : i32 to index
        %parallel_loop3A_431 = arith.constant 112 : index
        %parallel_loop3A_432 = tpu.vector_load %arg11[%parallel_loop3A_430, %parallel_loop3A_431] {strides = array<i32>} : memref<128x128xf32, #tpu.memory_space<vmem>>, vector<16xf32>,
        %parallel_loop3A_433 = arith.index_cast %parallel_loop3A_341 : i32 to index
        %parallel_loop3A_434 = arith.constant 112 : index
        %parallel_loop3A_435 = tpu.vector_load %arg12[%parallel_loop3A_433, %parallel_loop3A_434] {strides = array<i32>} : memref<128x128xf32, #tpu.memory_space<vmem>>, vector<16xf32>,
        %parallel_loop3A_436 = arith.mulf %parallel_loop3A_432, %parallel_loop3A_435 : vector<16xf32>
        %parallel_loop3A_437 = arith.mulf %parallel_loop3A_436, %mul3A_36 : vector<16xf32>
        %parallel_loop3A_438 = arith.addf %parallel_loop3A_425, %parallel_loop3A_437 : vector<16xf32>
        %parallel_loop3A_439 = arith.mulf %parallel_loop3A_432, %parallel_loop3A_432 : vector<16xf32>
        %parallel_loop3A_440 = arith.addf %parallel_loop3A_427, %parallel_loop3A_439 : vector<16xf32>
        %parallel_loop3A_441 = arith.mulf %parallel_loop3A_435, %parallel_loop3A_435 : vector<16xf32>
        %parallel_loop3A_442 = arith.addf %parallel_loop3A_429, %parallel_loop3A_441 : vector<16xf32>
        %parallel_loop3A_443 = vector.broadcast %parallel_loop3A_338 : i32 to vector<16xi32>
        %parallel_loop3A_444 = arith.addi %mul3A_39, %parallel_loop3A_443 : vector<16xi32>
        tpu.vector_store_idx %arg17[%parallel_loop3A_444], %parallel_loop3A_438 : memref<256xf32, #tpu.memory_space<vmem>>[vector<16xi32>], vector<16xf32>,
        tpu.vector_store_idx %arg18[%parallel_loop3A_444], %parallel_loop3A_440 : memref<256xf32, #tpu.memory_space<vmem>>[vector<16xi32>], vector<16xf32>,
        tpu.vector_store_idx %arg19[%parallel_loop3A_444], %parallel_loop3A_442 : memref<256xf32, #tpu.memory_space<vmem>>[vector<16xi32>], vector<16xf32>,
      } {sc.loop_unroll_factor = 1 : i64, sc.parallel_access}
      %get3A_140 = arith.constant 0 : index
      %get3A_141 = tpu.vector_load %arg17[%get3A_140] {strides = array<i32>} : memref<256xf32, #tpu.memory_space<vmem>>, vector<16xf32>,
      %get3A_142 = arith.constant 16 : index
      %get3A_143 = tpu.vector_load %arg17[%get3A_142] {strides = array<i32>} : memref<256xf32, #tpu.memory_space<vmem>>, vector<16xf32>,
      %get3A_144 = arith.constant 32 : index
      %get3A_145 = tpu.vector_load %arg17[%get3A_144] {strides = array<i32>} : memref<256xf32, #tpu.memory_space<vmem>>, vector<16xf32>,
      %get3A_146 = arith.constant 48 : index
      %get3A_147 = tpu.vector_load %arg17[%get3A_146] {strides = array<i32>} : memref<256xf32, #tpu.memory_space<vmem>>, vector<16xf32>,
      %get3A_148 = arith.constant 64 : index
      %get3A_149 = tpu.vector_load %arg17[%get3A_148] {strides = array<i32>} : memref<256xf32, #tpu.memory_space<vmem>>, vector<16xf32>,
      %get3A_150 = arith.constant 80 : index
      %get3A_151 = tpu.vector_load %arg17[%get3A_150] {strides = array<i32>} : memref<256xf32, #tpu.memory_space<vmem>>, vector<16xf32>,
      %get3A_152 = arith.constant 96 : index
      %get3A_153 = tpu.vector_load %arg17[%get3A_152] {strides = array<i32>} : memref<256xf32, #tpu.memory_space<vmem>>, vector<16xf32>,
      %get3A_154 = arith.constant 112 : index
      %get3A_155 = tpu.vector_load %arg17[%get3A_154] {strides = array<i32>} : memref<256xf32, #tpu.memory_space<vmem>>, vector<16xf32>,
      %get3A_156 = arith.constant 128 : index
      %get3A_157 = tpu.vector_load %arg17[%get3A_156] {strides = array<i32>} : memref<256xf32, #tpu.memory_space<vmem>>, vector<16xf32>,
      %get3A_158 = arith.constant 144 : index
      %get3A_159 = tpu.vector_load %arg17[%get3A_158] {strides = array<i32>} : memref<256xf32, #tpu.memory_space<vmem>>, vector<16xf32>,
      %get3A_160 = arith.constant 160 : index
      %get3A_161 = tpu.vector_load %arg17[%get3A_160] {strides = array<i32>} : memref<256xf32, #tpu.memory_space<vmem>>, vector<16xf32>,
      %get3A_162 = arith.constant 176 : index
      %get3A_163 = tpu.vector_load %arg17[%get3A_162] {strides = array<i32>} : memref<256xf32, #tpu.memory_space<vmem>>, vector<16xf32>,
      %get3A_164 = arith.constant 192 : index
      %get3A_165 = tpu.vector_load %arg17[%get3A_164] {strides = array<i32>} : memref<256xf32, #tpu.memory_space<vmem>>, vector<16xf32>,
      %get3A_166 = arith.constant 208 : index
      %get3A_167 = tpu.vector_load %arg17[%get3A_166] {strides = array<i32>} : memref<256xf32, #tpu.memory_space<vmem>>, vector<16xf32>,
      %get3A_168 = arith.constant 224 : index
      %get3A_169 = tpu.vector_load %arg17[%get3A_168] {strides = array<i32>} : memref<256xf32, #tpu.memory_space<vmem>>, vector<16xf32>,
      %get3A_170 = arith.constant 240 : index
      %get3A_171 = tpu.vector_load %arg17[%get3A_170] {strides = array<i32>} : memref<256xf32, #tpu.memory_space<vmem>>, vector<16xf32>,
      %add3A_172 = arith.addf %get3A_141, %get3A_143 : vector<16xf32>
      %add3A_173 = arith.addf %get3A_145, %get3A_147 : vector<16xf32>
      %add3A_174 = arith.addf %get3A_149, %get3A_151 : vector<16xf32>
      %add3A_175 = arith.addf %get3A_153, %get3A_155 : vector<16xf32>
      %add3A_176 = arith.addf %get3A_157, %get3A_159 : vector<16xf32>
      %add3A_177 = arith.addf %get3A_161, %get3A_163 : vector<16xf32>
      %add3A_178 = arith.addf %get3A_165, %get3A_167 : vector<16xf32>
      %add3A_179 = arith.addf %get3A_169, %get3A_171 : vector<16xf32>
      %add3A_180 = arith.addf %add3A_172, %add3A_173 : vector<16xf32>
      %add3A_181 = arith.addf %add3A_174, %add3A_175 : vector<16xf32>
      %add3A_182 = arith.addf %add3A_176, %add3A_177 : vector<16xf32>
      %add3A_183 = arith.addf %add3A_178, %add3A_179 : vector<16xf32>
      %add3A_184 = arith.addf %add3A_180, %add3A_181 : vector<16xf32>
      %add3A_185 = arith.addf %add3A_182, %add3A_183 : vector<16xf32>
      %add3A_186 = arith.addf %add3A_184, %add3A_185 : vector<16xf32>
      %get3A_187 = arith.constant 0 : index
      %get3A_188 = tpu.vector_load %arg18[%get3A_187] {strides = array<i32>} : memref<256xf32, #tpu.memory_space<vmem>>, vector<16xf32>,
      %get3A_189 = arith.constant 16 : index
      %get3A_190 = tpu.vector_load %arg18[%get3A_189] {strides = array<i32>} : memref<256xf32, #tpu.memory_space<vmem>>, vector<16xf32>,
      %get3A_191 = arith.constant 32 : index
      %get3A_192 = tpu.vector_load %arg18[%get3A_191] {strides = array<i32>} : memref<256xf32, #tpu.memory_space<vmem>>, vector<16xf32>,
      %get3A_193 = arith.constant 48 : index
      %get3A_194 = tpu.vector_load %arg18[%get3A_193] {strides = array<i32>} : memref<256xf32, #tpu.memory_space<vmem>>, vector<16xf32>,
      %get3A_195 = arith.constant 64 : index
      %get3A_196 = tpu.vector_load %arg18[%get3A_195] {strides = array<i32>} : memref<256xf32, #tpu.memory_space<vmem>>, vector<16xf32>,
      %get3A_197 = arith.constant 80 : index
      %get3A_198 = tpu.vector_load %arg18[%get3A_197] {strides = array<i32>} : memref<256xf32, #tpu.memory_space<vmem>>, vector<16xf32>,
      %get3A_199 = arith.constant 96 : index
      %get3A_200 = tpu.vector_load %arg18[%get3A_199] {strides = array<i32>} : memref<256xf32, #tpu.memory_space<vmem>>, vector<16xf32>,
      %get3A_201 = arith.constant 112 : index
      %get3A_202 = tpu.vector_load %arg18[%get3A_201] {strides = array<i32>} : memref<256xf32, #tpu.memory_space<vmem>>, vector<16xf32>,
      %get3A_203 = arith.constant 128 : index
      %get3A_204 = tpu.vector_load %arg18[%get3A_203] {strides = array<i32>} : memref<256xf32, #tpu.memory_space<vmem>>, vector<16xf32>,
      %get3A_205 = arith.constant 144 : index
      %get3A_206 = tpu.vector_load %arg18[%get3A_205] {strides = array<i32>} : memref<256xf32, #tpu.memory_space<vmem>>, vector<16xf32>,
      %get3A_207 = arith.constant 160 : index
      %get3A_208 = tpu.vector_load %arg18[%get3A_207] {strides = array<i32>} : memref<256xf32, #tpu.memory_space<vmem>>, vector<16xf32>,
      %get3A_209 = arith.constant 176 : index
      %get3A_210 = tpu.vector_load %arg18[%get3A_209] {strides = array<i32>} : memref<256xf32, #tpu.memory_space<vmem>>, vector<16xf32>,
      %get3A_211 = arith.constant 192 : index
      %get3A_212 = tpu.vector_load %arg18[%get3A_211] {strides = array<i32>} : memref<256xf32, #tpu.memory_space<vmem>>, vector<16xf32>,
      %get3A_213 = arith.constant 208 : index
      %get3A_214 = tpu.vector_load %arg18[%get3A_213] {strides = array<i32>} : memref<256xf32, #tpu.memory_space<vmem>>, vector<16xf32>,
      %get3A_215 = arith.constant 224 : index
      %get3A_216 = tpu.vector_load %arg18[%get3A_215] {strides = array<i32>} : memref<256xf32, #tpu.memory_space<vmem>>, vector<16xf32>,
      %get3A_217 = arith.constant 240 : index
      %get3A_218 = tpu.vector_load %arg18[%get3A_217] {strides = array<i32>} : memref<256xf32, #tpu.memory_space<vmem>>, vector<16xf32>,
      %add3A_219 = arith.addf %get3A_188, %get3A_190 : vector<16xf32>
      %add3A_220 = arith.addf %get3A_192, %get3A_194 : vector<16xf32>
      %add3A_221 = arith.addf %get3A_196, %get3A_198 : vector<16xf32>
      %add3A_222 = arith.addf %get3A_200, %get3A_202 : vector<16xf32>
      %add3A_223 = arith.addf %get3A_204, %get3A_206 : vector<16xf32>
      %add3A_224 = arith.addf %get3A_208, %get3A_210 : vector<16xf32>
      %add3A_225 = arith.addf %get3A_212, %get3A_214 : vector<16xf32>
      %add3A_226 = arith.addf %get3A_216, %get3A_218 : vector<16xf32>
      %add3A_227 = arith.addf %add3A_219, %add3A_220 : vector<16xf32>
      %add3A_228 = arith.addf %add3A_221, %add3A_222 : vector<16xf32>
      %add3A_229 = arith.addf %add3A_223, %add3A_224 : vector<16xf32>
      %add3A_230 = arith.addf %add3A_225, %add3A_226 : vector<16xf32>
      %add3A_231 = arith.addf %add3A_227, %add3A_228 : vector<16xf32>
      %add3A_232 = arith.addf %add3A_229, %add3A_230 : vector<16xf32>
      %add3A_233 = arith.addf %add3A_231, %add3A_232 : vector<16xf32>
      %get3A_234 = arith.constant 0 : index
      %get3A_235 = tpu.vector_load %arg19[%get3A_234] {strides = array<i32>} : memref<256xf32, #tpu.memory_space<vmem>>, vector<16xf32>,
      %get3A_236 = arith.constant 16 : index
      %get3A_237 = tpu.vector_load %arg19[%get3A_236] {strides = array<i32>} : memref<256xf32, #tpu.memory_space<vmem>>, vector<16xf32>,
      %get3A_238 = arith.constant 32 : index
      %get3A_239 = tpu.vector_load %arg19[%get3A_238] {strides = array<i32>} : memref<256xf32, #tpu.memory_space<vmem>>, vector<16xf32>,
      %get3A_240 = arith.constant 48 : index
      %get3A_241 = tpu.vector_load %arg19[%get3A_240] {strides = array<i32>} : memref<256xf32, #tpu.memory_space<vmem>>, vector<16xf32>,
      %get3A_242 = arith.constant 64 : index
      %get3A_243 = tpu.vector_load %arg19[%get3A_242] {strides = array<i32>} : memref<256xf32, #tpu.memory_space<vmem>>, vector<16xf32>,
      %get3A_244 = arith.constant 80 : index
      %get3A_245 = tpu.vector_load %arg19[%get3A_244] {strides = array<i32>} : memref<256xf32, #tpu.memory_space<vmem>>, vector<16xf32>,
      %get3A_246 = arith.constant 96 : index
      %get3A_247 = tpu.vector_load %arg19[%get3A_246] {strides = array<i32>} : memref<256xf32, #tpu.memory_space<vmem>>, vector<16xf32>,
      %get3A_248 = arith.constant 112 : index
      %get3A_249 = tpu.vector_load %arg19[%get3A_248] {strides = array<i32>} : memref<256xf32, #tpu.memory_space<vmem>>, vector<16xf32>,
      %get3A_250 = arith.constant 128 : index
      %get3A_251 = tpu.vector_load %arg19[%get3A_250] {strides = array<i32>} : memref<256xf32, #tpu.memory_space<vmem>>, vector<16xf32>,
      %get3A_252 = arith.constant 144 : index
      %get3A_253 = tpu.vector_load %arg19[%get3A_252] {strides = array<i32>} : memref<256xf32, #tpu.memory_space<vmem>>, vector<16xf32>,
      %get3A_254 = arith.constant 160 : index
      %get3A_255 = tpu.vector_load %arg19[%get3A_254] {strides = array<i32>} : memref<256xf32, #tpu.memory_space<vmem>>, vector<16xf32>,
      %get3A_256 = arith.constant 176 : index
      %get3A_257 = tpu.vector_load %arg19[%get3A_256] {strides = array<i32>} : memref<256xf32, #tpu.memory_space<vmem>>, vector<16xf32>,
      %get3A_258 = arith.constant 192 : index
      %get3A_259 = tpu.vector_load %arg19[%get3A_258] {strides = array<i32>} : memref<256xf32, #tpu.memory_space<vmem>>, vector<16xf32>,
      %get3A_260 = arith.constant 208 : index
      %get3A_261 = tpu.vector_load %arg19[%get3A_260] {strides = array<i32>} : memref<256xf32, #tpu.memory_space<vmem>>, vector<16xf32>,
      %get3A_262 = arith.constant 224 : index
      %get3A_263 = tpu.vector_load %arg19[%get3A_262] {strides = array<i32>} : memref<256xf32, #tpu.memory_space<vmem>>, vector<16xf32>,
      %get3A_264 = arith.constant 240 : index
      %get3A_265 = tpu.vector_load %arg19[%get3A_264] {strides = array<i32>} : memref<256xf32, #tpu.memory_space<vmem>>, vector<16xf32>,
      %add3A_266 = arith.addf %get3A_235, %get3A_237 : vector<16xf32>
      %add3A_267 = arith.addf %get3A_239, %get3A_241 : vector<16xf32>
      %add3A_268 = arith.addf %get3A_243, %get3A_245 : vector<16xf32>
      %add3A_269 = arith.addf %get3A_247, %get3A_249 : vector<16xf32>
      %add3A_270 = arith.addf %get3A_251, %get3A_253 : vector<16xf32>
      %add3A_271 = arith.addf %get3A_255, %get3A_257 : vector<16xf32>
      %add3A_272 = arith.addf %get3A_259, %get3A_261 : vector<16xf32>
      %add3A_273 = arith.addf %get3A_263, %get3A_265 : vector<16xf32>
      %add3A_274 = arith.addf %add3A_266, %add3A_267 : vector<16xf32>
      %add3A_275 = arith.addf %add3A_268, %add3A_269 : vector<16xf32>
      %add3A_276 = arith.addf %add3A_270, %add3A_271 : vector<16xf32>
      %add3A_277 = arith.addf %add3A_272, %add3A_273 : vector<16xf32>
      %add3A_278 = arith.addf %add3A_274, %add3A_275 : vector<16xf32>
      %add3A_279 = arith.addf %add3A_276, %add3A_277 : vector<16xf32>
      %add3A_280 = arith.addf %add3A_278, %add3A_279 : vector<16xf32>
      %bitcast3A = vector.bitcast %add3A_233 : vector<16xf32> to vector<16xi32>
      %shift_right_arithmetic3A = arith.constant 1 : i32
      %shift_right_arithmetic3A_281 = vector.broadcast %shift_right_arithmetic3A : i32 to vector<16xi32>
      %shift_right_arithmetic3A_282 = arith.shrsi %bitcast3A, %shift_right_arithmetic3A_281 : vector<16xi32>
      %sub3A = arith.constant 1597463007 : i32
      %sub3A_283 = vector.broadcast %sub3A : i32 to vector<16xi32>
      %sub3A_284 = arith.subi %sub3A_283, %shift_right_arithmetic3A_282 : vector<16xi32>
      %bitcast3A_285 = vector.bitcast %sub3A_284 : vector<16xi32> to vector<16xf32>
      %mul3A_286 = arith.constant 5.000000e-01 : f32
      %mul3A_287 = vector.broadcast %mul3A_286 : f32 to vector<16xf32>
      %mul3A_288 = arith.mulf %mul3A_287, %add3A_233 : vector<16xf32>
      %mul3A_289 = arith.mulf %mul3A_288, %bitcast3A_285 : vector<16xf32>
      %mul3A_290 = arith.mulf %mul3A_289, %bitcast3A_285 : vector<16xf32>
      %sub3A_291 = arith.constant 1.500000e+00 : f32
      %sub3A_292 = vector.broadcast %sub3A_291 : f32 to vector<16xf32>
      %sub3A_293 = arith.subf %sub3A_292, %mul3A_290 : vector<16xf32>
      %mul3A_294 = arith.mulf %bitcast3A_285, %sub3A_293 : vector<16xf32>
      %mul3A_295 = arith.constant 5.000000e-01 : f32
      %mul3A_296 = vector.broadcast %mul3A_295 : f32 to vector<16xf32>
      %mul3A_297 = arith.mulf %mul3A_296, %add3A_233 : vector<16xf32>
      %mul3A_298 = arith.mulf %mul3A_297, %mul3A_294 : vector<16xf32>
      %mul3A_299 = arith.mulf %mul3A_298, %mul3A_294 : vector<16xf32>
      %sub3A_300 = arith.constant 1.500000e+00 : f32
      %sub3A_301 = vector.broadcast %sub3A_300 : f32 to vector<16xf32>
      %sub3A_302 = arith.subf %sub3A_301, %mul3A_299 : vector<16xf32>
      %mul3A_303 = arith.mulf %mul3A_294, %sub3A_302 : vector<16xf32>
      %mul3A_304 = arith.mulf %add3A_186, %mul3A_303 : vector<16xf32>
      %bitcast3A_305 = vector.bitcast %add3A_280 : vector<16xf32> to vector<16xi32>
      %shift_right_arithmetic3A_306 = arith.constant 1 : i32
      %shift_right_arithmetic3A_307 = vector.broadcast %shift_right_arithmetic3A_306 : i32 to vector<16xi32>
      %shift_right_arithmetic3A_308 = arith.shrsi %bitcast3A_305, %shift_right_arithmetic3A_307 : vector<16xi32>
      %sub3A_309 = arith.constant 1597463007 : i32
      %sub3A_310 = vector.broadcast %sub3A_309 : i32 to vector<16xi32>
      %sub3A_311 = arith.subi %sub3A_310, %shift_right_arithmetic3A_308 : vector<16xi32>
      %bitcast3A_312 = vector.bitcast %sub3A_311 : vector<16xi32> to vector<16xf32>
      %mul3A_313 = arith.constant 5.000000e-01 : f32
      %mul3A_314 = vector.broadcast %mul3A_313 : f32 to vector<16xf32>
      %mul3A_315 = arith.mulf %mul3A_314, %add3A_280 : vector<16xf32>
      %mul3A_316 = arith.mulf %mul3A_315, %bitcast3A_312 : vector<16xf32>
      %mul3A_317 = arith.mulf %mul3A_316, %bitcast3A_312 : vector<16xf32>
      %sub3A_318 = arith.constant 1.500000e+00 : f32
      %sub3A_319 = vector.broadcast %sub3A_318 : f32 to vector<16xf32>
      %sub3A_320 = arith.subf %sub3A_319, %mul3A_317 : vector<16xf32>
      %mul3A_321 = arith.mulf %bitcast3A_312, %sub3A_320 : vector<16xf32>
      %mul3A_322 = arith.constant 5.000000e-01 : f32
      %mul3A_323 = vector.broadcast %mul3A_322 : f32 to vector<16xf32>
      %mul3A_324 = arith.mulf %mul3A_323, %add3A_280 : vector<16xf32>
      %mul3A_325 = arith.mulf %mul3A_324, %mul3A_321 : vector<16xf32>
      %mul3A_326 = arith.mulf %mul3A_325, %mul3A_321 : vector<16xf32>
      %sub3A_327 = arith.constant 1.500000e+00 : f32
      %sub3A_328 = vector.broadcast %sub3A_327 : f32 to vector<16xf32>
      %sub3A_329 = arith.subf %sub3A_328, %mul3A_326 : vector<16xf32>
      %mul3A_330 = arith.mulf %mul3A_321, %sub3A_329 : vector<16xf32>
      %mul3A_331 = arith.mulf %mul3A_304, %mul3A_330 : vector<16xf32>
      %mul3A_332 = arith.constant 16 : i32
      %mul3A_333 = arith.muli %scan3A_136, %mul3A_332 : i32
      %add3A_334 = arith.constant 384 : i32
      %add3A_335 = arith.addi %add3A_334, %mul3A_333 : i32
      %swap3A = arith.index_cast %add3A_335 : i32 to index
      %swap3A_336 = tpu.vector_load %arg20[%swap3A] {strides = array<i32>} : memref<512xf32, #tpu.memory_space<vmem>>, vector<16xf32>,
      tpu.vector_store %arg20[%swap3A], %mul3A_331 {strides = array<i32>} : memref<512xf32, #tpu.memory_space<vmem>>, vector<16xf32>,
      %scan3A_337 = arith.constant 0 : i32
      scf.yield %scan3A_337 : i32
    }
    %scan3A_135 = arith.constant 8 : i32
    "tpu.region"() ({
      %run_scoped3A_136 = tpu.sem_alloc : memref<!tpu.dma_semaphore, #tpu.memory_space<semaphore_mem>>
      %dma_start3A_137 = tpu.memref_slice %arg6[%mul3A_2] : memref<16384xf32, #tpu.memory_space<hbm>> -> memref<512xf32, #tpu.memory_space<hbm>>
      %dma_start3A_138 = tpu.memref_slice %arg6[%mul3A_2] : memref<16384xf32, #tpu.memory_space<hbm>> -> memref<512xf32, #tpu.memory_space<hbm>>
      tpu.enqueue_dma source(%arg20 : memref<512xf32, #tpu.memory_space<vmem>>) target(%dma_start3A_138 : memref<512xf32, #tpu.memory_space<hbm>>) target_semaphore(%run_scoped3A_136 : memref<!tpu.dma_semaphore, #tpu.memory_space<semaphore_mem>>)
      %dma_wait3A_139 = tpu.memref_slice %arg6[%mul3A_2] : memref<16384xf32, #tpu.memory_space<hbm>> -> memref<512xf32, #tpu.memory_space<hbm>>
      %dma_wait3A_140 = tpu.memref_slice %arg6[%mul3A_2] : memref<16384xf32, #tpu.memory_space<hbm>> -> memref<512xf32, #tpu.memory_space<hbm>>
      tpu.wait_dma2 semaphore(%run_scoped3A_136 : memref<!tpu.dma_semaphore, #tpu.memory_space<semaphore_mem>>) src(%arg20 : memref<512xf32, #tpu.memory_space<vmem>>) dst(%dma_wait3A_140 : memref<512xf32, #tpu.memory_space<hbm>>)
      tpu.yield
    }) : () -> ()
    return
  }
}

</mosaic_0001>

<sc_bundles>
// kernel: kernel.3.cloned.1.call-start
scs
__scs_entry_jumppad:
0x0: {  	(pc) =	sbr.rel $0x88, $3  }
0x1: {  	(tag) =	ssettag $0x0;
	lr =	simm.s32 $0x1  }
0x2: {  	[smem:$0x3F9D] =	sst lr;
	_ =	strace $0xD0000000  }
0x3: {  	_ = 	snop  }
0x4: {  	_ = 	snop  }
0x5: {  	_ = 	snop  }
0x6: {  	_ = 	snop  }
0x7: {  	_ = 	snop  }
__scs_overlays_trampoline_lowered:
0x8: {  	[smem:$0x3FAC] =	sst s0  }
0x9: {  	[smem:$0x3FAD] =	sst s1  }
0xa: {  	[smem:$0x3FAE] =	sst s2  }
0xb: {  	[smem:$0x3FAF] =	sst s3  }
0xc: {  	[smem:$0x3FB0] =	sst s4  }
0xd: {  	[smem:$0x3FB1] =	sst s5  }
0xe: {  	[smem:$0x3FB2] =	sst s6  }
0xf: {  	[smem:$0x3FB3] =	sst s7  }
0x10: {  	[smem:$0x3FB4] =	sst s8  }
0x11: {  	[smem:$0x3FB5] =	sst s9;
	s0 =	simm.s32 @!p0 $0x0  }
0x12: {  	s1 =	sld [smem:$0x3F9B];
	s0 =	simm.s32 @p0 $0x1  }
0x13: {  	[smem:$0x3FB6] =	sst s0;
	s0 =	simm.s32 @!p1 $0x0  }
0x14: {  	s2 =	sld [smem:$0x3F9A];
	s0 =	simm.s32 @p1 $0x1  }
0x15: {  	[smem:$0x3FB7] =	sst s0;
	s0 =	simm.s32 @!p2 $0x0  }
0x16: {  	s3 =	sld [smem:$0x3FDB];
	s0 =	simm.s32 @p2 $0x1  }
0x17: {  	s4 =	simm.s32 $0x1BF5;
	[smem:$0x3FB9] =	sst s0  }
0x18: {  	s0 =	sld [smem:$0x3F9C];
	_ =	swait.ge [sflag:s4], $0x0  }
0x19: {  	s7 =	sld [smem:$0x3F9D]  }
0x1a: {  	s8 =	sadd.s32 $0xFFFFE003, lr  }
0x1b: {  	s9 =	sadd.s32 $0xFFFFFEF7, lr;
	s5 =	simm.s32 $0xFFFFFFFF;
	p2 =	slt.u32 s8, $0xFFFFF086  }
0x1c: {  	p1 =	slt.u32 s9, $0xF7A;
	s5 =	simm.s32 @!p2 $0x0  }
0x1d: {  	s5 =	simm.s32 @p1 $0x1;
	p0 =	seq.s32 s7, s2  }
0x1e: {  	s7 =	smul.u32 @!p0 $0xF7A, s2;
	p2 =	seq.s32 @!p0 s5, $0x0  }
0x1f: {  	s9 =	smul.u32 $0xF7A, s1;
	s8 =	simm.s32 @!p0 $0x1BF5;
	p2 =	por !p2, p0  }
0x20: {  	[sflag:s8] =	ssyncset.s32 @!p0 $0xFFFFF086;
	s6 =	sadd.s32 @!p0 s3, s7;
	s7 =	simm.s32 @!p0 $0x108  }
0x21: {  	s3 =	sadd.s32 s3, s9;
	s6 =	sadd.s32 @!p0 $0x88, s6;
	s7 =	simm.s32 @p2 $0x1082  }
0x22: {  	[simem:s7], [sflag:s8] =	dma.local @!p0 [hbm:s6], $0xF7A  }
0x23: {  	s9 =	sor.u32 $0xD0000000, s2;
	s6 =	simm.s32 $0x108;
	_ =	swait.ge @!p0 [sflag:s8], $0x0  }
0x24: {  	s3 =	sadd.s32 $0x88, s3;
	s6 =	simm.s32 @!p1 $0x1082;
	[sflag:s4] =	ssyncset.s32 $0xFFFFF086  }
0x25: {  	[simem:s6], [sflag:s4] =	dma.local [hbm:s3], $0xF7A  }
0x26: {  	[smem:$0x3F9D] =	sst s1;
	(tag) =	ssettag s2;
	_ =	strace s9  }
0x27: {  	s1 =	sld [smem:$0x3FAD]  }
0x28: {  	s2 =	sld [smem:$0x3FAE]  }
0x29: {  	s4 =	sld [smem:$0x3FB0]  }
0x2a: {  	p0 =	seq.s32 s5, $0x0;
	s5 =	sld [smem:$0x3FB1]  }
0x2b: {  	s6 =	sld [smem:$0x3FB2]  }
0x2c: {  	s7 =	sld [smem:$0x3FB3]  }
0x2d: {  	s3 =	simm.s32 $0x108;
	s8 =	sld [smem:$0x3FB4]  }
0x2e: {  	s3 =	simm.s32 @!p0 $0x1082;
	s9 =	sld [smem:$0x3FB5]  }
0x2f: {  	lr =	sadd.s32 s0, s3;
	s0 =	sld [smem:$0x3FAC]  }
0x30: {  	s3 =	sld [smem:$0x3FAF]  }
0x31: {  	[smem:$0x3FB8] =	sst s10  }
0x32: {  	s10 =	sld [smem:$0x3FB6];
	_ =	sdelay $0x3  }
0x33: {  	p0 =	seq.s32 s10, $0x1;
	s10 =	sld [smem:$0x3FB8];
	_ =	sdelay $0x3  }
0x34: {  	[smem:$0x3FB8] =	sst s10  }
0x35: {  	s10 =	sld [smem:$0x3FB7];
	_ =	sdelay $0x3  }
0x36: {  	p1 =	seq.s32 s10, $0x1;
	s10 =	sld [smem:$0x3FB8];
	_ =	sdelay $0x3  }
0x37: {  	[smem:$0x3FB8] =	sst s10  }
0x38: {  	s10 =	sld [smem:$0x3FB9]  }
0x39: {  	_ = 	snop;
	(pc) =	sbr.ind lr, $3  }
0x3a: {  	_ = 	snop  }
0x3b: {  	_ = 	snop  }
0x3c: {  	p2 =	seq.s32 s10, $0x1;
	s10 =	sld [smem:$0x3FB8]  }
0x3d: {  	_ =	shalt  }
0x3e: {  	_ =	shalt  }
0x3f: {  	_ =	shalt  }
0x40: {  	_ =	shalt  }
0x41: {  	_ =	shalt  }
0x42: {  	_ =	shalt  }
0x43: {  	_ =	shalt  }
0x44: {  	_ =	shalt  }
0x45: {  	_ =	shalt  }
0x46: {  	_ =	shalt  }
0x47: {  	_ =	shalt  }
0x48: {  	_ =	shalt  }
0x49: {  	_ =	shalt  }
0x4a: {  	_ =	shalt  }
0x4b: {  	_ =	shalt  }
0x4c: {  	_ =	shalt  }
0x4d: {  	_ =	shalt  }
0x4e: {  	_ =	shalt  }
0x4f: {  	_ =	shalt  }
0x50: {  	_ =	shalt  }
0x51: {  	_ =	shalt  }
0x52: {  	_ =	shalt  }
0x53: {  	_ =	shalt  }
0x54: {  	_ =	shalt  }
0x55: {  	_ =	shalt  }
0x56: {  	_ =	shalt  }
0x57: {  	_ =	shalt  }
0x58: {  	_ =	shalt  }
0x59: {  	_ =	shalt  }
0x5a: {  	_ =	shalt  }
0x5b: {  	_ =	shalt  }
0x5c: {  	_ =	shalt  }
0x5d: {  	_ =	shalt  }
0x5e: {  	_ =	shalt  }
0x5f: {  	_ =	shalt  }
0x60: {  	_ =	shalt  }
0x61: {  	_ =	shalt  }
0x62: {  	_ =	shalt  }
0x63: {  	_ =	shalt  }
0x64: {  	_ =	shalt  }
0x65: {  	_ =	shalt  }
0x66: {  	_ =	shalt  }
0x67: {  	_ =	shalt  }
0x68: {  	_ =	shalt  }
0x69: {  	_ =	shalt  }
0x6a: {  	_ =	shalt  }
0x6b: {  	_ =	shalt  }
0x6c: {  	_ =	shalt  }
0x6d: {  	_ =	shalt  }
0x6e: {  	_ =	shalt  }
0x6f: {  	_ =	shalt  }
0x70: {  	_ =	shalt  }
0x71: {  	_ =	shalt  }
0x72: {  	_ =	shalt  }
0x73: {  	_ =	shalt  }
0x74: {  	_ =	shalt  }
0x75: {  	_ =	shalt  }
0x76: {  	_ =	shalt  }
0x77: {  	_ =	shalt  }
0x78: {  	_ =	shalt  }
0x79: {  	_ =	shalt  }
0x7a: {  	_ =	shalt  }
0x7b: {  	_ =	shalt  }
0x7c: {  	_ =	shalt  }
0x7d: {  	_ =	shalt  }
0x7e: {  	_ =	shalt  }
0x7f: {  	_ =	shalt  }
0x80: {  	_ =	shalt  }
0x81: {  	_ =	shalt  }
0x82: {  	_ =	shalt  }
0x83: {  	_ =	shalt  }
0x84: {  	_ =	shalt  }
0x85: {  	_ =	shalt  }
0x86: {  	_ =	shalt  }
0x87: {  	_ =	shalt  }
.Lfunc_end0:
.L_simem_size_0:
called_computation_lowered:
.L_overlay_start_0:
0x88: {  	s2 =	sld [smem:$0x3FD9]  }
0x89: {  	s3 =	sld [smem:$0x3FFE];
	_ =	sdelay $0x1  }
0x8a: {  	s1 =	srdreg.scid  }
0x8b: {  	s0 =	sand.u32 $0x1, s1  }
0x8c: {  	s18 =	sshll.u32 s0, $0xA;
	s2 =	sadd.s32 s3, s2  }
0x8d: {  	s2 =	sadd.s32 s2, s18  }
0x8e: {  	[smem:$0x3FC4] =	sst s2  }
0x8f: {  	_ = 	snop  }
0x90: {  	s2 =	sld [smem:$0x3FC9]  }
0x91: {  	s19 =	sld [smem:$0x3FC8]  }
0x92: {  	s4 =	sld [smem:$0x3FC7]  }
0x93: {  	s5 =	sld [smem:$0x3FC6]  }
0x94: {  	s6 =	sld [smem:$0x3FD0];
	(tm) =	ssettm $0x1  }
0x95: {  	s7 =	sld [smem:$0x3FFB];
	_ =	sdelay $0x3  }
0x96: {  	_ =	strace s7  }
0x97: {  	s7 =	sld [smem:$0x3FFC];
	_ =	sdelay $0x3  }
0x98: {  	_ =	strace s7  }
0x99: {  	s7 =	sld [smem:$0x3FFD];
	_ =	sdelay $0x3  }
0x9a: {  	_ =	strace s7  }
0x9b: {  	_ =	strace $0x8FFFFFFF  }
0x9c: {  	s20 =	sld [smem:$0x3FDB];
	_ =	sdelay $0x1  }
0x9d: {  	s8 =	simm.s32 $_scs_section_size  }
0x9e: {  	s9 =	simm.s32 $_size__tile_overlayer_lowered;
	s10 =	simm.s32 $_tile_overlayer_lowered  }
0x9f: {  	s23 =	simm.s32 $0x1BFF;
	s22 =	sshll.u32 s10, $0x1;
	s7 =	sadd.s32 s8, s20  }
0xa0: {  	s11 =	simm.s32 $0x0;
	s21 =	sshll.u32 s9, $0x1;
	s9 =	sadd.s32 s22, s7  }
0xa1: {  	[timem:s11], [sflag:s23] =	dma.local [hbm:s9], s21  }
0xa2: {  	_ =	swait.ge [sflag:s23], s21  }
0xa3: {  	s8 =	ssub.s32 $0x0, s21;
	[sflag:s23] =	ssyncset.done $0x0  }
0xa4: {  	[sflag:s23] =	ssyncadd.s32 s8;
	_ =	sdelay $0x1  }
0xa5: {  	s24 =	simm.s32 $0x1B8B  }
0xa6: {  	_ =	swait.ge [sflag:s24], $0x1  }
0xa7: {  	[sflag:s24] =	ssyncset.done $0x0  }
0xa8: {  	s25 =	simm.s32 $0x1B8E;
	[sflag:s24] =	ssyncadd.s32 $0xFFFFFFFF  }
0xa9: {  	s26 =	simm.s32 $execute0_lowered;
	[smem:$0x3FD2] =	sst s25  }
0xaa: {  	s8 =	sshll.u32 s26, $0x1;
	_ =	strace $0x80000046;
	[dreg:$0x1] =	wrdreg $0xFFFFFFFF  }
0xab: {  	s28 =	simm.s32 $_size_execute0_lowered;
	s7 =	sadd.s32 s7, s8;
	[dreg:$0x0] =	wrdreg $0x0  }
0xac: {  	s8 =	sshll.u32 s28, $0x1;
	[dreg:$0x2] =	wrdreg s7  }
0xad: {  	[dreg:$0x3] =	wrdreg s8  }
0xae: {  	[dreg:$0x4] =	wrdreg $0xC0  }
0xaf: {  	_ =	task [dreg:s11], $0x5FFFF  }
0xb0: {  	[dreg:$0x1] =	wrdreg $0xFFFFFFFF  }
0xb1: {  	[dreg:$0x0] =	wrdreg $0x60  }
0xb2: {  	[dreg:$0x2] =	wrdreg s2  }
0xb3: {  	[dreg:$0x3] =	wrdreg s19  }
0xb4: {  	[dreg:$0x4] =	wrdreg s4  }
0xb5: {  	[dreg:$0x5] =	wrdreg s5  }
0xb6: {  	[dreg:$0x6] =	wrdreg s6  }
0xb7: {  	[dreg:$0x7] =	wrdreg $0x9  }
0xb8: {  	_ =	task.clear_ibuf [dreg:s11], $0x8FFFF;
	_ =	strace $0x90000046  }
0xb9: {  	s29 =	simm.s32 $0x9;
	_ =	strace $0x80000048  }
0xba: {  	_ =	swait.ge [sflag:s29], $0x1  }
0xbb: {  	[sflag:s29] =	ssyncadd.s32 $0xFFFFFFFF  }
0xbc: {  	_ =	strace $0x90000048  }
0xbd: {  	_ =	sfence  }
0xbe: {  	s30 =	sld [smem:$0x0];
	_ =	sdelay $0x2  }
0xbf: {  	s31 =	sshll.u32 s1, $0xD;
	s1 =	sshrl.u32 s1, $0x2  }
0xc0: {  	s3 =	sand.u32 $0x4000, s31;
	s1 =	sadd.s32 s1, s30  }
0xc1: {  	s0 =	sor.u32 s3, s0;
	s1 =	sshll.u32 s1, $0x11  }
0xc2: {  	s0 =	sor.u32 s1, s0  }
0xc3: {  	s0 =	sadd.s32 $0x8F2B, s0  }
0xc4: {  	[sflag:s0] =	ssyncadd.remote.s32 $0x1  }
0xc5: {  	_ =	sfence.sel $0xFFFF  }
0xc6: {  	[dreg:$0x0] =	wrdreg $0xFFFFFFFF;
	(pc) =	sbr.abs _section_cstart, $3  }
0xc7: {  	[dreg:$0x1] =	wrdreg $0xFFFFFFFF  }
0xc8: {  	_ =	task.clear_ibuf [dreg:s11], $0x2FFFF;
	_ =	strace $0x9FFFFFFF  }
0xc9: {  	(tm) =	ssettm $0x7FFFFFFF  }
tec
execute0_lowered:
.L_overlay_start_1:
0x0: {  	(tag) =	ssettag $0x1  }
0x1: {  	s1 =	rddreg [dreg:$0x0]  }
0x2: {  	s0 =	rddreg [dreg:$0x1]  }
0x3: {  	s2 =	rddreg [dreg:$0x4];
	s3 =	srdreg.scid  }
0x4: {  	s4 =	stileid.u32;
	s5 =	simm.s32 $0x0;
	s10 =	simm.s32 $0x80  }
0x5: {  	s11 =	simm.s32 $0x100;
	s12 =	simm.s32 $0x7;
	s14 =	simm.s32 $0x500  }
0x6: {  	s15 =	simm.s32 $0x4500;
	s17 =	simm.s32 $0x480;
	s18 =	simm.s32 $0x1  }
0x7: {  	s19 =	simm.s32 $0x2;
	s23 =	simm.s32 $0x18500;
	s24 =	simm.s32 $0x18600  }
0x8: {  	s25 =	simm.s32 $0x18700;
	s30 =	simm.s32 $0x3;
	s31 =	simm.s32 $0x4  }
0x9: {  	s20 =	simm.s32 $0x0;
	s3 =	sand.u32 $0x1, s3;
	s4 =	sshll.u32 s4, $0xA  }
0xa: {  	[smem:$0x7FF] =	sst s5;
	s6 =	sshll.u32 s3, $0x9;
	s3 =	ssub.s32 $0x2, s3  }
0xb: {  	_ =	strace $0x80000047;
	s4 =	sor.u32 s6, s4;
	s28 =	sshrl.u32 s3, $0x1  }
0xc: {  	s7 =	sshrl.u32 s4, $0x2;
	s3 =	ssub.s32 s3, s28;
	s29 =	sshrl.u32 s4, $0x3  }
0xd: {  	v0 =	vlaneseq.u32;
	s4 =	simm.s32 $0x6;
	s6 =	sadd.s32 s0, s7;
	s8 =	sadd.s32 s2, s29  }
0xe: {  	v0 =	vmul.u32 $0x10, v0;
	s9 =	smax.u32 s3, $0x1;
	s2 =	simm.s32 $0x5;
	s7 =	sadd.s32 $0x10, s6  }
.LBB2_1:
0xf: {  	[tilespmem:s5], [sflag:$0x7] =	stream.strided.gather [hbm4b:s6+s10], $0x200, s11, s10, $0x38;
	[tilespmem:$0x18A00] =	vst v63  }
0x10: {  	_ =	swait.ge [sflag:s12], $0x200  }
0x11: {  	[sflag:s12] =	ssyncset.done $0x0  }
0x12: {  	s0 =	simm.s32 $0x200;
	[sflag:s12] =	ssyncadd.s32 $0xFFFFFE00  }
0x13: {  	[tilespmem:s0], [sflag:$0x7] =	stream.strided.gather [hbm4b:s7+s10], $0x200, s11, s10, $0x38;
	[tilespmem:$0x18A00] =	vst v63  }
0x14: {  	_ =	swait.ge [sflag:s12], $0x200  }
0x15: {  	[sflag:s12] =	ssyncset.done $0x0  }
0x16: {  	[sflag:s12] =	ssyncadd.s32 $0xFFFFFE00  }
0x17: {  	[tilespmem:s14], [sflag:$0x1] =	stream.indirect.gather [hbm4b:s1+s10], $0x80, s5, s10, $0xb8;
	[tilespmem:$0x18A00] =	vst v63  }
0x18: {  	_ = 	snop  }
0x19: {  	[tilespmem:s15], [sflag:$0x2] =	stream.indirect.gather [hbm4b:s1+s10], $0x80, s0, s10, $0xb8;
	[tilespmem:$0x18A00] =	vst v63  }
0x1a: {  	s3 =	simm.s32 $0x400;
	s21 =	rddreg [dreg:$0x2]  }
0x1b: {  	[tilespmem:s3], [sflag:$0x7] =	stream.linear.gather [hbm4b:s21+s5], $0x80, $0x38;
	[tilespmem:$0x18A00] =	vst v63  }
0x1c: {  	_ =	swait.ge [sflag:s12], $0x80  }
0x1d: {  	[sflag:s12] =	ssyncset.done $0x0  }
0x1e: {  	[sflag:s12] =	ssyncadd.s32 $0xFFFFFF80  }
0x1f: {  	s22 =	rddreg [dreg:$0x3]  }
0x20: {  	[tilespmem:s17], [sflag:$0x7] =	stream.linear.gather [hbm4b:s22+s5], $0x80, $0x38;
	[tilespmem:$0x18A00] =	vst v63  }
0x21: {  	_ =	swait.ge [sflag:s12], $0x80  }
0x22: {  	[sflag:s12] =	ssyncset.done $0x0  }
0x23: {  	[sflag:s12] =	ssyncadd.s32 $0xFFFFFF80  }
0x24: {  	v8 =	vld.msk [tilespmem:s17+$0x0], $0xffff  }
0x25: {  	v1 =	vld [tilespmem:$0x400]  }
0x26: {  	v2 =	vld [tilespmem:$0x410]  }
0x27: {  	v3 =	vld [tilespmem:$0x420]  }
0x28: {  	v4 =	vld [tilespmem:$0x430]  }
0x29: {  	v5 =	vld [tilespmem:$0x440]  }
0x2a: {  	v6 =	vld [tilespmem:$0x450]  }
0x2b: {  	v7 =	vld [tilespmem:$0x460]  }
0x2c: {  	v9 =	vld [tilespmem:$0x470];
	_ =	swait.ge [sflag:s18], $0x4000  }
0x2d: {  	[sflag:s18] =	ssyncset.done $0x0  }
0x2e: {  	[sflag:s18] =	ssyncadd.s32 $0xFFFFC000  }
0x2f: {  	_ =	swait.ge [sflag:s19], $0x4000  }
0x30: {  	s26 =	simm.s32 $0x8500;
	[sflag:s19] =	ssyncset.done $0x0  }
0x31: {  	s28 =	simm.s32 $0x280;
	s29 =	simm.s32 $0xC500;
	[sflag:s19] =	ssyncadd.s32 $0xFFFFC000;
	v1 =	vmul.f32 v1, v8;
	v2 =	vmul.f32 v2, v8  }
0x32: {  	v3 =	vmul.f32 v3, v8;
	v4 =	vmul.f32 v4, v8;
	[tilespmem:s26], [sflag:$0x3] =	stream.indirect.gather [hbm4b:s1+s10], $0x80, s10, s10, $0xb8;
	[tilespmem:$0x18A00] =	vst v63  }
0x33: {  	s21 =	simm.s32 $0x540;
	s22 =	simm.s32 $0x4540;
	v5 =	vmul.f32 v5, v8;
	v6 =	vmul.f32 v6, v8;
	s26 =	simm.s32 $0x0  }
0x34: {  	v7 =	vmul.f32 v7, v8;
	v8 =	vmul.f32 v9, v8;
	[tilespmem:s29], [sflag:$0x4] =	stream.indirect.gather [hbm4b:s1+s10], $0x80, s28, s10, $0xb8;
	[tilespmem:$0x18A00] =	vst v63  }
.LBB2_2:
0x35: {  	v10 =	vld [tilespmem:s22+$0xFFFFFFD0]  }
0x36: {  	v9 =	vld [tilespmem:s22+$0x30]  }
0x37: {  	v19 =	vld [tilespmem:s21+$0x30]  }
0x38: {  	v11 =	vld [tilespmem:s21+$0x10]  }
0x39: {  	v13 =	vld [tilespmem:s22+$0x20]  }
0x3a: {  	v14 =	vld [tilespmem:s21+$0xFFFFFFF0]  }
0x3b: {  	v16 =	vld [tilespmem:s22+$0xFFFFFFF0]  }
0x3c: {  	v20 =	vld [tilespmem:s21+$0x20]  }
0x3d: {  	v15 =	vld [tilespmem:s21+$0xFFFFFFC0]  }
0x3e: {  	v17 =	vld [tilespmem:s22+$0xFFFFFFC0]  }
0x3f: {  	v12 =	vld [tilespmem:s22+$0x10]  }
0x40: {  	v21 =	vld [tilespmem:s21+$0xFFFFFFD0];
	v18 =	vmul.f32 v10, v10  }
0x41: {  	v23 =	vld [tilespmem:s22+$0xFFFFFFE0];
	v22 =	vmul.f32 v9, v19;
	v24 =	vmul.f32 v16, v14  }
0x42: {  	v25 =	vmul.f32 v14, v14;
	v26 =	vmul.f32 v13, v20;
	v14 =	vld [tilespmem:s21+$0xFFFFFFE0]  }
0x43: {  	v27 =	vld [tilespmem:s22+$0x0];
	v28 =	vmul.f32 v11, v11;
	v29 =	vmul.f32 v17, v15  }
0x44: {  	v11 =	vmul.f32 v12, v11;
	v17 =	vmul.f32 v17, v17  }
0x45: {  	v10 =	vmul.f32 v10, v21;
	v21 =	vmul.f32 v21, v21  }
0x46: {  	v30 =	vld [tilespmem:s21+$0x0];
	s3 =	sadd.s32 $0x80, s22;
	v29 =	vmul.f32 v29, v1;
	v31 =	vmul.f32 v11, v6  }
0x47: {  	v32 =	vld [tilespmem:s3+$0xFFFFFFD0];
	v33 =	vmul.f32 v10, v2;
	v11 =	vmul.f32 v23, v14  }
0x48: {  	v34 =	vld [tilespmem:s3+$0x30];
	v15 =	vmul.f32 v15, v15;
	v35 =	vmul.f32 v27, v27  }
0x49: {  	v62 =	vld [tilespmem:s3+$0xFFFFFFC0];
	v36 =	vmul.f32 v12, v12;
	v29 =	vadd.f32 v33, v29;
	v60 =	vmul.f32 v11, v3  }
0x4a: {  	s0 =	sadd.s32 $0x80, s21;
	v37 =	vmul.f32 v13, v13;
	v12 =	vld [tilespmem:s3+$0x20];
	v21 =	vadd.f32 v21, v15;
	v14 =	vmul.f32 v14, v14  }
0x4b: {  	v27 =	vmul.f32 v27, v30;
	v24 =	vmul.f32 v24, v4;
	v10 =	vld [tilespmem:s0+$0x30];
	v13 =	vadd.f32 v60, v29  }
0x4c: {  	v17 =	vadd.f32 v18, v17;
	v18 =	vld [tilespmem:s3+$0xFFFFFFF0];
	v23 =	vmul.f32 v23, v23;
	v21 =	vadd.f32 v14, v21  }
0x4d: {  	v16 =	vmul.f32 v16, v16;
	v27 =	vmul.f32 v27, v5;
	v29 =	vld [tilespmem:s0+$0xFFFFFFF0];
	v24 =	vadd.f32 v24, v13  }
0x4e: {  	v11 =	vld [tilespmem:s3+$0x10];
	v61 =	vadd.f32 v23, v17;
	v21 =	vadd.f32 v25, v21;
	v25 =	vmul.f32 v30, v30  }
0x4f: {  	v9 =	vmul.f32 v9, v9;
	v38 =	vmul.f32 v20, v20;
	v14 =	vld [tilespmem:s0+$0x20];
	v24 =	vadd.f32 v27, v24  }
0x50: {  	v15 =	vmul.f32 v32, v32;
	v23 =	vld [tilespmem:s0+$0xFFFFFFC0];
	v21 =	vadd.f32 v25, v21;
	v25 =	vadd.f32 v16, v61  }
0x51: {  	v26 =	vmul.f32 v26, v7;
	v17 =	vmul.f32 v34, v34;
	v27 =	vld [tilespmem:s0+$0xFFFFFFD0];
	v24 =	vadd.f32 v31, v24  }
0x52: {  	v30 =	vld [tilespmem:s0+$0x10];
	v39 =	vadd.f32 v28, v21;
	v25 =	vadd.f32 v35, v25;
	v28 =	vmul.f32 v18, v29  }
0x53: {  	v13 =	vmul.f32 v34, v10;
	v31 =	vmul.f32 v22, v8;
	v24 =	vadd.f32 v26, v24  }
0x54: {  	s13 =	simm.s32 $0x0;
	v16 =	vmul.f32 v12, v14;
	v26 =	vmul.f32 v28, v4;
	v28 =	vadd.f32 v36, v25;
	v25 =	vld [tilespmem:s3+$0xFFFFFFE0]  }
0x55: {  	v63 =	vmul.f32 v62, v23;
	v21 =	vor.u32 s13, v0;
	v33 =	vadd.f32 v31, v24;
	v31 =	vld [tilespmem:s0+$0xFFFFFFE0]  }
0x56: {  	v20 =	vmul.f32 v29, v29;
	v36 =	vmul.f32 v32, v27;
	v32 =	vadd.f32 v37, v28;
	v28 =	vld [tilespmem:s3+$0x0]  }
0x57: {  	v29 =	vmul.f32 v19, v19;
	v40 =	vmul.f32 v11, v30  }
0x58: {  	s28 =	simm.s32 $0x1;
	v19 =	vmul.f32 v30, v30;
	v30 =	vmul.f32 v62, v62  }
0x59: {  	s29 =	simm.s32 $0x2;
	v34 =	vmul.f32 v63, v1;
	v22 =	vld [tilespmem:s0+$0x0];
	v35 =	vadd.f32 v38, v39;
	v24 =	vmul.f32 v40, v6;
	s0 =	sadd.s32 $0x80, s0;
	s3 =	sadd.s32 $0x80, s3  }
.LBB2_3:
0x5a: {  	v37 =	vld [tilespmem:s3+$0xFFFFFFD0];
	p0 =	sne.s32 s29, $0xF;
	v27 =	vmul.f32 v27, v27;
	v38 =	vmul.f32 v25, v31;
	[tilespmem:v21+s23+$0x0] =	vst.idx.msk $0xffff, v33;
	s16 =	smov.u32 s29;
	s29 =	sadd.s32 $0x1, s29  }
0x5b: {  	v36 =	vmul.f32 v36, v2;
	v33 =	vld [tilespmem:s3+$0x30];
	v39 =	vmul.f32 v28, v28;
	v29 =	vadd.f32 v29, v35  }
0x5c: {  	v23 =	vmul.f32 v23, v23;
	v32 =	vadd.f32 v9, v32;
	v9 =	vmovc v17;
	v35 =	vmul.f32 v11, v11;
	v11 =	vld [tilespmem:s3+$0x10]  }
0x5d: {  	v17 =	vadd.f32 v36, v34;
	v34 =	vmul.f32 v38, v3;
	v40 =	vld [tilespmem:s0+$0x30];
	[tilespmem:v21+s24+$0x0] =	vst.idx.msk $0xffff, v29  }
0x5e: {  	v23 =	vadd.f32 v27, v23;
	v27 =	vmul.f32 v31, v31;
	v38 =	vmul.f32 v12, v12;
	v36 =	vld [tilespmem:s0+$0x10]  }
0x5f: {  	v28 =	vmul.f32 v28, v22;
	v17 =	vadd.f32 v34, v17;
	v12 =	vld [tilespmem:s3+$0x20];
	[tilespmem:v21+s25+$0x0] =	vst.idx.msk $0xffff, v32  }
0x60: {  	v25 =	vmul.f32 v25, v25;
	v23 =	vadd.f32 v27, v23;
	v21 =	vmul.f32 v37, v37;
	v29 =	vld [tilespmem:s0+$0xFFFFFFF0]  }
0x61: {  	v27 =	vadd.f32 v15, v30;
	v17 =	vadd.f32 v26, v17;
	v26 =	vmul.f32 v28, v5;
	v31 =	vld [tilespmem:s0+$0x20]  }
0x62: {  	v22 =	vmul.f32 v22, v22;
	v20 =	vadd.f32 v20, v23;
	v15 =	vmovc v21;
	v28 =	vld [tilespmem:s3+$0xFFFFFFF0];
	v30 =	vmul.f32 v33, v40  }
0x63: {  	v18 =	vmul.f32 v18, v18;
	v21 =	vadd.f32 v25, v27;
	v25 =	vadd.f32 v26, v17;
	v23 =	vld [tilespmem:s0+$0xFFFFFFC0]  }
0x64: {  	v41 =	vmul.f32 v14, v14;
	v17 =	vmul.f32 v33, v33;
	v26 =	vadd.f32 v22, v20;
	v27 =	vld [tilespmem:s0+$0xFFFFFFD0]  }
0x65: {  	v33 =	vmul.f32 v16, v7;
	v43 =	vadd.f32 v18, v21;
	v24 =	vadd.f32 v24, v25;
	v32 =	vld [tilespmem:s3+$0xFFFFFFC0]  }
0x66: {  	v42 =	vadd.f32 v19, v26;
	v20 =	vmul.f32 v29, v29;
	v22 =	vld [tilespmem:s0+$0x0];
	v16 =	vmul.f32 v12, v31;
	v14 =	vmovc v31  }
0x67: {  	v21 =	vor.u32 s28, v0;
	s28 =	smov.u32 s16;
	v34 =	vadd.f32 v39, v43;
	v25 =	vld [tilespmem:s3+$0xFFFFFFE0];
	v19 =	vmul.f32 v28, v29;
	v18 =	vmovc v28  }
.Ltmp0:
0x68: {  	v24 =	vadd.f32 v33, v24;
	v33 =	vmul.f32 v13, v8;
	v29 =	vmul.f32 v10, v10;
	v10 =	vmovc v40;
	v31 =	vld [tilespmem:s0+$0xFFFFFFE0];
	(pc) =	sbr.rel @p0 .LBB2_3-.Ltmp0, $4  }
0x69: {  	v13 =	vmovc v30;
	v34 =	vadd.f32 v35, v34;
	v26 =	vmul.f32 v19, v4;
	v28 =	vld [tilespmem:s3+$0x0];
	v19 =	vmul.f32 v36, v36  }
0x6a: {  	v39 =	vmul.f32 v11, v36;
	v33 =	vadd.f32 v33, v24;
	v35 =	vmul.f32 v32, v23  }
0x6b: {  	v36 =	vmul.f32 v37, v27;
	v30 =	vmul.f32 v32, v32;
	v32 =	vadd.f32 v38, v34  }
0x6c: {  	v24 =	vmul.f32 v39, v6;
	s0 =	sadd.s32 $0x80, s0;
	s3 =	sadd.s32 $0x80, s3;
	v34 =	vmul.f32 v35, v1;
	v35 =	vadd.f32 v41, v42  }
0x6d: {  	v37 =	vmul.f32 v25, v31;
	v36 =	vmul.f32 v36, v2  }
0x6e: {  	v27 =	vmul.f32 v27, v27;
	v23 =	vmul.f32 v23, v23  }
0x6f: {  	v34 =	vadd.f32 v36, v34;
	v44 =	vmul.f32 v37, v3  }
0x70: {  	v45 =	vmul.f32 v31, v31;
	v48 =	vmul.f32 v25, v25;
	v23 =	vadd.f32 v27, v23  }
0x71: {  	v15 =	vadd.f32 v15, v30;
	v47 =	vmul.f32 v28, v22;
	v46 =	vadd.f32 v44, v34  }
0x72: {  	v18 =	vmul.f32 v18, v18;
	v23 =	vadd.f32 v45, v23  }
0x73: {  	v15 =	vadd.f32 v48, v15;
	v49 =	vmul.f32 v47, v5;
	v26 =	vadd.f32 v26, v46  }
0x74: {  	v51 =	vmul.f32 v22, v22;
	v11 =	vmul.f32 v11, v11;
	v20 =	vadd.f32 v20, v23  }
0x75: {  	v52 =	vmul.f32 v28, v28;
	v15 =	vadd.f32 v18, v15;
	v26 =	vadd.f32 v49, v26  }
0x76: {  	v12 =	vmul.f32 v12, v12;
	v16 =	vmul.f32 v16, v7;
	v53 =	vadd.f32 v51, v20  }
0x77: {  	v14 =	vmul.f32 v14, v14;
	v15 =	vadd.f32 v52, v15;
	v54 =	vadd.f32 v24, v26  }
0x78: {  	[tilespmem:v21+s23+$0x0] =	vst.idx.msk $0xffff, v33;
	v55 =	vor.u32 s28, v0;
	v50 =	vadd.f32 v29, v35;
	v18 =	vadd.f32 v19, v53  }
0x79: {  	v13 =	vmul.f32 v13, v8;
	v11 =	vadd.f32 v11, v15;
	v16 =	vadd.f32 v16, v54  }
0x7a: {  	v9 =	vadd.f32 v9, v32;
	v10 =	vmul.f32 v10, v10;
	v14 =	vadd.f32 v14, v18  }
0x7b: {  	[tilespmem:v21+s24+$0x0] =	vst.idx.msk $0xffff, v50;
	v11 =	vadd.f32 v12, v11;
	v13 =	vadd.f32 v13, v16  }
0x7c: {  	[tilespmem:v21+s25+$0x0] =	vst.idx.msk $0xffff, v9;
	v9 =	vadd.f32 v10, v14  }
0x7d: {  	v10 =	vadd.f32 v17, v11;
	[tilespmem:v55+s23+$0x0] =	vst.idx.msk $0xffff, v13  }
0x7e: {  	[tilespmem:v55+s24+$0x0] =	vst.idx.msk $0xffff, v9  }
0x7f: {  	[tilespmem:v55+s25+$0x0] =	vst.idx.msk $0xffff, v10  }
0x80: {  	v10 =	vld [tilespmem:$0x18600]  }
0x81: {  	v11 =	vld [tilespmem:$0x18610]  }
0x82: {  	v56 =	vld [tilespmem:$0x18620]  }
0x83: {  	v13 =	vld [tilespmem:$0x18630]  }
0x84: {  	v57 =	vld [tilespmem:$0x18640]  }
0x85: {  	v58 =	vld [tilespmem:$0x18650]  }
0x86: {  	v59 =	vld [tilespmem:$0x18660]  }
0x87: {  	v60 =	vld [tilespmem:$0x18670]  }
0x88: {  	v61 =	vld [tilespmem:$0x18680]  }
0x89: {  	v19 =	vld [tilespmem:$0x18690]  }
0x8a: {  	v62 =	vld [tilespmem:$0x186A0]  }
0x8b: {  	v21 =	vld [tilespmem:$0x186B0]  }
0x8c: {  	v63 =	vld [tilespmem:$0x186C0]  }
0x8d: {  	v36 =	vld [tilespmem:$0x186D0]  }
0x8e: {  	v37 =	vld [tilespmem:$0x186E0]  }
0x8f: {  	v25 =	vld [tilespmem:$0x186F0]  }
0x90: {  	v38 =	vld [tilespmem:$0x18700]  }
0x91: {  	v39 =	vld [tilespmem:$0x18710]  }
0x92: {  	v40 =	vld [tilespmem:$0x18720]  }
0x93: {  	v41 =	vld [tilespmem:$0x18730]  }
0x94: {  	v42 =	vld [tilespmem:$0x18740]  }
0x95: {  	v43 =	vld [tilespmem:$0x18750]  }
0x96: {  	v44 =	vld [tilespmem:$0x18760]  }
0x97: {  	v33 =	vld [tilespmem:$0x18770]  }
0x98: {  	v45 =	vld [tilespmem:$0x18780]  }
0x99: {  	v46 =	vld [tilespmem:$0x18790]  }
0x9a: {  	v49 =	vld [tilespmem:$0x187A0];
	v10 =	vadd.f32 v11, v10;
	v11 =	vadd.f32 v13, v56  }
0x9b: {  	v52 =	vld [tilespmem:$0x187B0];
	v47 =	vadd.f32 v58, v57;
	v48 =	vadd.f32 v60, v59  }
0x9c: {  	v55 =	vld [tilespmem:$0x187C0];
	v50 =	vadd.f32 v19, v61;
	v51 =	vadd.f32 v21, v62  }
0x9d: {  	v53 =	vadd.f32 v36, v63;
	v54 =	vadd.f32 v25, v37;
	v56 =	vld [tilespmem:$0x187D0]  }
0x9e: {  	v59 =	vld [tilespmem:$0x187E0];
	v63 =	vadd.f32 v39, v38;
	v35 =	vadd.f32 v41, v40  }
0x9f: {  	v60 =	vld [tilespmem:$0x187F0];
	v37 =	vadd.f32 v43, v42;
	v38 =	vadd.f32 v33, v44  }
0xa0: {  	v9 =	vld [tilespmem:$0x18500];
	v12 =	vadd.f32 v46, v45;
	v15 =	vadd.f32 v52, v49  }
0xa1: {  	v61 =	vld [tilespmem:$0x18510];
	v10 =	vadd.f32 v11, v10;
	v11 =	vadd.f32 v48, v47  }
0xa2: {  	v62 =	vld [tilespmem:$0x18520];
	v57 =	vadd.f32 v51, v50;
	v58 =	vadd.f32 v54, v53  }
0xa3: {  	v36 =	vld [tilespmem:$0x18530];
	v16 =	vadd.f32 v35, v63;
	v42 =	vadd.f32 v38, v37  }
0xa4: {  	v39 =	vld [tilespmem:$0x18540];
	v13 =	vadd.f32 v56, v55;
	v17 =	vadd.f32 v60, v59  }
0xa5: {  	v40 =	vld [tilespmem:$0x18550];
	v12 =	vadd.f32 v15, v12;
	v10 =	vadd.f32 v11, v10  }
0xa6: {  	v41 =	vld [tilespmem:$0x18560];
	v11 =	vadd.f32 v58, v57;
	v13 =	vadd.f32 v17, v13  }
0xa7: {  	v43 =	vld [tilespmem:$0x18570];
	v16 =	vadd.f32 v42, v16  }
0xa8: {  	v44 =	vld [tilespmem:$0x18580];
	v10 =	vadd.f32 v11, v10;
	v12 =	vadd.f32 v13, v12  }
0xa9: {  	v45 =	vld [tilespmem:$0x185A0]  }
0xaa: {  	v49 =	vld [tilespmem:$0x185D0];
	v47 =	vshra.s32 v10, $0x1;
	v10 =	vmul.f32 $5.000000000e-01, v10;
	v12 =	vadd.f32 v12, v16  }
0xab: {  	v52 =	vld [tilespmem:$0x185E0];
	v16 =	vsub.s32 $0x5F3759DF, v47  }
0xac: {  	v48 =	vld [tilespmem:$0x185C0];
	v50 =	vmul.f32 v16, v10;
	v51 =	vshra.s32 v12, $0x1;
	v12 =	vmul.f32 $5.000000000e-01, v12  }
0xad: {  	v53 =	vld [tilespmem:$0x185F0];
	v27 =	vsub.s32 $0x5F3759DF, v51  }
0xae: {  	v46 =	vld [tilespmem:$0x185B0];
	v25 =	vmul.f32 v16, v50;
	v54 =	vmul.f32 v27, v12  }
0xaf: {  	v9 =	vadd.f32 v61, v9;
	v14 =	vadd.f32 v36, v62;
	v11 =	vld [tilespmem:$0x18590]  }
0xb0: {  	v18 =	vadd.f32 v40, v39;
	v55 =	vsub.f32 $1.500000000e+00, v25;
	v56 =	vmul.f32 v27, v54  }
0xb1: {  	v19 =	vadd.f32 v43, v41;
	v59 =	vadd.f32 v49, v48  }
0xb2: {  	v60 =	vadd.f32 v53, v52;
	v57 =	vmul.f32 v16, v55;
	v58 =	vsub.f32 $1.500000000e+00, v56  }
0xb3: {  	v9 =	vadd.f32 v14, v9;
	v13 =	vadd.f32 v46, v45  }
0xb4: {  	v11 =	vadd.f32 v11, v44;
	v10 =	vmul.f32 v57, v10;
	v61 =	vmul.f32 v27, v58  }
0xb5: {  	v62 =	vadd.f32 v19, v18;
	v63 =	vadd.f32 v60, v59  }
0xb6: {  	v11 =	vadd.f32 v13, v11;
	v10 =	vmul.f32 v10, v57;
	v12 =	vmul.f32 v61, v12  }
0xb7: {  	v9 =	vadd.f32 v62, v9  }
0xb8: {  	v11 =	vadd.f32 v63, v11;
	v10 =	vsub.f32 $1.500000000e+00, v10;
	v12 =	vmul.f32 v12, v61;
	_ =	sdelay $0x1  }
0xb9: {  	s0 =	sshll.u32 s26, $0x4;
	s26 =	sadd.s32 $0x1, s26;
	v9 =	vadd.f32 v11, v9;
	v10 =	vmul.f32 v10, v57;
	v11 =	vsub.f32 $1.500000000e+00, v12  }
0xba: {  	p0 =	sne.s32 s26, $0x8  }
.Ltmp1:
0xbb: {  	v9 =	vmul.f32 v10, v9;
	v10 =	vmul.f32 v11, v61;
	(pc) =	sbr.rel @p0 .LBB2_2-.Ltmp1, $4  }
0xbc: {  	_ = 	snop  }
0xbd: {  	v9 =	vmul.f32 v10, v9  }
0xbe: {  	s0 =	sand.u32 $0x3FFFFFF0, s0  }
0xbf: {  	s21 =	sadd.s32 $0x800, s21;
	s22 =	sadd.s32 $0x800, s22;
	[tilespmem:s0+$0x18800] =	vst v9  }
0xc0: {  	s0 =	simm.s32 $0x10500  }
0xc1: {  	[tilespmem:s0], [sflag:$0x5] =	stream.indirect.gather [hbm4b:s1+s10], $0x80, s11, s10, $0xb8;
	[tilespmem:$0x18A00] =	vst v63  }
0xc2: {  	s29 =	simm.s32 $0x300;
	s3 =	simm.s32 $0x14500  }
0xc3: {  	[tilespmem:s3], [sflag:$0x6] =	stream.indirect.gather [hbm4b:s1+s10], $0x80, s29, s10, $0xb8;
	[tilespmem:$0x18A00] =	vst v63  }
0xc4: {  	_ =	swait.ge [sflag:s30], $0x4000  }
0xc5: {  	[sflag:s30] =	ssyncset.done $0x0  }
0xc6: {  	[sflag:s30] =	ssyncadd.s32 $0xFFFFC000  }
0xc7: {  	_ =	swait.ge [sflag:s31], $0x4000  }
0xc8: {  	s21 =	simm.s32 $0x0;
	s22 =	simm.s32 $0x8540;
	[sflag:s31] =	ssyncset.done $0x0  }
0xc9: {  	s26 =	simm.s32 $0xC540;
	s28 =	simm.s32 $0x0;
	[sflag:s31] =	ssyncadd.s32 $0xFFFFC000  }
.LBB2_6:
0xca: {  	v10 =	vld [tilespmem:s26+$0xFFFFFFD0]  }
0xcb: {  	v9 =	vld [tilespmem:s26+$0x30]  }
0xcc: {  	v19 =	vld [tilespmem:s22+$0x30]  }
0xcd: {  	v11 =	vld [tilespmem:s22+$0x10]  }
0xce: {  	v13 =	vld [tilespmem:s26+$0x20]  }
0xcf: {  	v14 =	vld [tilespmem:s22+$0xFFFFFFF0]  }
0xd0: {  	v16 =	vld [tilespmem:s26+$0xFFFFFFF0]  }
0xd1: {  	v20 =	vld [tilespmem:s22+$0x20]  }
0xd2: {  	v15 =	vld [tilespmem:s22+$0xFFFFFFC0]  }
0xd3: {  	v17 =	vld [tilespmem:s26+$0xFFFFFFC0]  }
0xd4: {  	v12 =	vld [tilespmem:s26+$0x10]  }
0xd5: {  	v21 =	vld [tilespmem:s22+$0xFFFFFFD0];
	v18 =	vmul.f32 v10, v10  }
0xd6: {  	v23 =	vld [tilespmem:s26+$0xFFFFFFE0];
	v22 =	vmul.f32 v9, v19;
	v24 =	vmul.f32 v16, v14  }
0xd7: {  	v25 =	vmul.f32 v14, v14;
	v26 =	vmul.f32 v13, v20;
	v14 =	vld [tilespmem:s22+$0xFFFFFFE0]  }
0xd8: {  	v27 =	vld [tilespmem:s26+$0x0];
	v28 =	vmul.f32 v11, v11;
	v29 =	vmul.f32 v17, v15  }
0xd9: {  	v11 =	vmul.f32 v12, v11;
	v17 =	vmul.f32 v17, v17  }
0xda: {  	v10 =	vmul.f32 v10, v21;
	v21 =	vmul.f32 v21, v21  }
0xdb: {  	v30 =	vld [tilespmem:s22+$0x0];
	s16 =	sadd.s32 $0x80, s26;
	v29 =	vmul.f32 v29, v1;
	v31 =	vmul.f32 v11, v6  }
0xdc: {  	v32 =	vld [tilespmem:s16+$0xFFFFFFD0];
	v33 =	vmul.f32 v10, v2;
	v11 =	vmul.f32 v23, v14  }
0xdd: {  	v34 =	vld [tilespmem:s16+$0x30];
	v15 =	vmul.f32 v15, v15;
	v35 =	vmul.f32 v27, v27  }
0xde: {  	v62 =	vld [tilespmem:s16+$0xFFFFFFC0];
	v36 =	vmul.f32 v12, v12;
	v29 =	vadd.f32 v33, v29;
	v60 =	vmul.f32 v11, v3  }
0xdf: {  	s3 =	sadd.s32 $0x80, s22;
	v37 =	vmul.f32 v13, v13;
	v12 =	vld [tilespmem:s16+$0x20];
	v21 =	vadd.f32 v21, v15;
	v14 =	vmul.f32 v14, v14  }
0xe0: {  	v27 =	vmul.f32 v27, v30;
	v24 =	vmul.f32 v24, v4;
	v10 =	vld [tilespmem:s3+$0x30];
	v13 =	vadd.f32 v60, v29  }
0xe1: {  	v17 =	vadd.f32 v18, v17;
	v18 =	vld [tilespmem:s16+$0xFFFFFFF0];
	v23 =	vmul.f32 v23, v23;
	v21 =	vadd.f32 v14, v21  }
0xe2: {  	v16 =	vmul.f32 v16, v16;
	v27 =	vmul.f32 v27, v5;
	v29 =	vld [tilespmem:s3+$0xFFFFFFF0];
	v24 =	vadd.f32 v24, v13  }
0xe3: {  	v11 =	vld [tilespmem:s16+$0x10];
	v61 =	vadd.f32 v23, v17;
	v21 =	vadd.f32 v25, v21;
	v25 =	vmul.f32 v30, v30  }
0xe4: {  	v9 =	vmul.f32 v9, v9;
	v38 =	vmul.f32 v20, v20;
	v14 =	vld [tilespmem:s3+$0x20];
	v24 =	vadd.f32 v27, v24  }
0xe5: {  	v15 =	vmul.f32 v32, v32;
	v23 =	vld [tilespmem:s3+$0xFFFFFFC0];
	v21 =	vadd.f32 v25, v21;
	v25 =	vadd.f32 v16, v61  }
0xe6: {  	v26 =	vmul.f32 v26, v7;
	v17 =	vmul.f32 v34, v34;
	v27 =	vld [tilespmem:s3+$0xFFFFFFD0];
	v24 =	vadd.f32 v31, v24  }
0xe7: {  	v30 =	vld [tilespmem:s3+$0x10];
	v39 =	vadd.f32 v28, v21;
	v25 =	vadd.f32 v35, v25;
	v28 =	vmul.f32 v18, v29  }
0xe8: {  	v13 =	vmul.f32 v34, v10;
	v31 =	vmul.f32 v22, v8;
	v24 =	vadd.f32 v26, v24  }
0xe9: {  	v16 =	vmul.f32 v12, v14;
	v26 =	vmul.f32 v28, v4;
	v28 =	vadd.f32 v36, v25;
	v25 =	vld [tilespmem:s16+$0xFFFFFFE0]  }
0xea: {  	v63 =	vmul.f32 v62, v23;
	v21 =	vor.u32 s21, v0;
	v33 =	vadd.f32 v31, v24;
	v31 =	vld [tilespmem:s3+$0xFFFFFFE0]  }
0xeb: {  	v20 =	vmul.f32 v29, v29;
	v36 =	vmul.f32 v32, v27;
	v32 =	vadd.f32 v37, v28;
	v28 =	vld [tilespmem:s16+$0x0]  }
0xec: {  	v29 =	vmul.f32 v19, v19;
	v40 =	vmul.f32 v11, v30  }
0xed: {  	s29 =	simm.s32 $0x1;
	v19 =	vmul.f32 v30, v30;
	v30 =	vmul.f32 v62, v62  }
0xee: {  	s0 =	simm.s32 $0x2;
	v34 =	vmul.f32 v63, v1;
	v22 =	vld [tilespmem:s3+$0x0];
	v35 =	vadd.f32 v38, v39;
	v24 =	vmul.f32 v40, v6;
	s3 =	sadd.s32 $0x80, s3;
	s16 =	sadd.s32 $0x80, s16  }
.LBB2_7:
0xef: {  	v37 =	vld [tilespmem:s16+$0xFFFFFFD0];
	p0 =	sne.s32 s0, $0xF;
	v27 =	vmul.f32 v27, v27;
	v38 =	vmul.f32 v25, v31;
	[tilespmem:v21+s23+$0x0] =	vst.idx.msk $0xffff, v33;
	s13 =	smov.u32 s0;
	s0 =	sadd.s32 $0x1, s0  }
0xf0: {  	v36 =	vmul.f32 v36, v2;
	v33 =	vld [tilespmem:s16+$0x30];
	v39 =	vmul.f32 v28, v28;
	v29 =	vadd.f32 v29, v35  }
0xf1: {  	v23 =	vmul.f32 v23, v23;
	v32 =	vadd.f32 v9, v32;
	v9 =	vmovc v17;
	v35 =	vmul.f32 v11, v11;
	v11 =	vld [tilespmem:s16+$0x10]  }
0xf2: {  	v17 =	vadd.f32 v36, v34;
	v34 =	vmul.f32 v38, v3;
	v40 =	vld [tilespmem:s3+$0x30];
	[tilespmem:v21+s24+$0x0] =	vst.idx.msk $0xffff, v29  }
0xf3: {  	v23 =	vadd.f32 v27, v23;
	v27 =	vmul.f32 v31, v31;
	v38 =	vmul.f32 v12, v12;
	v36 =	vld [tilespmem:s3+$0x10]  }
0xf4: {  	v28 =	vmul.f32 v28, v22;
	v17 =	vadd.f32 v34, v17;
	v12 =	vld [tilespmem:s16+$0x20];
	[tilespmem:v21+s25+$0x0] =	vst.idx.msk $0xffff, v32  }
0xf5: {  	v25 =	vmul.f32 v25, v25;
	v23 =	vadd.f32 v27, v23;
	v21 =	vmul.f32 v37, v37;
	v29 =	vld [tilespmem:s3+$0xFFFFFFF0]  }
0xf6: {  	v27 =	vadd.f32 v15, v30;
	v17 =	vadd.f32 v26, v17;
	v26 =	vmul.f32 v28, v5;
	v31 =	vld [tilespmem:s3+$0x20]  }
0xf7: {  	v22 =	vmul.f32 v22, v22;
	v20 =	vadd.f32 v20, v23;
	v15 =	vmovc v21;
	v28 =	vld [tilespmem:s16+$0xFFFFFFF0];
	v30 =	vmul.f32 v33, v40  }
0xf8: {  	v18 =	vmul.f32 v18, v18;
	v21 =	vadd.f32 v25, v27;
	v25 =	vadd.f32 v26, v17;
	v23 =	vld [tilespmem:s3+$0xFFFFFFC0]  }
0xf9: {  	v41 =	vmul.f32 v14, v14;
	v17 =	vmul.f32 v33, v33;
	v26 =	vadd.f32 v22, v20;
	v27 =	vld [tilespmem:s3+$0xFFFFFFD0]  }
0xfa: {  	v33 =	vmul.f32 v16, v7;
	v43 =	vadd.f32 v18, v21;
	v24 =	vadd.f32 v24, v25;
	v32 =	vld [tilespmem:s16+$0xFFFFFFC0]  }
0xfb: {  	v42 =	vadd.f32 v19, v26;
	v20 =	vmul.f32 v29, v29;
	v22 =	vld [tilespmem:s3+$0x0];
	v16 =	vmul.f32 v12, v31;
	v14 =	vmovc v31  }
0xfc: {  	v21 =	vor.u32 s29, v0;
	s29 =	smov.u32 s13;
	v34 =	vadd.f32 v39, v43;
	v25 =	vld [tilespmem:s16+$0xFFFFFFE0];
	v19 =	vmul.f32 v28, v29;
	v18 =	vmovc v28  }
.Ltmp2:
0xfd: {  	v24 =	vadd.f32 v33, v24;
	v33 =	vmul.f32 v13, v8;
	v29 =	vmul.f32 v10, v10;
	v10 =	vmovc v40;
	v31 =	vld [tilespmem:s3+$0xFFFFFFE0];
	(pc) =	sbr.rel @p0 .LBB2_7-.Ltmp2, $4  }
0xfe: {  	v13 =	vmovc v30;
	v34 =	vadd.f32 v35, v34;
	v26 =	vmul.f32 v19, v4;
	v28 =	vld [tilespmem:s16+$0x0];
	v19 =	vmul.f32 v36, v36  }
0xff: {  	v39 =	vmul.f32 v11, v36;
	v33 =	vadd.f32 v33, v24;
	v35 =	vmul.f32 v32, v23  }
0x100: {  	v36 =	vmul.f32 v37, v27;
	v30 =	vmul.f32 v32, v32;
	v32 =	vadd.f32 v38, v34  }
0x101: {  	v24 =	vmul.f32 v39, v6;
	s3 =	sadd.s32 $0x80, s3;
	s16 =	sadd.s32 $0x80, s16;
	v34 =	vmul.f32 v35, v1;
	v35 =	vadd.f32 v41, v42  }
0x102: {  	v37 =	vmul.f32 v25, v31;
	v36 =	vmul.f32 v36, v2  }
0x103: {  	v27 =	vmul.f32 v27, v27;
	v23 =	vmul.f32 v23, v23  }
0x104: {  	v34 =	vadd.f32 v36, v34;
	v44 =	vmul.f32 v37, v3  }
0x105: {  	v45 =	vmul.f32 v31, v31;
	v48 =	vmul.f32 v25, v25;
	v23 =	vadd.f32 v27, v23  }
0x106: {  	v15 =	vadd.f32 v15, v30;
	v47 =	vmul.f32 v28, v22;
	v46 =	vadd.f32 v44, v34  }
0x107: {  	v18 =	vmul.f32 v18, v18;
	v23 =	vadd.f32 v45, v23  }
0x108: {  	v15 =	vadd.f32 v48, v15;
	v49 =	vmul.f32 v47, v5;
	v26 =	vadd.f32 v26, v46  }
0x109: {  	v51 =	vmul.f32 v22, v22;
	v11 =	vmul.f32 v11, v11;
	v20 =	vadd.f32 v20, v23  }
0x10a: {  	v52 =	vmul.f32 v28, v28;
	v15 =	vadd.f32 v18, v15;
	v26 =	vadd.f32 v49, v26  }
0x10b: {  	v12 =	vmul.f32 v12, v12;
	v16 =	vmul.f32 v16, v7;
	v53 =	vadd.f32 v51, v20  }
0x10c: {  	v14 =	vmul.f32 v14, v14;
	v15 =	vadd.f32 v52, v15;
	v54 =	vadd.f32 v24, v26  }
0x10d: {  	[tilespmem:v21+s23+$0x0] =	vst.idx.msk $0xffff, v33;
	v55 =	vor.u32 s29, v0;
	v50 =	vadd.f32 v29, v35;
	v18 =	vadd.f32 v19, v53  }
0x10e: {  	v13 =	vmul.f32 v13, v8;
	v11 =	vadd.f32 v11, v15;
	v16 =	vadd.f32 v16, v54  }
0x10f: {  	v9 =	vadd.f32 v9, v32;
	v10 =	vmul.f32 v10, v10;
	v14 =	vadd.f32 v14, v18  }
0x110: {  	[tilespmem:v21+s24+$0x0] =	vst.idx.msk $0xffff, v50;
	v11 =	vadd.f32 v12, v11;
	v13 =	vadd.f32 v13, v16  }
0x111: {  	[tilespmem:v21+s25+$0x0] =	vst.idx.msk $0xffff, v9;
	v9 =	vadd.f32 v10, v14  }
0x112: {  	v10 =	vadd.f32 v17, v11;
	[tilespmem:v55+s23+$0x0] =	vst.idx.msk $0xffff, v13  }
0x113: {  	[tilespmem:v55+s24+$0x0] =	vst.idx.msk $0xffff, v9  }
0x114: {  	[tilespmem:v55+s25+$0x0] =	vst.idx.msk $0xffff, v10  }
0x115: {  	v10 =	vld [tilespmem:$0x18600]  }
0x116: {  	v11 =	vld [tilespmem:$0x18610]  }
0x117: {  	v56 =	vld [tilespmem:$0x18620]  }
0x118: {  	v13 =	vld [tilespmem:$0x18630]  }
0x119: {  	v57 =	vld [tilespmem:$0x18640]  }
0x11a: {  	v58 =	vld [tilespmem:$0x18650]  }
0x11b: {  	v59 =	vld [tilespmem:$0x18660]  }
0x11c: {  	v60 =	vld [tilespmem:$0x18670]  }
0x11d: {  	v61 =	vld [tilespmem:$0x18680]  }
0x11e: {  	v19 =	vld [tilespmem:$0x18690]  }
0x11f: {  	v62 =	vld [tilespmem:$0x186A0]  }
0x120: {  	v21 =	vld [tilespmem:$0x186B0]  }
0x121: {  	v63 =	vld [tilespmem:$0x186C0]  }
0x122: {  	v36 =	vld [tilespmem:$0x186D0]  }
0x123: {  	v37 =	vld [tilespmem:$0x186E0]  }
0x124: {  	v25 =	vld [tilespmem:$0x186F0]  }
0x125: {  	v38 =	vld [tilespmem:$0x18700]  }
0x126: {  	v39 =	vld [tilespmem:$0x18710]  }
0x127: {  	v40 =	vld [tilespmem:$0x18720]  }
0x128: {  	v41 =	vld [tilespmem:$0x18730]  }
0x129: {  	v42 =	vld [tilespmem:$0x18740]  }
0x12a: {  	v43 =	vld [tilespmem:$0x18750]  }
0x12b: {  	v44 =	vld [tilespmem:$0x18760]  }
0x12c: {  	v33 =	vld [tilespmem:$0x18770]  }
0x12d: {  	v45 =	vld [tilespmem:$0x18780]  }
0x12e: {  	v46 =	vld [tilespmem:$0x18790]  }
0x12f: {  	v49 =	vld [tilespmem:$0x187A0];
	v10 =	vadd.f32 v11, v10;
	v11 =	vadd.f32 v13, v56  }
0x130: {  	v52 =	vld [tilespmem:$0x187B0];
	v47 =	vadd.f32 v58, v57;
	v48 =	vadd.f32 v60, v59  }
0x131: {  	v55 =	vld [tilespmem:$0x187C0];
	v50 =	vadd.f32 v19, v61;
	v51 =	vadd.f32 v21, v62  }
0x132: {  	v53 =	vadd.f32 v36, v63;
	v54 =	vadd.f32 v25, v37;
	v56 =	vld [tilespmem:$0x187D0]  }
0x133: {  	v59 =	vld [tilespmem:$0x187E0];
	v63 =	vadd.f32 v39, v38;
	v35 =	vadd.f32 v41, v40  }
0x134: {  	v60 =	vld [tilespmem:$0x187F0];
	v37 =	vadd.f32 v43, v42;
	v38 =	vadd.f32 v33, v44  }
0x135: {  	v9 =	vld [tilespmem:$0x18500];
	v12 =	vadd.f32 v46, v45;
	v15 =	vadd.f32 v52, v49  }
0x136: {  	v61 =	vld [tilespmem:$0x18510];
	v10 =	vadd.f32 v11, v10;
	v11 =	vadd.f32 v48, v47  }
0x137: {  	v62 =	vld [tilespmem:$0x18520];
	v57 =	vadd.f32 v51, v50;
	v58 =	vadd.f32 v54, v53  }
0x138: {  	v36 =	vld [tilespmem:$0x18530];
	v16 =	vadd.f32 v35, v63;
	v42 =	vadd.f32 v38, v37  }
0x139: {  	v39 =	vld [tilespmem:$0x18540];
	v13 =	vadd.f32 v56, v55;
	v17 =	vadd.f32 v60, v59  }
0x13a: {  	v40 =	vld [tilespmem:$0x18550];
	v12 =	vadd.f32 v15, v12;
	v10 =	vadd.f32 v11, v10  }
0x13b: {  	v41 =	vld [tilespmem:$0x18560];
	v11 =	vadd.f32 v58, v57;
	v13 =	vadd.f32 v17, v13  }
0x13c: {  	v43 =	vld [tilespmem:$0x18570];
	v16 =	vadd.f32 v42, v16  }
0x13d: {  	v44 =	vld [tilespmem:$0x18580];
	v10 =	vadd.f32 v11, v10;
	v12 =	vadd.f32 v13, v12  }
0x13e: {  	v45 =	vld [tilespmem:$0x185A0]  }
0x13f: {  	v49 =	vld [tilespmem:$0x185D0];
	v47 =	vshra.s32 v10, $0x1;
	v10 =	vmul.f32 $5.000000000e-01, v10;
	v12 =	vadd.f32 v12, v16  }
0x140: {  	v52 =	vld [tilespmem:$0x185E0];
	v16 =	vsub.s32 $0x5F3759DF, v47  }
0x141: {  	v48 =	vld [tilespmem:$0x185C0];
	v50 =	vmul.f32 v16, v10;
	v51 =	vshra.s32 v12, $0x1;
	v12 =	vmul.f32 $5.000000000e-01, v12  }
0x142: {  	v53 =	vld [tilespmem:$0x185F0];
	v27 =	vsub.s32 $0x5F3759DF, v51  }
0x143: {  	v46 =	vld [tilespmem:$0x185B0];
	v25 =	vmul.f32 v16, v50;
	v54 =	vmul.f32 v27, v12  }
0x144: {  	v9 =	vadd.f32 v61, v9;
	v14 =	vadd.f32 v36, v62;
	v11 =	vld [tilespmem:$0x18590]  }
0x145: {  	v18 =	vadd.f32 v40, v39;
	v55 =	vsub.f32 $1.500000000e+00, v25;
	v56 =	vmul.f32 v27, v54  }
0x146: {  	v19 =	vadd.f32 v43, v41;
	v59 =	vadd.f32 v49, v48  }
0x147: {  	v60 =	vadd.f32 v53, v52;
	v57 =	vmul.f32 v16, v55;
	v58 =	vsub.f32 $1.500000000e+00, v56  }
0x148: {  	v9 =	vadd.f32 v14, v9;
	v13 =	vadd.f32 v46, v45  }
0x149: {  	v11 =	vadd.f32 v11, v44;
	v10 =	vmul.f32 v57, v10;
	v61 =	vmul.f32 v27, v58  }
0x14a: {  	v62 =	vadd.f32 v19, v18;
	v63 =	vadd.f32 v60, v59  }
0x14b: {  	v11 =	vadd.f32 v13, v11;
	v10 =	vmul.f32 v10, v57;
	v12 =	vmul.f32 v61, v12  }
0x14c: {  	v9 =	vadd.f32 v62, v9  }
0x14d: {  	v11 =	vadd.f32 v63, v11;
	v10 =	vsub.f32 $1.500000000e+00, v10;
	v12 =	vmul.f32 v12, v61;
	_ =	sdelay $0x1  }
0x14e: {  	s0 =	sshll.u32 s28, $0x4;
	s28 =	sadd.s32 $0x1, s28;
	v9 =	vadd.f32 v11, v9;
	v10 =	vmul.f32 v10, v57;
	v11 =	vsub.f32 $1.500000000e+00, v12  }
0x14f: {  	p0 =	sne.s32 s28, $0x8  }
.Ltmp3:
0x150: {  	v9 =	vmul.f32 v10, v9;
	v10 =	vmul.f32 v11, v61;
	(pc) =	sbr.rel @p0 .LBB2_6-.Ltmp3, $4  }
0x151: {  	_ = 	snop  }
0x152: {  	v9 =	vmul.f32 v10, v9  }
0x153: {  	s0 =	sand.u32 $0x3FFFFFF0, s0  }
0x154: {  	s22 =	sadd.s32 $0x800, s22;
	s26 =	sadd.s32 $0x800, s26;
	[tilespmem:s0+$0x18880] =	vst v9  }
0x155: {  	s0 =	simm.s32 $0x180  }
0x156: {  	[tilespmem:s14], [sflag:$0x1] =	stream.indirect.gather [hbm4b:s1+s10], $0x80, s0, s10, $0xb8;
	[tilespmem:$0x18A00] =	vst v63  }
0x157: {  	s29 =	simm.s32 $0x380  }
0x158: {  	[tilespmem:s15], [sflag:$0x2] =	stream.indirect.gather [hbm4b:s1+s10], $0x80, s29, s10, $0xb8;
	[tilespmem:$0x18A00] =	vst v63  }
0x159: {  	_ =	swait.ge [sflag:s2], $0x4000  }
0x15a: {  	[sflag:s2] =	ssyncset.done $0x0  }
0x15b: {  	[sflag:s2] =	ssyncadd.s32 $0xFFFFC000  }
0x15c: {  	_ =	swait.ge [sflag:s4], $0x4000  }
0x15d: {  	s21 =	simm.s32 $0x0;
	s22 =	simm.s32 $0x10540;
	[sflag:s4] =	ssyncset.done $0x0  }
0x15e: {  	s26 =	simm.s32 $0x14540;
	s28 =	simm.s32 $0x0;
	[sflag:s4] =	ssyncadd.s32 $0xFFFFC000  }
.LBB2_10:
0x15f: {  	v10 =	vld [tilespmem:s26+$0xFFFFFFD0]  }
0x160: {  	v9 =	vld [tilespmem:s26+$0x30]  }
0x161: {  	v19 =	vld [tilespmem:s22+$0x30]  }
0x162: {  	v11 =	vld [tilespmem:s22+$0x10]  }
0x163: {  	v13 =	vld [tilespmem:s26+$0x20]  }
0x164: {  	v14 =	vld [tilespmem:s22+$0xFFFFFFF0]  }
0x165: {  	v16 =	vld [tilespmem:s26+$0xFFFFFFF0]  }
0x166: {  	v20 =	vld [tilespmem:s22+$0x20]  }
0x167: {  	v15 =	vld [tilespmem:s22+$0xFFFFFFC0]  }
0x168: {  	v17 =	vld [tilespmem:s26+$0xFFFFFFC0]  }
0x169: {  	v12 =	vld [tilespmem:s26+$0x10]  }
0x16a: {  	v21 =	vld [tilespmem:s22+$0xFFFFFFD0];
	v18 =	vmul.f32 v10, v10  }
0x16b: {  	v23 =	vld [tilespmem:s26+$0xFFFFFFE0];
	v22 =	vmul.f32 v9, v19;
	v24 =	vmul.f32 v16, v14  }
0x16c: {  	v25 =	vmul.f32 v14, v14;
	v26 =	vmul.f32 v13, v20;
	v14 =	vld [tilespmem:s22+$0xFFFFFFE0]  }
0x16d: {  	v27 =	vld [tilespmem:s26+$0x0];
	v28 =	vmul.f32 v11, v11;
	v29 =	vmul.f32 v17, v15  }
0x16e: {  	v11 =	vmul.f32 v12, v11;
	v17 =	vmul.f32 v17, v17  }
0x16f: {  	v10 =	vmul.f32 v10, v21;
	v21 =	vmul.f32 v21, v21  }
0x170: {  	v30 =	vld [tilespmem:s22+$0x0];
	s16 =	sadd.s32 $0x80, s26;
	v29 =	vmul.f32 v29, v1;
	v31 =	vmul.f32 v11, v6  }
0x171: {  	v32 =	vld [tilespmem:s16+$0xFFFFFFD0];
	v33 =	vmul.f32 v10, v2;
	v11 =	vmul.f32 v23, v14  }
0x172: {  	v34 =	vld [tilespmem:s16+$0x30];
	v15 =	vmul.f32 v15, v15;
	v35 =	vmul.f32 v27, v27  }
0x173: {  	v62 =	vld [tilespmem:s16+$0xFFFFFFC0];
	v36 =	vmul.f32 v12, v12;
	v29 =	vadd.f32 v33, v29;
	v60 =	vmul.f32 v11, v3  }
0x174: {  	s3 =	sadd.s32 $0x80, s22;
	v37 =	vmul.f32 v13, v13;
	v12 =	vld [tilespmem:s16+$0x20];
	v21 =	vadd.f32 v21, v15;
	v14 =	vmul.f32 v14, v14  }
0x175: {  	v27 =	vmul.f32 v27, v30;
	v24 =	vmul.f32 v24, v4;
	v10 =	vld [tilespmem:s3+$0x30];
	v13 =	vadd.f32 v60, v29  }
0x176: {  	v17 =	vadd.f32 v18, v17;
	v18 =	vld [tilespmem:s16+$0xFFFFFFF0];
	v23 =	vmul.f32 v23, v23;
	v21 =	vadd.f32 v14, v21  }
0x177: {  	v16 =	vmul.f32 v16, v16;
	v27 =	vmul.f32 v27, v5;
	v29 =	vld [tilespmem:s3+$0xFFFFFFF0];
	v24 =	vadd.f32 v24, v13  }
0x178: {  	v11 =	vld [tilespmem:s16+$0x10];
	v61 =	vadd.f32 v23, v17;
	v21 =	vadd.f32 v25, v21;
	v25 =	vmul.f32 v30, v30  }
0x179: {  	v9 =	vmul.f32 v9, v9;
	v38 =	vmul.f32 v20, v20;
	v14 =	vld [tilespmem:s3+$0x20];
	v24 =	vadd.f32 v27, v24  }
0x17a: {  	v15 =	vmul.f32 v32, v32;
	v23 =	vld [tilespmem:s3+$0xFFFFFFC0];
	v21 =	vadd.f32 v25, v21;
	v25 =	vadd.f32 v16, v61  }
0x17b: {  	v26 =	vmul.f32 v26, v7;
	v17 =	vmul.f32 v34, v34;
	v27 =	vld [tilespmem:s3+$0xFFFFFFD0];
	v24 =	vadd.f32 v31, v24  }
0x17c: {  	v30 =	vld [tilespmem:s3+$0x10];
	v39 =	vadd.f32 v28, v21;
	v25 =	vadd.f32 v35, v25;
	v28 =	vmul.f32 v18, v29  }
0x17d: {  	v13 =	vmul.f32 v34, v10;
	v31 =	vmul.f32 v22, v8;
	v24 =	vadd.f32 v26, v24  }
0x17e: {  	v16 =	vmul.f32 v12, v14;
	v26 =	vmul.f32 v28, v4;
	v28 =	vadd.f32 v36, v25;
	v25 =	vld [tilespmem:s16+$0xFFFFFFE0]  }
0x17f: {  	v63 =	vmul.f32 v62, v23;
	v21 =	vor.u32 s21, v0;
	v33 =	vadd.f32 v31, v24;
	v31 =	vld [tilespmem:s3+$0xFFFFFFE0]  }
0x180: {  	v20 =	vmul.f32 v29, v29;
	v36 =	vmul.f32 v32, v27;
	v32 =	vadd.f32 v37, v28;
	v28 =	vld [tilespmem:s16+$0x0]  }
0x181: {  	v29 =	vmul.f32 v19, v19;
	v40 =	vmul.f32 v11, v30  }
0x182: {  	s29 =	simm.s32 $0x1;
	v19 =	vmul.f32 v30, v30;
	v30 =	vmul.f32 v62, v62  }
0x183: {  	s0 =	simm.s32 $0x2;
	v34 =	vmul.f32 v63, v1;
	v22 =	vld [tilespmem:s3+$0x0];
	v35 =	vadd.f32 v38, v39;
	v24 =	vmul.f32 v40, v6;
	s3 =	sadd.s32 $0x80, s3;
	s16 =	sadd.s32 $0x80, s16  }
.LBB2_11:
0x184: {  	v37 =	vld [tilespmem:s16+$0xFFFFFFD0];
	p0 =	sne.s32 s0, $0xF;
	v27 =	vmul.f32 v27, v27;
	v38 =	vmul.f32 v25, v31;
	[tilespmem:v21+s23+$0x0] =	vst.idx.msk $0xffff, v33;
	s13 =	smov.u32 s0;
	s0 =	sadd.s32 $0x1, s0  }
0x185: {  	v36 =	vmul.f32 v36, v2;
	v33 =	vld [tilespmem:s16+$0x30];
	v39 =	vmul.f32 v28, v28;
	v29 =	vadd.f32 v29, v35  }
0x186: {  	v23 =	vmul.f32 v23, v23;
	v32 =	vadd.f32 v9, v32;
	v9 =	vmovc v17;
	v35 =	vmul.f32 v11, v11;
	v11 =	vld [tilespmem:s16+$0x10]  }
0x187: {  	v17 =	vadd.f32 v36, v34;
	v34 =	vmul.f32 v38, v3;
	v40 =	vld [tilespmem:s3+$0x30];
	[tilespmem:v21+s24+$0x0] =	vst.idx.msk $0xffff, v29  }
0x188: {  	v23 =	vadd.f32 v27, v23;
	v27 =	vmul.f32 v31, v31;
	v38 =	vmul.f32 v12, v12;
	v36 =	vld [tilespmem:s3+$0x10]  }
0x189: {  	v28 =	vmul.f32 v28, v22;
	v17 =	vadd.f32 v34, v17;
	v12 =	vld [tilespmem:s16+$0x20];
	[tilespmem:v21+s25+$0x0] =	vst.idx.msk $0xffff, v32  }
0x18a: {  	v25 =	vmul.f32 v25, v25;
	v23 =	vadd.f32 v27, v23;
	v21 =	vmul.f32 v37, v37;
	v29 =	vld [tilespmem:s3+$0xFFFFFFF0]  }
0x18b: {  	v27 =	vadd.f32 v15, v30;
	v17 =	vadd.f32 v26, v17;
	v26 =	vmul.f32 v28, v5;
	v31 =	vld [tilespmem:s3+$0x20]  }
0x18c: {  	v22 =	vmul.f32 v22, v22;
	v20 =	vadd.f32 v20, v23;
	v15 =	vmovc v21;
	v28 =	vld [tilespmem:s16+$0xFFFFFFF0];
	v30 =	vmul.f32 v33, v40  }
0x18d: {  	v18 =	vmul.f32 v18, v18;
	v21 =	vadd.f32 v25, v27;
	v25 =	vadd.f32 v26, v17;
	v23 =	vld [tilespmem:s3+$0xFFFFFFC0]  }
0x18e: {  	v41 =	vmul.f32 v14, v14;
	v17 =	vmul.f32 v33, v33;
	v26 =	vadd.f32 v22, v20;
	v27 =	vld [tilespmem:s3+$0xFFFFFFD0]  }
0x18f: {  	v33 =	vmul.f32 v16, v7;
	v43 =	vadd.f32 v18, v21;
	v24 =	vadd.f32 v24, v25;
	v32 =	vld [tilespmem:s16+$0xFFFFFFC0]  }
0x190: {  	v42 =	vadd.f32 v19, v26;
	v20 =	vmul.f32 v29, v29;
	v22 =	vld [tilespmem:s3+$0x0];
	v16 =	vmul.f32 v12, v31;
	v14 =	vmovc v31  }
0x191: {  	v21 =	vor.u32 s29, v0;
	s29 =	smov.u32 s13;
	v34 =	vadd.f32 v39, v43;
	v25 =	vld [tilespmem:s16+$0xFFFFFFE0];
	v19 =	vmul.f32 v28, v29;
	v18 =	vmovc v28  }
.Ltmp4:
0x192: {  	v24 =	vadd.f32 v33, v24;
	v33 =	vmul.f32 v13, v8;
	v29 =	vmul.f32 v10, v10;
	v10 =	vmovc v40;
	v31 =	vld [tilespmem:s3+$0xFFFFFFE0];
	(pc) =	sbr.rel @p0 .LBB2_11-.Ltmp4, $4  }
0x193: {  	v13 =	vmovc v30;
	v34 =	vadd.f32 v35, v34;
	v26 =	vmul.f32 v19, v4;
	v28 =	vld [tilespmem:s16+$0x0];
	v19 =	vmul.f32 v36, v36  }
0x194: {  	v39 =	vmul.f32 v11, v36;
	v33 =	vadd.f32 v33, v24;
	v35 =	vmul.f32 v32, v23  }
0x195: {  	v36 =	vmul.f32 v37, v27;
	v30 =	vmul.f32 v32, v32;
	v32 =	vadd.f32 v38, v34  }
0x196: {  	v24 =	vmul.f32 v39, v6;
	s3 =	sadd.s32 $0x80, s3;
	s16 =	sadd.s32 $0x80, s16;
	v34 =	vmul.f32 v35, v1;
	v35 =	vadd.f32 v41, v42  }
0x197: {  	v37 =	vmul.f32 v25, v31;
	v36 =	vmul.f32 v36, v2  }
0x198: {  	v27 =	vmul.f32 v27, v27;
	v23 =	vmul.f32 v23, v23  }
0x199: {  	v34 =	vadd.f32 v36, v34;
	v44 =	vmul.f32 v37, v3  }
0x19a: {  	v45 =	vmul.f32 v31, v31;
	v48 =	vmul.f32 v25, v25;
	v23 =	vadd.f32 v27, v23  }
0x19b: {  	v15 =	vadd.f32 v15, v30;
	v47 =	vmul.f32 v28, v22;
	v46 =	vadd.f32 v44, v34  }
0x19c: {  	v18 =	vmul.f32 v18, v18;
	v23 =	vadd.f32 v45, v23  }
0x19d: {  	v15 =	vadd.f32 v48, v15;
	v49 =	vmul.f32 v47, v5;
	v26 =	vadd.f32 v26, v46  }
0x19e: {  	v51 =	vmul.f32 v22, v22;
	v11 =	vmul.f32 v11, v11;
	v20 =	vadd.f32 v20, v23  }
0x19f: {  	v52 =	vmul.f32 v28, v28;
	v15 =	vadd.f32 v18, v15;
	v26 =	vadd.f32 v49, v26  }
0x1a0: {  	v12 =	vmul.f32 v12, v12;
	v16 =	vmul.f32 v16, v7;
	v53 =	vadd.f32 v51, v20  }
0x1a1: {  	v14 =	vmul.f32 v14, v14;
	v15 =	vadd.f32 v52, v15;
	v54 =	vadd.f32 v24, v26  }
0x1a2: {  	[tilespmem:v21+s23+$0x0] =	vst.idx.msk $0xffff, v33;
	v55 =	vor.u32 s29, v0;
	v50 =	vadd.f32 v29, v35;
	v18 =	vadd.f32 v19, v53  }
0x1a3: {  	v13 =	vmul.f32 v13, v8;
	v11 =	vadd.f32 v11, v15;
	v16 =	vadd.f32 v16, v54  }
0x1a4: {  	v9 =	vadd.f32 v9, v32;
	v10 =	vmul.f32 v10, v10;
	v14 =	vadd.f32 v14, v18  }
0x1a5: {  	[tilespmem:v21+s24+$0x0] =	vst.idx.msk $0xffff, v50;
	v11 =	vadd.f32 v12, v11;
	v13 =	vadd.f32 v13, v16  }
0x1a6: {  	[tilespmem:v21+s25+$0x0] =	vst.idx.msk $0xffff, v9;
	v9 =	vadd.f32 v10, v14  }
0x1a7: {  	v10 =	vadd.f32 v17, v11;
	[tilespmem:v55+s23+$0x0] =	vst.idx.msk $0xffff, v13  }
0x1a8: {  	[tilespmem:v55+s24+$0x0] =	vst.idx.msk $0xffff, v9  }
0x1a9: {  	[tilespmem:v55+s25+$0x0] =	vst.idx.msk $0xffff, v10  }
0x1aa: {  	v10 =	vld [tilespmem:$0x18600]  }
0x1ab: {  	v11 =	vld [tilespmem:$0x18610]  }
0x1ac: {  	v56 =	vld [tilespmem:$0x18620]  }
0x1ad: {  	v13 =	vld [tilespmem:$0x18630]  }
0x1ae: {  	v57 =	vld [tilespmem:$0x18640]  }
0x1af: {  	v58 =	vld [tilespmem:$0x18650]  }
0x1b0: {  	v59 =	vld [tilespmem:$0x18660]  }
0x1b1: {  	v60 =	vld [tilespmem:$0x18670]  }
0x1b2: {  	v61 =	vld [tilespmem:$0x18680]  }
0x1b3: {  	v19 =	vld [tilespmem:$0x18690]  }
0x1b4: {  	v62 =	vld [tilespmem:$0x186A0]  }
0x1b5: {  	v21 =	vld [tilespmem:$0x186B0]  }
0x1b6: {  	v63 =	vld [tilespmem:$0x186C0]  }
0x1b7: {  	v36 =	vld [tilespmem:$0x186D0]  }
0x1b8: {  	v37 =	vld [tilespmem:$0x186E0]  }
0x1b9: {  	v25 =	vld [tilespmem:$0x186F0]  }
0x1ba: {  	v38 =	vld [tilespmem:$0x18700]  }
0x1bb: {  	v39 =	vld [tilespmem:$0x18710]  }
0x1bc: {  	v40 =	vld [tilespmem:$0x18720]  }
0x1bd: {  	v41 =	vld [tilespmem:$0x18730]  }
0x1be: {  	v42 =	vld [tilespmem:$0x18740]  }
0x1bf: {  	v43 =	vld [tilespmem:$0x18750]  }
0x1c0: {  	v44 =	vld [tilespmem:$0x18760]  }
0x1c1: {  	v33 =	vld [tilespmem:$0x18770]  }
0x1c2: {  	v45 =	vld [tilespmem:$0x18780]  }
0x1c3: {  	v46 =	vld [tilespmem:$0x18790]  }
0x1c4: {  	v49 =	vld [tilespmem:$0x187A0];
	v10 =	vadd.f32 v11, v10;
	v11 =	vadd.f32 v13, v56  }
0x1c5: {  	v52 =	vld [tilespmem:$0x187B0];
	v47 =	vadd.f32 v58, v57;
	v48 =	vadd.f32 v60, v59  }
0x1c6: {  	v55 =	vld [tilespmem:$0x187C0];
	v50 =	vadd.f32 v19, v61;
	v51 =	vadd.f32 v21, v62  }
0x1c7: {  	v53 =	vadd.f32 v36, v63;
	v54 =	vadd.f32 v25, v37;
	v56 =	vld [tilespmem:$0x187D0]  }
0x1c8: {  	v59 =	vld [tilespmem:$0x187E0];
	v63 =	vadd.f32 v39, v38;
	v35 =	vadd.f32 v41, v40  }
0x1c9: {  	v60 =	vld [tilespmem:$0x187F0];
	v37 =	vadd.f32 v43, v42;
	v38 =	vadd.f32 v33, v44  }
0x1ca: {  	v9 =	vld [tilespmem:$0x18500];
	v12 =	vadd.f32 v46, v45;
	v15 =	vadd.f32 v52, v49  }
0x1cb: {  	v61 =	vld [tilespmem:$0x18510];
	v10 =	vadd.f32 v11, v10;
	v11 =	vadd.f32 v48, v47  }
0x1cc: {  	v62 =	vld [tilespmem:$0x18520];
	v57 =	vadd.f32 v51, v50;
	v58 =	vadd.f32 v54, v53  }
0x1cd: {  	v36 =	vld [tilespmem:$0x18530];
	v16 =	vadd.f32 v35, v63;
	v42 =	vadd.f32 v38, v37  }
0x1ce: {  	v39 =	vld [tilespmem:$0x18540];
	v13 =	vadd.f32 v56, v55;
	v17 =	vadd.f32 v60, v59  }
0x1cf: {  	v40 =	vld [tilespmem:$0x18550];
	v12 =	vadd.f32 v15, v12;
	v10 =	vadd.f32 v11, v10  }
0x1d0: {  	v41 =	vld [tilespmem:$0x18560];
	v11 =	vadd.f32 v58, v57;
	v13 =	vadd.f32 v17, v13  }
0x1d1: {  	v43 =	vld [tilespmem:$0x18570];
	v16 =	vadd.f32 v42, v16  }
0x1d2: {  	v44 =	vld [tilespmem:$0x18580];
	v10 =	vadd.f32 v11, v10;
	v12 =	vadd.f32 v13, v12  }
0x1d3: {  	v45 =	vld [tilespmem:$0x185A0]  }
0x1d4: {  	v49 =	vld [tilespmem:$0x185D0];
	v47 =	vshra.s32 v10, $0x1;
	v10 =	vmul.f32 $5.000000000e-01, v10;
	v12 =	vadd.f32 v12, v16  }
0x1d5: {  	v52 =	vld [tilespmem:$0x185E0];
	v16 =	vsub.s32 $0x5F3759DF, v47  }
0x1d6: {  	v48 =	vld [tilespmem:$0x185C0];
	v50 =	vmul.f32 v16, v10;
	v51 =	vshra.s32 v12, $0x1;
	v12 =	vmul.f32 $5.000000000e-01, v12  }
0x1d7: {  	v53 =	vld [tilespmem:$0x185F0];
	v27 =	vsub.s32 $0x5F3759DF, v51  }
0x1d8: {  	v46 =	vld [tilespmem:$0x185B0];
	v25 =	vmul.f32 v16, v50;
	v54 =	vmul.f32 v27, v12  }
0x1d9: {  	v9 =	vadd.f32 v61, v9;
	v14 =	vadd.f32 v36, v62;
	v11 =	vld [tilespmem:$0x18590]  }
0x1da: {  	v18 =	vadd.f32 v40, v39;
	v55 =	vsub.f32 $1.500000000e+00, v25;
	v56 =	vmul.f32 v27, v54  }
0x1db: {  	v19 =	vadd.f32 v43, v41;
	v59 =	vadd.f32 v49, v48  }
0x1dc: {  	v60 =	vadd.f32 v53, v52;
	v57 =	vmul.f32 v16, v55;
	v58 =	vsub.f32 $1.500000000e+00, v56  }
0x1dd: {  	v9 =	vadd.f32 v14, v9;
	v13 =	vadd.f32 v46, v45  }
0x1de: {  	v11 =	vadd.f32 v11, v44;
	v10 =	vmul.f32 v57, v10;
	v61 =	vmul.f32 v27, v58  }
0x1df: {  	v62 =	vadd.f32 v19, v18;
	v63 =	vadd.f32 v60, v59  }
0x1e0: {  	v11 =	vadd.f32 v13, v11;
	v10 =	vmul.f32 v10, v57;
	v12 =	vmul.f32 v61, v12  }
0x1e1: {  	v9 =	vadd.f32 v62, v9  }
0x1e2: {  	v11 =	vadd.f32 v63, v11;
	v10 =	vsub.f32 $1.500000000e+00, v10;
	v12 =	vmul.f32 v12, v61;
	_ =	sdelay $0x1  }
0x1e3: {  	s0 =	sshll.u32 s28, $0x4;
	s28 =	sadd.s32 $0x1, s28;
	v9 =	vadd.f32 v11, v9;
	v10 =	vmul.f32 v10, v57;
	v11 =	vsub.f32 $1.500000000e+00, v12  }
0x1e4: {  	p0 =	sne.s32 s28, $0x8  }
.Ltmp5:
0x1e5: {  	v9 =	vmul.f32 v10, v9;
	v10 =	vmul.f32 v11, v61;
	(pc) =	sbr.rel @p0 .LBB2_10-.Ltmp5, $4  }
0x1e6: {  	_ = 	snop  }
0x1e7: {  	v9 =	vmul.f32 v10, v9  }
0x1e8: {  	s0 =	sand.u32 $0x3FFFFFF0, s0  }
0x1e9: {  	s22 =	sadd.s32 $0x800, s22;
	s26 =	sadd.s32 $0x800, s26;
	[tilespmem:s0+$0x18900] =	vst v9  }
0x1ea: {  	_ =	swait.ge [sflag:s18], $0x4000  }
0x1eb: {  	[sflag:s18] =	ssyncset.done $0x0  }
0x1ec: {  	[sflag:s18] =	ssyncadd.s32 $0xFFFFC000  }
0x1ed: {  	_ =	swait.ge [sflag:s19], $0x4000  }
0x1ee: {  	s21 =	simm.s32 $0x0;
	s22 =	simm.s32 $0x540;
	[sflag:s19] =	ssyncset.done $0x0  }
0x1ef: {  	s26 =	simm.s32 $0x4540;
	s28 =	simm.s32 $0x0;
	[sflag:s19] =	ssyncadd.s32 $0xFFFFC000  }
.LBB2_14:
0x1f0: {  	v10 =	vld [tilespmem:s26+$0xFFFFFFD0]  }
0x1f1: {  	v9 =	vld [tilespmem:s26+$0x30]  }
0x1f2: {  	v19 =	vld [tilespmem:s22+$0x30]  }
0x1f3: {  	v11 =	vld [tilespmem:s22+$0x10]  }
0x1f4: {  	v13 =	vld [tilespmem:s26+$0x20]  }
0x1f5: {  	v14 =	vld [tilespmem:s22+$0xFFFFFFF0]  }
0x1f6: {  	v16 =	vld [tilespmem:s26+$0xFFFFFFF0]  }
0x1f7: {  	v20 =	vld [tilespmem:s22+$0x20]  }
0x1f8: {  	v15 =	vld [tilespmem:s22+$0xFFFFFFC0]  }
0x1f9: {  	v17 =	vld [tilespmem:s26+$0xFFFFFFC0]  }
0x1fa: {  	v12 =	vld [tilespmem:s26+$0x10]  }
0x1fb: {  	v21 =	vld [tilespmem:s22+$0xFFFFFFD0];
	v18 =	vmul.f32 v10, v10  }
0x1fc: {  	v23 =	vld [tilespmem:s26+$0xFFFFFFE0];
	v22 =	vmul.f32 v9, v19;
	v24 =	vmul.f32 v16, v14  }
0x1fd: {  	v25 =	vmul.f32 v14, v14;
	v26 =	vmul.f32 v13, v20;
	v14 =	vld [tilespmem:s22+$0xFFFFFFE0]  }
0x1fe: {  	v27 =	vld [tilespmem:s26+$0x0];
	v28 =	vmul.f32 v11, v11;
	v29 =	vmul.f32 v17, v15  }
0x1ff: {  	v11 =	vmul.f32 v12, v11;
	v17 =	vmul.f32 v17, v17  }
0x200: {  	v10 =	vmul.f32 v10, v21;
	v21 =	vmul.f32 v21, v21  }
0x201: {  	v30 =	vld [tilespmem:s22+$0x0];
	s16 =	sadd.s32 $0x80, s26;
	v29 =	vmul.f32 v29, v1;
	v31 =	vmul.f32 v11, v6  }
0x202: {  	v32 =	vld [tilespmem:s16+$0xFFFFFFD0];
	v33 =	vmul.f32 v10, v2;
	v11 =	vmul.f32 v23, v14  }
0x203: {  	v34 =	vld [tilespmem:s16+$0x30];
	v15 =	vmul.f32 v15, v15;
	v35 =	vmul.f32 v27, v27  }
0x204: {  	v62 =	vld [tilespmem:s16+$0xFFFFFFC0];
	v36 =	vmul.f32 v12, v12;
	v29 =	vadd.f32 v33, v29;
	v60 =	vmul.f32 v11, v3  }
0x205: {  	s3 =	sadd.s32 $0x80, s22;
	v37 =	vmul.f32 v13, v13;
	v12 =	vld [tilespmem:s16+$0x20];
	v21 =	vadd.f32 v21, v15;
	v14 =	vmul.f32 v14, v14  }
0x206: {  	v27 =	vmul.f32 v27, v30;
	v24 =	vmul.f32 v24, v4;
	v10 =	vld [tilespmem:s3+$0x30];
	v13 =	vadd.f32 v60, v29  }
0x207: {  	v17 =	vadd.f32 v18, v17;
	v18 =	vld [tilespmem:s16+$0xFFFFFFF0];
	v23 =	vmul.f32 v23, v23;
	v21 =	vadd.f32 v14, v21  }
0x208: {  	v16 =	vmul.f32 v16, v16;
	v27 =	vmul.f32 v27, v5;
	v29 =	vld [tilespmem:s3+$0xFFFFFFF0];
	v24 =	vadd.f32 v24, v13  }
0x209: {  	v11 =	vld [tilespmem:s16+$0x10];
	v61 =	vadd.f32 v23, v17;
	v21 =	vadd.f32 v25, v21;
	v25 =	vmul.f32 v30, v30  }
0x20a: {  	v9 =	vmul.f32 v9, v9;
	v38 =	vmul.f32 v20, v20;
	v14 =	vld [tilespmem:s3+$0x20];
	v24 =	vadd.f32 v27, v24  }
0x20b: {  	v15 =	vmul.f32 v32, v32;
	v23 =	vld [tilespmem:s3+$0xFFFFFFC0];
	v21 =	vadd.f32 v25, v21;
	v25 =	vadd.f32 v16, v61  }
0x20c: {  	v26 =	vmul.f32 v26, v7;
	v17 =	vmul.f32 v34, v34;
	v27 =	vld [tilespmem:s3+$0xFFFFFFD0];
	v24 =	vadd.f32 v31, v24  }
0x20d: {  	v30 =	vld [tilespmem:s3+$0x10];
	v39 =	vadd.f32 v28, v21;
	v25 =	vadd.f32 v35, v25;
	v28 =	vmul.f32 v18, v29  }
0x20e: {  	v13 =	vmul.f32 v34, v10;
	v31 =	vmul.f32 v22, v8;
	v24 =	vadd.f32 v26, v24  }
0x20f: {  	v16 =	vmul.f32 v12, v14;
	v26 =	vmul.f32 v28, v4;
	v28 =	vadd.f32 v36, v25;
	v25 =	vld [tilespmem:s16+$0xFFFFFFE0]  }
0x210: {  	v63 =	vmul.f32 v62, v23;
	v21 =	vor.u32 s21, v0;
	v33 =	vadd.f32 v31, v24;
	v31 =	vld [tilespmem:s3+$0xFFFFFFE0]  }
0x211: {  	v20 =	vmul.f32 v29, v29;
	v36 =	vmul.f32 v32, v27;
	v32 =	vadd.f32 v37, v28;
	v28 =	vld [tilespmem:s16+$0x0]  }
0x212: {  	v29 =	vmul.f32 v19, v19;
	v40 =	vmul.f32 v11, v30  }
0x213: {  	s29 =	simm.s32 $0x1;
	v19 =	vmul.f32 v30, v30;
	v30 =	vmul.f32 v62, v62  }
0x214: {  	s0 =	simm.s32 $0x2;
	v34 =	vmul.f32 v63, v1;
	v22 =	vld [tilespmem:s3+$0x0];
	v35 =	vadd.f32 v38, v39;
	v24 =	vmul.f32 v40, v6;
	s3 =	sadd.s32 $0x80, s3;
	s16 =	sadd.s32 $0x80, s16  }
.LBB2_15:
0x215: {  	v37 =	vld [tilespmem:s16+$0xFFFFFFD0];
	p0 =	sne.s32 s0, $0xF;
	v27 =	vmul.f32 v27, v27;
	v38 =	vmul.f32 v25, v31;
	[tilespmem:v21+s23+$0x0] =	vst.idx.msk $0xffff, v33;
	s13 =	smov.u32 s0;
	s0 =	sadd.s32 $0x1, s0  }
0x216: {  	v36 =	vmul.f32 v36, v2;
	v33 =	vld [tilespmem:s16+$0x30];
	v39 =	vmul.f32 v28, v28;
	v29 =	vadd.f32 v29, v35  }
0x217: {  	v23 =	vmul.f32 v23, v23;
	v32 =	vadd.f32 v9, v32;
	v9 =	vmovc v17;
	v35 =	vmul.f32 v11, v11;
	v11 =	vld [tilespmem:s16+$0x10]  }
0x218: {  	v17 =	vadd.f32 v36, v34;
	v34 =	vmul.f32 v38, v3;
	v40 =	vld [tilespmem:s3+$0x30];
	[tilespmem:v21+s24+$0x0] =	vst.idx.msk $0xffff, v29  }
0x219: {  	v23 =	vadd.f32 v27, v23;
	v27 =	vmul.f32 v31, v31;
	v38 =	vmul.f32 v12, v12;
	v36 =	vld [tilespmem:s3+$0x10]  }
0x21a: {  	v28 =	vmul.f32 v28, v22;
	v17 =	vadd.f32 v34, v17;
	v12 =	vld [tilespmem:s16+$0x20];
	[tilespmem:v21+s25+$0x0] =	vst.idx.msk $0xffff, v32  }
0x21b: {  	v25 =	vmul.f32 v25, v25;
	v23 =	vadd.f32 v27, v23;
	v21 =	vmul.f32 v37, v37;
	v29 =	vld [tilespmem:s3+$0xFFFFFFF0]  }
0x21c: {  	v27 =	vadd.f32 v15, v30;
	v17 =	vadd.f32 v26, v17;
	v26 =	vmul.f32 v28, v5;
	v31 =	vld [tilespmem:s3+$0x20]  }
0x21d: {  	v22 =	vmul.f32 v22, v22;
	v20 =	vadd.f32 v20, v23;
	v15 =	vmovc v21;
	v28 =	vld [tilespmem:s16+$0xFFFFFFF0];
	v30 =	vmul.f32 v33, v40  }
0x21e: {  	v18 =	vmul.f32 v18, v18;
	v21 =	vadd.f32 v25, v27;
	v25 =	vadd.f32 v26, v17;
	v23 =	vld [tilespmem:s3+$0xFFFFFFC0]  }
0x21f: {  	v41 =	vmul.f32 v14, v14;
	v17 =	vmul.f32 v33, v33;
	v26 =	vadd.f32 v22, v20;
	v27 =	vld [tilespmem:s3+$0xFFFFFFD0]  }
0x220: {  	v33 =	vmul.f32 v16, v7;
	v43 =	vadd.f32 v18, v21;
	v24 =	vadd.f32 v24, v25;
	v32 =	vld [tilespmem:s16+$0xFFFFFFC0]  }
0x221: {  	v42 =	vadd.f32 v19, v26;
	v20 =	vmul.f32 v29, v29;
	v22 =	vld [tilespmem:s3+$0x0];
	v16 =	vmul.f32 v12, v31;
	v14 =	vmovc v31  }
0x222: {  	v21 =	vor.u32 s29, v0;
	s29 =	smov.u32 s13;
	v34 =	vadd.f32 v39, v43;
	v25 =	vld [tilespmem:s16+$0xFFFFFFE0];
	v19 =	vmul.f32 v28, v29;
	v18 =	vmovc v28  }
.Ltmp6:
0x223: {  	v24 =	vadd.f32 v33, v24;
	v33 =	vmul.f32 v13, v8;
	v29 =	vmul.f32 v10, v10;
	v10 =	vmovc v40;
	v31 =	vld [tilespmem:s3+$0xFFFFFFE0];
	(pc) =	sbr.rel @p0 .LBB2_15-.Ltmp6, $4  }
0x224: {  	v13 =	vmovc v30;
	v34 =	vadd.f32 v35, v34;
	v26 =	vmul.f32 v19, v4;
	v28 =	vld [tilespmem:s16+$0x0];
	v19 =	vmul.f32 v36, v36  }
0x225: {  	v39 =	vmul.f32 v11, v36;
	v33 =	vadd.f32 v33, v24;
	v35 =	vmul.f32 v32, v23  }
0x226: {  	v36 =	vmul.f32 v37, v27;
	v30 =	vmul.f32 v32, v32;
	v32 =	vadd.f32 v38, v34  }
0x227: {  	v24 =	vmul.f32 v39, v6;
	s3 =	sadd.s32 $0x80, s3;
	s16 =	sadd.s32 $0x80, s16;
	v34 =	vmul.f32 v35, v1;
	v35 =	vadd.f32 v41, v42  }
0x228: {  	v37 =	vmul.f32 v25, v31;
	v36 =	vmul.f32 v36, v2  }
0x229: {  	v27 =	vmul.f32 v27, v27;
	v23 =	vmul.f32 v23, v23  }
0x22a: {  	v34 =	vadd.f32 v36, v34;
	v44 =	vmul.f32 v37, v3  }
0x22b: {  	v45 =	vmul.f32 v31, v31;
	v48 =	vmul.f32 v25, v25;
	v23 =	vadd.f32 v27, v23  }
0x22c: {  	v15 =	vadd.f32 v15, v30;
	v47 =	vmul.f32 v28, v22;
	v46 =	vadd.f32 v44, v34  }
0x22d: {  	v18 =	vmul.f32 v18, v18;
	v23 =	vadd.f32 v45, v23  }
0x22e: {  	v15 =	vadd.f32 v48, v15;
	v49 =	vmul.f32 v47, v5;
	v26 =	vadd.f32 v26, v46  }
0x22f: {  	v51 =	vmul.f32 v22, v22;
	v11 =	vmul.f32 v11, v11;
	v20 =	vadd.f32 v20, v23  }
0x230: {  	v52 =	vmul.f32 v28, v28;
	v15 =	vadd.f32 v18, v15;
	v26 =	vadd.f32 v49, v26  }
0x231: {  	v12 =	vmul.f32 v12, v12;
	v16 =	vmul.f32 v16, v7;
	v53 =	vadd.f32 v51, v20  }
0x232: {  	v14 =	vmul.f32 v14, v14;
	v15 =	vadd.f32 v52, v15;
	v54 =	vadd.f32 v24, v26  }
0x233: {  	[tilespmem:v21+s23+$0x0] =	vst.idx.msk $0xffff, v33;
	v55 =	vor.u32 s29, v0;
	v50 =	vadd.f32 v29, v35;
	v18 =	vadd.f32 v19, v53  }
0x234: {  	v13 =	vmul.f32 v13, v8;
	v11 =	vadd.f32 v11, v15;
	v16 =	vadd.f32 v16, v54  }
0x235: {  	v9 =	vadd.f32 v9, v32;
	v10 =	vmul.f32 v10, v10;
	v14 =	vadd.f32 v14, v18  }
0x236: {  	[tilespmem:v21+s24+$0x0] =	vst.idx.msk $0xffff, v50;
	v11 =	vadd.f32 v12, v11;
	v13 =	vadd.f32 v13, v16  }
0x237: {  	[tilespmem:v21+s25+$0x0] =	vst.idx.msk $0xffff, v9;
	v9 =	vadd.f32 v10, v14  }
0x238: {  	v10 =	vadd.f32 v17, v11;
	[tilespmem:v55+s23+$0x0] =	vst.idx.msk $0xffff, v13  }
0x239: {  	[tilespmem:v55+s24+$0x0] =	vst.idx.msk $0xffff, v9  }
0x23a: {  	[tilespmem:v55+s25+$0x0] =	vst.idx.msk $0xffff, v10  }
0x23b: {  	v10 =	vld [tilespmem:$0x18600]  }
0x23c: {  	v11 =	vld [tilespmem:$0x18610]  }
0x23d: {  	v56 =	vld [tilespmem:$0x18620]  }
0x23e: {  	v13 =	vld [tilespmem:$0x18630]  }
0x23f: {  	v57 =	vld [tilespmem:$0x18640]  }
0x240: {  	v58 =	vld [tilespmem:$0x18650]  }
0x241: {  	v59 =	vld [tilespmem:$0x18660]  }
0x242: {  	v60 =	vld [tilespmem:$0x18670]  }
0x243: {  	v61 =	vld [tilespmem:$0x18680]  }
0x244: {  	v19 =	vld [tilespmem:$0x18690]  }
0x245: {  	v62 =	vld [tilespmem:$0x186A0]  }
0x246: {  	v21 =	vld [tilespmem:$0x186B0]  }
0x247: {  	v63 =	vld [tilespmem:$0x186C0]  }
0x248: {  	v36 =	vld [tilespmem:$0x186D0]  }
0x249: {  	v37 =	vld [tilespmem:$0x186E0]  }
0x24a: {  	v25 =	vld [tilespmem:$0x186F0]  }
0x24b: {  	v38 =	vld [tilespmem:$0x18700]  }
0x24c: {  	v39 =	vld [tilespmem:$0x18710]  }
0x24d: {  	v40 =	vld [tilespmem:$0x18720]  }
0x24e: {  	v41 =	vld [tilespmem:$0x18730]  }
0x24f: {  	v42 =	vld [tilespmem:$0x18740]  }
0x250: {  	v43 =	vld [tilespmem:$0x18750]  }
0x251: {  	v44 =	vld [tilespmem:$0x18760]  }
0x252: {  	v33 =	vld [tilespmem:$0x18770]  }
0x253: {  	v45 =	vld [tilespmem:$0x18780]  }
0x254: {  	v46 =	vld [tilespmem:$0x18790]  }
0x255: {  	v49 =	vld [tilespmem:$0x187A0];
	v10 =	vadd.f32 v11, v10;
	v11 =	vadd.f32 v13, v56  }
0x256: {  	v52 =	vld [tilespmem:$0x187B0];
	v47 =	vadd.f32 v58, v57;
	v48 =	vadd.f32 v60, v59  }
0x257: {  	v55 =	vld [tilespmem:$0x187C0];
	v50 =	vadd.f32 v19, v61;
	v51 =	vadd.f32 v21, v62  }
0x258: {  	v53 =	vadd.f32 v36, v63;
	v54 =	vadd.f32 v25, v37;
	v56 =	vld [tilespmem:$0x187D0]  }
0x259: {  	v59 =	vld [tilespmem:$0x187E0];
	v63 =	vadd.f32 v39, v38;
	v35 =	vadd.f32 v41, v40  }
0x25a: {  	v60 =	vld [tilespmem:$0x187F0];
	v37 =	vadd.f32 v43, v42;
	v38 =	vadd.f32 v33, v44  }
0x25b: {  	v9 =	vld [tilespmem:$0x18500];
	v12 =	vadd.f32 v46, v45;
	v15 =	vadd.f32 v52, v49  }
0x25c: {  	v61 =	vld [tilespmem:$0x18510];
	v10 =	vadd.f32 v11, v10;
	v11 =	vadd.f32 v48, v47  }
0x25d: {  	v62 =	vld [tilespmem:$0x18520];
	v57 =	vadd.f32 v51, v50;
	v58 =	vadd.f32 v54, v53  }
0x25e: {  	v36 =	vld [tilespmem:$0x18530];
	v16 =	vadd.f32 v35, v63;
	v42 =	vadd.f32 v38, v37  }
0x25f: {  	v39 =	vld [tilespmem:$0x18540];
	v13 =	vadd.f32 v56, v55;
	v17 =	vadd.f32 v60, v59  }
0x260: {  	v40 =	vld [tilespmem:$0x18550];
	v12 =	vadd.f32 v15, v12;
	v10 =	vadd.f32 v11, v10  }
0x261: {  	v41 =	vld [tilespmem:$0x18560];
	v11 =	vadd.f32 v58, v57;
	v13 =	vadd.f32 v17, v13  }
0x262: {  	v43 =	vld [tilespmem:$0x18570];
	v16 =	vadd.f32 v42, v16  }
0x263: {  	v44 =	vld [tilespmem:$0x18580];
	v10 =	vadd.f32 v11, v10;
	v12 =	vadd.f32 v13, v12  }
0x264: {  	v45 =	vld [tilespmem:$0x185A0]  }
0x265: {  	v49 =	vld [tilespmem:$0x185D0];
	v47 =	vshra.s32 v10, $0x1;
	v10 =	vmul.f32 $5.000000000e-01, v10;
	v12 =	vadd.f32 v12, v16  }
0x266: {  	v52 =	vld [tilespmem:$0x185E0];
	v16 =	vsub.s32 $0x5F3759DF, v47  }
0x267: {  	v48 =	vld [tilespmem:$0x185C0];
	v50 =	vmul.f32 v16, v10;
	v51 =	vshra.s32 v12, $0x1;
	v12 =	vmul.f32 $5.000000000e-01, v12  }
0x268: {  	v53 =	vld [tilespmem:$0x185F0];
	v27 =	vsub.s32 $0x5F3759DF, v51  }
0x269: {  	v46 =	vld [tilespmem:$0x185B0];
	v25 =	vmul.f32 v16, v50;
	v54 =	vmul.f32 v27, v12  }
0x26a: {  	v9 =	vadd.f32 v61, v9;
	v14 =	vadd.f32 v36, v62;
	v11 =	vld [tilespmem:$0x18590]  }
0x26b: {  	v18 =	vadd.f32 v40, v39;
	v55 =	vsub.f32 $1.500000000e+00, v25;
	v56 =	vmul.f32 v27, v54  }
0x26c: {  	v19 =	vadd.f32 v43, v41;
	v59 =	vadd.f32 v49, v48  }
0x26d: {  	v60 =	vadd.f32 v53, v52;
	v57 =	vmul.f32 v16, v55;
	v58 =	vsub.f32 $1.500000000e+00, v56  }
0x26e: {  	v9 =	vadd.f32 v14, v9;
	v13 =	vadd.f32 v46, v45  }
0x26f: {  	v11 =	vadd.f32 v11, v44;
	v10 =	vmul.f32 v57, v10;
	v61 =	vmul.f32 v27, v58  }
0x270: {  	v62 =	vadd.f32 v19, v18;
	v63 =	vadd.f32 v60, v59  }
0x271: {  	v11 =	vadd.f32 v13, v11;
	v10 =	vmul.f32 v10, v57;
	v12 =	vmul.f32 v61, v12  }
0x272: {  	v9 =	vadd.f32 v62, v9  }
0x273: {  	v11 =	vadd.f32 v63, v11;
	v10 =	vsub.f32 $1.500000000e+00, v10;
	v12 =	vmul.f32 v12, v61;
	_ =	sdelay $0x1  }
0x274: {  	s0 =	sshll.u32 s28, $0x4;
	s28 =	sadd.s32 $0x1, s28;
	v9 =	vadd.f32 v11, v9;
	v10 =	vmul.f32 v10, v57;
	v11 =	vsub.f32 $1.500000000e+00, v12  }
0x275: {  	p0 =	sne.s32 s28, $0x8  }
.Ltmp7:
0x276: {  	v9 =	vmul.f32 v10, v9;
	v10 =	vmul.f32 v11, v61;
	(pc) =	sbr.rel @p0 .LBB2_14-.Ltmp7, $4  }
0x277: {  	_ = 	snop  }
0x278: {  	v9 =	vmul.f32 v10, v9  }
0x279: {  	s0 =	sand.u32 $0x3FFFFFF0, s0  }
0x27a: {  	s22 =	sadd.s32 $0x800, s22;
	s26 =	sadd.s32 $0x800, s26;
	[tilespmem:s0+$0x18980] =	vst v9  }
0x27b: {  	s20 =	sadd.s32 $0x1, s20  }
0x27c: {  	p0 =	sne.s32 s20, s9  }
.Ltmp8:
0x27d: {  	s0 =	simm.s32 $0x18800;
	(pc) =	sbr.rel @p0 .LBB2_1-.Ltmp8, $4  }
0x27e: {  	[hbm4b:s8+s5] =	stream.linear.scatter [tilespmem:s0], [sflag:$0x7], $0x200, $0x38;
	[tilespmem:$0x18A00] =	vst v63  }
0x27f: {  	_ =	swait.ge [sflag:s12], $0x200  }
0x280: {  	[sflag:s12] =	ssyncset.done $0x0  }
0x281: {  	[sflag:s12] =	ssyncadd.s32 $0xFFFFFE00  }
0x282: {  	_ =	sfence.sel $0x180000  }
0x283: {  	[bflag:$0x0] =	sbarrier.arrive $0xFFFF  }
0x284: {  	_ =	strace $0x90000047  }
0x285: {  	s0 =	stileid.u32;
	[bflag:$0x2] =	sbarrier.arrive $0xFFFF  }
0x286: {  	p0 =	sne.s32 s0, $0x0;
	s0 =	rddreg [dreg:$0x5]  }
0x287: {  	s0 =	sadd.s32 @!p0 $0x100000, s0  }
0x288: {  	[sflag:s0] =	ssyncadd.tile.s32 @!p0 $0x1;
	_ =	shalt  }
.Lfunc_end2:
_tile_overlayer_lowered:
.L_overlay_start_2:
0x289: {  	(tag) =	ssettag $0x2  }
0x28a: {  	s0 =	rddreg [dreg:$0x0];
	s2 =	stileid.u32  }
0x28b: {  	s1 =	rddreg [dreg:$0x1];
	p0 =	sne.s32 s2, $0x0  }
0x28c: {  	s3 =	rddreg [dreg:$0x2];
	[bflag:$0x3] =	sbarrier.arrive $0xFFFF;
	s2 =	simm.s32 @!p0 $0x1C07  }
0x28d: {  	[timem:s3], [sflag:s2] =	dma.local @!p0 [hbm:s0], s1  }
0x28e: {  	s0 =	simm.s32 @!p0 $0x7  }
0x28f: {  	_ =	swait.ge @!p0 [sflag:s0], s1  }
0x290: {  	s1 =	ssub.s32 @!p0 $0x0, s1;
	[sflag:s0] =	ssyncset.done @!p0 $0x0  }
0x291: {  	[sflag:s0] =	ssyncadd.s32 @!p0 s1  }
0x292: {  	[bflag:$0x3] =	sbarrier.arrive $0xFFFF  }
0x293: {  	_ =	shalt  }

</sc_bundles>
